<compile_context>
chip_gen: v7x
topology: tpu7x:2x2x1
jax: 0.10.2.dev20260603
libtpu: 0.0.44.dev20260713+nightly
codegen_flags: <defaults>
</compile_context>

<pallas_src>
import functools

import jax
import jax.numpy as jnp
from jax import lax
from jax.experimental import pallas as pl
from jax.experimental.pallas import tpu as pltpu
from jax.experimental.pallas import tpu_sc as plsc

H_TGT = 680
W_TGT = 680
NSUB = 16
TILE_PTS = 4608
ROW_STRIDE = 768
NBINS_PAD = H_TGT * ROW_STRIDE
STRIPE = NBINS_PAD // NSUB
NCH_OUT = 6


def _idx_body(n_blk, n_valid, n_grid, uv_ref, s_ref, o_ref):
    j = pl.program_id(0)
    ws = s_ref[0, 0]
    hs = s_ref[1, 0]
    u = uv_ref[0]
    v = uv_ref[1]
    ui = jnp.clip(jnp.round(u * ws).astype(jnp.int32), 0, W_TGT - 1)
    vi = jnp.clip(jnp.round(v * hs).astype(jnp.int32), 0, H_TGT - 1)
    flat = vi * ROW_STRIDE + ui

    @pl.when(j < n_grid - 1)
    def _():
        o_ref[...] = flat

    @pl.when(j == n_grid - 1)
    def _():
        pos = (j * n_blk
               + lax.broadcasted_iota(jnp.int32, flat.shape, 0) * 128
               + lax.broadcasted_iota(jnp.int32, flat.shape, 1))
        trash = (pos & 255) * ROW_STRIDE + W_TGT
        o_ref[...] = jnp.where(pos < n_valid, flat, trash)


def _sc_histogram(feats, idx, zeros_seg, ones_tile, n_tiles):
    pts_per_sub = n_tiles * TILE_PTS
    n_pad = NSUB * pts_per_sub
    half = n_tiles // 2
    mesh = plsc.VectorSubcoreMesh(core_axis_name="c", subcore_axis_name="s")

    vmem_f = pltpu.VMEM((TILE_PTS,), jnp.float32)
    vmem_i = pltpu.VMEM((TILE_PTS,), jnp.int32)

    @functools.partial(
        pl.kernel,
        out_type=jax.ShapeDtypeStruct((NCH_OUT * NBINS_PAD,), jnp.float32),
        mesh=mesh,
        compiler_params=pltpu.CompilerParams(needs_layout_passes=False),
        scratch_types=[
            vmem_f, vmem_f, vmem_i,
            vmem_f, vmem_f, vmem_i,
            vmem_f,
            pltpu.VMEM_SHARED((NBINS_PAD,), jnp.float32),
            pltpu.VMEM_SHARED((NBINS_PAD,), jnp.float32),
            pltpu.VMEM_SHARED((NBINS_PAD,), jnp.float32),
            pltpu.SemaphoreType.DMA,
            pltpu.SemaphoreType.DMA,
            pltpu.SemaphoreType.DMA,
            pltpu.SemaphoreType.DMA,
            pltpu.SemaphoreType.DMA,
            pltpu.SemaphoreType.DMA,
            pltpu.SemaphoreType.DMA,
            pltpu.SemaphoreType.DMA,
            pltpu.SemaphoreType.DMA,
            pltpu.SemaphoreType.DMA,
            pltpu.SemaphoreType.DMA,
            pltpu.SemaphoreType.DMA,
        ],
    )
    def hist_kernel(feats_hbm, idx_hbm, zeros_hbm, ones_hbm, out_hbm,
                    f0_0, f1_0, idx_0,
                    f0_1, f1_1, idx_1,
                    ones_v, hist_a, hist_b, hist_c,
                    sa_0, sb_0, sc_0, sa_1, sb_1, sc_1,
                    ta_0, tb_0, tc_0, ta_1, tb_1, tc_1):
        c = lax.axis_index("c")
        s = lax.axis_index("s")
        f0s, f1s, idxs = [f0_0, f0_1], [f1_0, f1_1], [idx_0, idx_1]
        sas, sbs, scs = [sa_0, sa_1], [sb_0, sb_1], [sc_0, sc_1]
        tas, tbs, tcs = [ta_0, ta_1], [tb_0, tb_1], [tc_0, tc_1]

        stripe = pl.ds(s * STRIPE, STRIPE)
        ch_f0 = 2 * c
        ch_f1 = 2 * c + 1

        pending = {}

        pending_stage = {}

        def stage(t):
            b = t % 2
            base = s * pts_per_sub + t * TILE_PTS
            pending_stage[b] = [
                pltpu.async_copy(idx_hbm.at[pl.ds(base, TILE_PTS)],
                                 idxs[b], tas[b]),
                pltpu.async_copy(feats_hbm.at[pl.ds(ch_f0 * n_pad + base,
                                                    TILE_PTS)],
                                 f0s[b], tbs[b]),
                pltpu.async_copy(feats_hbm.at[pl.ds(ch_f1 * n_pad + base,
                                                    TILE_PTS)],
                                 f1s[b], tcs[b]),
            ]

        def wait_stage(b):
            for d in pending_stage.pop(b, []):
                d.wait()

        def fire(t):
            b = t % 2
            descs = []
            count_core = "c0" if t < half else "c1"

            @pl.when(c == (0 if t < half else 1))
            def _():
                descs.append((count_core, pltpu.async_copy(
                    ones_v, hist_a.at[idxs[b]], sas[b], add=True)))

            descs.append((None, pltpu.async_copy(
                f0s[b], hist_b.at[idxs[b]], sbs[b], add=True)))
            descs.append((None, pltpu.async_copy(
                f1s[b], hist_c.at[idxs[b]], scs[b], add=True)))
            pending[b] = descs

        def drain(b):
            for cond, d in pending.get(b, []):
                if cond is None:
                    d.wait()
                elif cond == "c0":
                    @pl.when(c == 0)
                    def _():
                        d.wait()
                else:
                    @pl.when(c == 1)
                    def _():
                        d.wait()
            pending[b] = []

        stage(0)
        pltpu.sync_copy(zeros_hbm, hist_a.at[stripe])
        pltpu.sync_copy(zeros_hbm, hist_b.at[stripe])
        pltpu.sync_copy(zeros_hbm, hist_c.at[stripe])
        pltpu.sync_copy(ones_hbm, ones_v)
        plsc.subcore_barrier()

        for t in range(n_tiles):
            if t + 1 < n_tiles:
                drain((t + 1) % 2)
                stage(t + 1)
            wait_stage(t % 2)
            fire(t)
        drain(0)
        drain(1)

        plsc.subcore_barrier()

        @pl.when(c == 0)
        def _():
            pltpu.sync_copy(hist_a.at[stripe],
                            out_hbm.at[pl.ds(s * STRIPE, STRIPE)])
            pltpu.sync_copy(hist_b.at[stripe],
                            out_hbm.at[pl.ds(NBINS_PAD + s * STRIPE, STRIPE)])
            pltpu.sync_copy(hist_c.at[stripe],
                            out_hbm.at[pl.ds(2 * NBINS_PAD + s * STRIPE,
                                             STRIPE)])

        @pl.when(c == 1)
        def _():
            pltpu.sync_copy(hist_b.at[stripe],
                            out_hbm.at[pl.ds(3 * NBINS_PAD + s * STRIPE,
                                             STRIPE)])
            pltpu.sync_copy(hist_c.at[stripe],
                            out_hbm.at[pl.ds(4 * NBINS_PAD + s * STRIPE,
                                             STRIPE)])
            pltpu.sync_copy(hist_a.at[stripe],
                            out_hbm.at[pl.ds(5 * NBINS_PAD + s * STRIPE,
                                             STRIPE)])

    return hist_kernel(feats, idx, zeros_seg, ones_tile)


def _finalize_body(blk, h_ref, o_ref):
    def ch(k):
        return h_ref[k].reshape(blk, ROW_STRIDE)[:, :W_TGT]

    cts = ch(0) + ch(5)
    zero = cts == 0.0
    inv = jnp.where(zero, 0.0, 1.0 / jnp.where(zero, 1.0, cts))
    o_ref[0] = ch(1) * inv
    o_ref[1] = ch(2) * inv
    o_ref[2] = ch(3) * inv
    o_ref[3] = ch(4) * inv


def kernel(radar_points, original_image_size):
    n = radar_points.shape[0]
    n_tiles = -(-n // (NSUB * TILE_PTS))
    n_pad = NSUB * n_tiles * TILE_PTS

    h_orig = original_image_size[0].astype(jnp.float32)
    w_orig = original_image_size[1].astype(jnp.float32)
    w_scale = W_TGT / w_orig
    h_scale = H_TGT / h_orig

    rpp = jnp.pad(radar_points, ((0, n_pad - n), (0, 0)))
    uv = rpp[:, :2].T
    feats = rpp[:, 2:].T.reshape(-1)
    scales = jnp.stack([w_scale, h_scale]).reshape(2, 1)

    n_grid = 8
    n_blk = n_pad // n_grid
    blk_rows = n_blk // 128
    idx = pl.pallas_call(
        functools.partial(_idx_body, n_blk, n, n_grid),
        grid=(n_grid,),
        in_specs=[pl.BlockSpec((2, blk_rows, 128), lambda j: (0, j, 0)),
                  pl.BlockSpec((2, 1), lambda j: (0, 0))],
        out_specs=pl.BlockSpec((blk_rows, 128), lambda j: (j, 0)),
        out_shape=jax.ShapeDtypeStruct((n_pad // 128, 128), jnp.int32),
    )(uv.reshape(2, n_pad // 128, 128), scales).reshape(n_pad)

    zeros_seg = jnp.zeros((STRIPE,), jnp.float32)
    ones_tile = jnp.ones((TILE_PTS,), jnp.float32)

    hists = _sc_histogram(feats, idx, zeros_seg, ones_tile, n_tiles)

    blk = 136
    flat_rows = NBINS_PAD // 128
    return pl.pallas_call(
        functools.partial(_finalize_body, blk),
        grid=(H_TGT // blk,),
        in_specs=[pl.BlockSpec((NCH_OUT, blk * ROW_STRIDE // 128, 128),
                               lambda i: (0, i, 0))],
        out_specs=pl.BlockSpec((4, blk, W_TGT), lambda i: (0, i, 0)),
        out_shape=jax.ShapeDtypeStruct((4, H_TGT, W_TGT), jnp.float32),
    )(hists.reshape(NCH_OUT, flat_rows, 128))

# --- scband reference (transcript-rebuilt; emitter-appended) ---
"""Pipeline reference for scband-revp-transform-70428873720100 (READ-ONLY COPY).

The authoritative reference and input builder live on the scoring server;
editing this copy changes nothing except your own understanding.
"""

import jax, jax.numpy as jnp
import numpy as np

H_T, W_T = 680, 680

def setup_inputs(seed: int = 0) -> dict:
    key = jax.random.key(seed)
    k1, k2, k3 = jax.random.split(key, 3)
    N = 1000000
    H_orig, W_orig = 1080, 1920
    u = jax.random.uniform(k1, (N,), minval=0.0, maxval=float(W_orig), dtype=jnp.float32)
    v = jax.random.uniform(k2, (N,), minval=0.0, maxval=float(H_orig), dtype=jnp.float32)
    feats = jax.random.normal(k3, (N, 4), dtype=jnp.float32)
    radar_points = jnp.concatenate([u[:, None], v[:, None], feats], axis=1).astype(jnp.float32)
    original_image_size = jnp.array([H_orig, W_orig], dtype=jnp.int32)
    return {"radar_points": radar_points, "original_image_size": original_image_size}

def reference(radar_points, original_image_size):
    H_t, W_t = H_T, W_T
    H_orig = original_image_size[0].astype(jnp.float32)
    W_orig = original_image_size[1].astype(jnp.float32)
    u = radar_points[:, 0]
    v = radar_points[:, 1]
    rng = radar_points[:, 2]
    elev = radar_points[:, 3]
    vel = radar_points[:, 4]
    power = radar_points[:, 5]
    w_scale = W_t / W_orig
    h_scale = H_t / H_orig
    u_idx = jnp.clip(jnp.round(u * w_scale).astype(jnp.int32), 0, W_t - 1)
    v_idx = jnp.clip(jnp.round(v * h_scale).astype(jnp.int32), 0, H_t - 1)
    flat_idx = v_idx * W_t + u_idx
    nbins = H_t * W_t
    counts = jnp.bincount(flat_idx, length=nbins).astype(jnp.float32)
    zeros = jnp.zeros((nbins,), dtype=jnp.float32)
    sum_range = zeros.at[flat_idx].add(rng)
    sum_elev = zeros.at[flat_idx].add(elev)
    sum_vel = zeros.at[flat_idx].add(vel)
    sum_power = zeros.at[flat_idx].add(power)
    counts_safe = jnp.where(counts == 0, 1.0, counts)
    mean_range = (sum_range / counts_safe).reshape(H_t, W_t)
    mean_elev = (sum_elev / counts_safe).reshape(H_t, W_t)
    mean_vel = (sum_vel / counts_safe).reshape(H_t, W_t)
    mean_power = (sum_power / counts_safe).reshape(H_t, W_t)
    counts_map = counts.reshape(H_t, W_t)
    zero_mask = counts_map == 0
    mean_range = jnp.where(zero_mask, 0.0, mean_range)
    mean_elev = jnp.where(zero_mask, 0.0, mean_elev)
    mean_vel = jnp.where(zero_mask, 0.0, mean_vel)
    mean_power = jnp.where(zero_mask, 0.0, mean_power)
    img = jnp.stack([mean_range, mean_elev, mean_vel, mean_power], axis=0).astype(jnp.float32)
    return img

if __name__ == "__main__":
    import jax
    _d = setup_inputs()
    print(jax.jit(kernel)(*tuple(_d.values())))

</pallas_src>

<mosaic_0001>
#map = affine_map<(d0, d1) -> (0)>
module attributes {stable_mosaic.version = 14 : i64} {
  func.func @hist_kernel(%arg0: i32, %arg1: i32, %arg2: memref<4128768xf32, #tpu.memory_space<hbm>>, %arg3: memref<1032192xi32, #tpu.memory_space<hbm>>, %arg4: memref<32640xf32, #tpu.memory_space<hbm>>, %arg5: memref<4608xf32, #tpu.memory_space<hbm>>, %arg6: memref<3133440xf32, #tpu.memory_space<hbm>>, %arg7: memref<4608xf32, #tpu.memory_space<vmem>>, %arg8: memref<4608xf32, #tpu.memory_space<vmem>>, %arg9: memref<4608xi32, #tpu.memory_space<vmem>>, %arg10: memref<4608xf32, #tpu.memory_space<vmem>>, %arg11: memref<4608xf32, #tpu.memory_space<vmem>>, %arg12: memref<4608xi32, #tpu.memory_space<vmem>>, %arg13: memref<4608xf32, #tpu.memory_space<vmem>>, %arg14: memref<522240xf32, #tpu.memory_space<vmem_shared>>, %arg15: memref<522240xf32, #tpu.memory_space<vmem_shared>>, %arg16: memref<522240xf32, #tpu.memory_space<vmem_shared>>, %arg17: memref<!tpu.dma_semaphore, #tpu.memory_space<semaphore_mem>>, %arg18: memref<!tpu.dma_semaphore, #tpu.memory_space<semaphore_mem>>, %arg19: memref<!tpu.dma_semaphore, #tpu.memory_space<semaphore_mem>>, %arg20: memref<!tpu.dma_semaphore, #tpu.memory_space<semaphore_mem>>, %arg21: memref<!tpu.dma_semaphore, #tpu.memory_space<semaphore_mem>>, %arg22: memref<!tpu.dma_semaphore, #tpu.memory_space<semaphore_mem>>, %arg23: memref<!tpu.dma_semaphore, #tpu.memory_space<semaphore_mem>>, %arg24: memref<!tpu.dma_semaphore, #tpu.memory_space<semaphore_mem>>, %arg25: memref<!tpu.dma_semaphore, #tpu.memory_space<semaphore_mem>>, %arg26: memref<!tpu.dma_semaphore, #tpu.memory_space<semaphore_mem>>, %arg27: memref<!tpu.dma_semaphore, #tpu.memory_space<semaphore_mem>>, %arg28: memref<!tpu.dma_semaphore, #tpu.memory_space<semaphore_mem>>) attributes {dimension_semantics = [#tpu.dimension_semantics<core_parallel>, #tpu.dimension_semantics<subcore_parallel>], iteration_bounds = array<i64: 2, 16>, scalar_prefetch = 0 : i64, scratch_operands = 22 : i64, tpu.core_type = #tpu.core_type<sc_vector_subcore>, window_params = [{transform_indices = #map}, {transform_indices = #map}, {transform_indices = #map}, {transform_indices = #map}, {transform_indices = #map}]} {
    %mul3A = arith.constant 32640 : i32
    %mul3A_0 = arith.muli %arg1, %mul3A : i32
    %mul3A_1 = arith.constant 2 : i32
    %mul3A_2 = arith.muli %mul3A_1, %arg0 : i32
    %mul3A_3 = arith.constant 2 : i32
    %mul3A_4 = arith.muli %mul3A_3, %arg0 : i32
    %add3A = arith.constant 1 : i32
    %add3A_5 = arith.addi %mul3A_4, %add3A : i32
    %mul3A_6 = arith.constant 64512 : i32
    %mul3A_7 = arith.muli %arg1, %mul3A_6 : i32
    %add3A_8 = arith.constant 0 : i32
    %add3A_9 = arith.addi %mul3A_7, %add3A_8 : i32
    %dma_start3A = tpu.memref_slice %arg3[%add3A_9] : memref<1032192xi32, #tpu.memory_space<hbm>> -> memref<4608xi32, #tpu.memory_space<hbm>>
    %dma_start3A_10 = tpu.memref_slice %arg3[%add3A_9] : memref<1032192xi32, #tpu.memory_space<hbm>> -> memref<4608xi32, #tpu.memory_space<hbm>>
    tpu.enqueue_dma source(%dma_start3A_10 : memref<4608xi32, #tpu.memory_space<hbm>>) target(%arg9 : memref<4608xi32, #tpu.memory_space<vmem>>) target_semaphore(%arg23 : memref<!tpu.dma_semaphore, #tpu.memory_space<semaphore_mem>>)
    %mul3A_11 = arith.constant 1032192 : i32
    %mul3A_12 = arith.muli %mul3A_2, %mul3A_11 : i32
    %add3A_13 = arith.addi %mul3A_12, %add3A_9 : i32
    %dma_start3A_14 = tpu.memref_slice %arg2[%add3A_13] : memref<4128768xf32, #tpu.memory_space<hbm>> -> memref<4608xf32, #tpu.memory_space<hbm>>
    %dma_start3A_15 = tpu.memref_slice %arg2[%add3A_13] : memref<4128768xf32, #tpu.memory_space<hbm>> -> memref<4608xf32, #tpu.memory_space<hbm>>
    tpu.enqueue_dma source(%dma_start3A_15 : memref<4608xf32, #tpu.memory_space<hbm>>) target(%arg7 : memref<4608xf32, #tpu.memory_space<vmem>>) target_semaphore(%arg24 : memref<!tpu.dma_semaphore, #tpu.memory_space<semaphore_mem>>)
    %mul3A_16 = arith.constant 1032192 : i32
    %mul3A_17 = arith.muli %add3A_5, %mul3A_16 : i32
    %add3A_18 = arith.addi %mul3A_17, %add3A_9 : i32
    %dma_start3A_19 = tpu.memref_slice %arg2[%add3A_18] : memref<4128768xf32, #tpu.memory_space<hbm>> -> memref<4608xf32, #tpu.memory_space<hbm>>
    %dma_start3A_20 = tpu.memref_slice %arg2[%add3A_18] : memref<4128768xf32, #tpu.memory_space<hbm>> -> memref<4608xf32, #tpu.memory_space<hbm>>
    tpu.enqueue_dma source(%dma_start3A_20 : memref<4608xf32, #tpu.memory_space<hbm>>) target(%arg8 : memref<4608xf32, #tpu.memory_space<vmem>>) target_semaphore(%arg25 : memref<!tpu.dma_semaphore, #tpu.memory_space<semaphore_mem>>)
    "tpu.region"() ({
      %run_scoped3A = tpu.sem_alloc : memref<!tpu.dma_semaphore, #tpu.memory_space<semaphore_mem>>
      %dma_start3A_572 = tpu.memref_slice %arg14[%mul3A_0] : memref<522240xf32, #tpu.memory_space<vmem_shared>> -> memref<32640xf32, #tpu.memory_space<vmem_shared>>
      tpu.enqueue_dma source(%arg4 : memref<32640xf32, #tpu.memory_space<hbm>>) target(%dma_start3A_572 : memref<32640xf32, #tpu.memory_space<vmem_shared>>) target_semaphore(%run_scoped3A : memref<!tpu.dma_semaphore, #tpu.memory_space<semaphore_mem>>)
      %dma_wait3A_573 = tpu.memref_slice %arg14[%mul3A_0] : memref<522240xf32, #tpu.memory_space<vmem_shared>> -> memref<32640xf32, #tpu.memory_space<vmem_shared>>
      tpu.wait_dma2 semaphore(%run_scoped3A : memref<!tpu.dma_semaphore, #tpu.memory_space<semaphore_mem>>) src(%arg4 : memref<32640xf32, #tpu.memory_space<hbm>>) dst(%dma_wait3A_573 : memref<32640xf32, #tpu.memory_space<vmem_shared>>)
      tpu.yield
    }) : () -> ()
    "tpu.region"() ({
      %run_scoped3A = tpu.sem_alloc : memref<!tpu.dma_semaphore, #tpu.memory_space<semaphore_mem>>
      %dma_start3A_572 = tpu.memref_slice %arg15[%mul3A_0] : memref<522240xf32, #tpu.memory_space<vmem_shared>> -> memref<32640xf32, #tpu.memory_space<vmem_shared>>
      tpu.enqueue_dma source(%arg4 : memref<32640xf32, #tpu.memory_space<hbm>>) target(%dma_start3A_572 : memref<32640xf32, #tpu.memory_space<vmem_shared>>) target_semaphore(%run_scoped3A : memref<!tpu.dma_semaphore, #tpu.memory_space<semaphore_mem>>)
      %dma_wait3A_573 = tpu.memref_slice %arg15[%mul3A_0] : memref<522240xf32, #tpu.memory_space<vmem_shared>> -> memref<32640xf32, #tpu.memory_space<vmem_shared>>
      tpu.wait_dma2 semaphore(%run_scoped3A : memref<!tpu.dma_semaphore, #tpu.memory_space<semaphore_mem>>) src(%arg4 : memref<32640xf32, #tpu.memory_space<hbm>>) dst(%dma_wait3A_573 : memref<32640xf32, #tpu.memory_space<vmem_shared>>)
      tpu.yield
    }) : () -> ()
    "tpu.region"() ({
      %run_scoped3A = tpu.sem_alloc : memref<!tpu.dma_semaphore, #tpu.memory_space<semaphore_mem>>
      %dma_start3A_572 = tpu.memref_slice %arg16[%mul3A_0] : memref<522240xf32, #tpu.memory_space<vmem_shared>> -> memref<32640xf32, #tpu.memory_space<vmem_shared>>
      tpu.enqueue_dma source(%arg4 : memref<32640xf32, #tpu.memory_space<hbm>>) target(%dma_start3A_572 : memref<32640xf32, #tpu.memory_space<vmem_shared>>) target_semaphore(%run_scoped3A : memref<!tpu.dma_semaphore, #tpu.memory_space<semaphore_mem>>)
      %dma_wait3A_573 = tpu.memref_slice %arg16[%mul3A_0] : memref<522240xf32, #tpu.memory_space<vmem_shared>> -> memref<32640xf32, #tpu.memory_space<vmem_shared>>
      tpu.wait_dma2 semaphore(%run_scoped3A : memref<!tpu.dma_semaphore, #tpu.memory_space<semaphore_mem>>) src(%arg4 : memref<32640xf32, #tpu.memory_space<hbm>>) dst(%dma_wait3A_573 : memref<32640xf32, #tpu.memory_space<vmem_shared>>)
      tpu.yield
    }) : () -> ()
    "tpu.region"() ({
      %run_scoped3A = tpu.sem_alloc : memref<!tpu.dma_semaphore, #tpu.memory_space<semaphore_mem>>
      tpu.enqueue_dma source(%arg5 : memref<4608xf32, #tpu.memory_space<hbm>>) target(%arg13 : memref<4608xf32, #tpu.memory_space<vmem>>) target_semaphore(%run_scoped3A : memref<!tpu.dma_semaphore, #tpu.memory_space<semaphore_mem>>)
      tpu.wait_dma2 semaphore(%run_scoped3A : memref<!tpu.dma_semaphore, #tpu.memory_space<semaphore_mem>>) src(%arg5 : memref<4608xf32, #tpu.memory_space<hbm>>) dst(%arg13 : memref<4608xf32, #tpu.memory_space<vmem>>)
      tpu.yield
    }) : () -> ()
    %barrier3A = arith.constant 0 : index
    tpu.barrier barrier_id(%barrier3A)
    %mul3A_21 = arith.constant 64512 : i32
    %mul3A_22 = arith.muli %arg1, %mul3A_21 : i32
    %add3A_23 = arith.constant 4608 : i32
    %add3A_24 = arith.addi %mul3A_22, %add3A_23 : i32
    %dma_start3A_25 = tpu.memref_slice %arg3[%add3A_24] : memref<1032192xi32, #tpu.memory_space<hbm>> -> memref<4608xi32, #tpu.memory_space<hbm>>
    %dma_start3A_26 = tpu.memref_slice %arg3[%add3A_24] : memref<1032192xi32, #tpu.memory_space<hbm>> -> memref<4608xi32, #tpu.memory_space<hbm>>
    tpu.enqueue_dma source(%dma_start3A_26 : memref<4608xi32, #tpu.memory_space<hbm>>) target(%arg12 : memref<4608xi32, #tpu.memory_space<vmem>>) target_semaphore(%arg26 : memref<!tpu.dma_semaphore, #tpu.memory_space<semaphore_mem>>)
    %mul3A_27 = arith.constant 1032192 : i32
    %mul3A_28 = arith.muli %mul3A_2, %mul3A_27 : i32
    %add3A_29 = arith.addi %mul3A_28, %add3A_24 : i32
    %dma_start3A_30 = tpu.memref_slice %arg2[%add3A_29] : memref<4128768xf32, #tpu.memory_space<hbm>> -> memref<4608xf32, #tpu.memory_space<hbm>>
    %dma_start3A_31 = tpu.memref_slice %arg2[%add3A_29] : memref<4128768xf32, #tpu.memory_space<hbm>> -> memref<4608xf32, #tpu.memory_space<hbm>>
    tpu.enqueue_dma source(%dma_start3A_31 : memref<4608xf32, #tpu.memory_space<hbm>>) target(%arg10 : memref<4608xf32, #tpu.memory_space<vmem>>) target_semaphore(%arg27 : memref<!tpu.dma_semaphore, #tpu.memory_space<semaphore_mem>>)
    %mul3A_32 = arith.constant 1032192 : i32
    %mul3A_33 = arith.muli %add3A_5, %mul3A_32 : i32
    %add3A_34 = arith.addi %mul3A_33, %add3A_24 : i32
    %dma_start3A_35 = tpu.memref_slice %arg2[%add3A_34] : memref<4128768xf32, #tpu.memory_space<hbm>> -> memref<4608xf32, #tpu.memory_space<hbm>>
    %dma_start3A_36 = tpu.memref_slice %arg2[%add3A_34] : memref<4128768xf32, #tpu.memory_space<hbm>> -> memref<4608xf32, #tpu.memory_space<hbm>>
    tpu.enqueue_dma source(%dma_start3A_36 : memref<4608xf32, #tpu.memory_space<hbm>>) target(%arg11 : memref<4608xf32, #tpu.memory_space<vmem>>) target_semaphore(%arg28 : memref<!tpu.dma_semaphore, #tpu.memory_space<semaphore_mem>>)
    %dma_wait3A = tpu.memref_slice %arg3[%add3A_9] : memref<1032192xi32, #tpu.memory_space<hbm>> -> memref<4608xi32, #tpu.memory_space<hbm>>
    %dma_wait3A_37 = tpu.memref_slice %arg3[%add3A_9] : memref<1032192xi32, #tpu.memory_space<hbm>> -> memref<4608xi32, #tpu.memory_space<hbm>>
    tpu.wait_dma2 semaphore(%arg23 : memref<!tpu.dma_semaphore, #tpu.memory_space<semaphore_mem>>) src(%dma_wait3A_37 : memref<4608xi32, #tpu.memory_space<hbm>>) dst(%arg9 : memref<4608xi32, #tpu.memory_space<vmem>>)
    %dma_wait3A_38 = tpu.memref_slice %arg2[%add3A_13] : memref<4128768xf32, #tpu.memory_space<hbm>> -> memref<4608xf32, #tpu.memory_space<hbm>>
    %dma_wait3A_39 = tpu.memref_slice %arg2[%add3A_13] : memref<4128768xf32, #tpu.memory_space<hbm>> -> memref<4608xf32, #tpu.memory_space<hbm>>
    tpu.wait_dma2 semaphore(%arg24 : memref<!tpu.dma_semaphore, #tpu.memory_space<semaphore_mem>>) src(%dma_wait3A_39 : memref<4608xf32, #tpu.memory_space<hbm>>) dst(%arg7 : memref<4608xf32, #tpu.memory_space<vmem>>)
    %dma_wait3A_40 = tpu.memref_slice %arg2[%add3A_18] : memref<4128768xf32, #tpu.memory_space<hbm>> -> memref<4608xf32, #tpu.memory_space<hbm>>
    %dma_wait3A_41 = tpu.memref_slice %arg2[%add3A_18] : memref<4128768xf32, #tpu.memory_space<hbm>> -> memref<4608xf32, #tpu.memory_space<hbm>>
    tpu.wait_dma2 semaphore(%arg25 : memref<!tpu.dma_semaphore, #tpu.memory_space<semaphore_mem>>) src(%dma_wait3A_41 : memref<4608xf32, #tpu.memory_space<hbm>>) dst(%arg8 : memref<4608xf32, #tpu.memory_space<vmem>>)
    %eq3A = arith.constant 0 : i32
    %eq3A_42 = arith.cmpi eq, %arg0, %eq3A : i32
    %convert_element_type3A = arith.extui %eq3A_42 : i1 to i32
    %cond3A = arith.constant 0 : i32
    %cond3A_43 = arith.cmpi ne, %convert_element_type3A, %cond3A : i32
    scf.if %cond3A_43 {
      %dma_start3A_572 = arith.constant 0 : i32
      %dma_start3A_573 = tpu.memref_slice %arg14[%dma_start3A_572] : memref<522240xf32, #tpu.memory_space<vmem_shared>> -> memref<522240xf32, #tpu.memory_space<vmem_shared>>
      tpu.enqueue_indirect_dma source(%arg13 : memref<4608xf32, #tpu.memory_space<vmem>>) target(%dma_start3A_573 : memref<522240xf32, #tpu.memory_space<vmem_shared>>) offsets(%arg9 : memref<4608xi32, #tpu.memory_space<vmem>>) semaphore(%arg17 : memref<!tpu.dma_semaphore, #tpu.memory_space<semaphore_mem>>) {add = true}
    } else {
    }
    %dma_start3A_44 = arith.constant 0 : i32
    %dma_start3A_45 = tpu.memref_slice %arg15[%dma_start3A_44] : memref<522240xf32, #tpu.memory_space<vmem_shared>> -> memref<522240xf32, #tpu.memory_space<vmem_shared>>
    tpu.enqueue_indirect_dma source(%arg7 : memref<4608xf32, #tpu.memory_space<vmem>>) target(%dma_start3A_45 : memref<522240xf32, #tpu.memory_space<vmem_shared>>) offsets(%arg9 : memref<4608xi32, #tpu.memory_space<vmem>>) semaphore(%arg18 : memref<!tpu.dma_semaphore, #tpu.memory_space<semaphore_mem>>) {add = true}
    %dma_start3A_46 = arith.constant 0 : i32
    %dma_start3A_47 = tpu.memref_slice %arg16[%dma_start3A_46] : memref<522240xf32, #tpu.memory_space<vmem_shared>> -> memref<522240xf32, #tpu.memory_space<vmem_shared>>
    tpu.enqueue_indirect_dma source(%arg8 : memref<4608xf32, #tpu.memory_space<vmem>>) target(%dma_start3A_47 : memref<522240xf32, #tpu.memory_space<vmem_shared>>) offsets(%arg9 : memref<4608xi32, #tpu.memory_space<vmem>>) semaphore(%arg19 : memref<!tpu.dma_semaphore, #tpu.memory_space<semaphore_mem>>) {add = true}
    %eq3A_48 = arith.constant 0 : i32
    %eq3A_49 = arith.cmpi eq, %arg0, %eq3A_48 : i32
    %convert_element_type3A_50 = arith.extui %eq3A_49 : i1 to i32
    %cond3A_51 = arith.constant 0 : i32
    %cond3A_52 = arith.cmpi ne, %convert_element_type3A_50, %cond3A_51 : i32
    scf.if %cond3A_52 {
      %dma_wait3A_572 = arith.constant 0 : i32
      %dma_wait3A_573 = tpu.memref_slice %arg14[%dma_wait3A_572] : memref<522240xf32, #tpu.memory_space<vmem_shared>> -> memref<522240xf32, #tpu.memory_space<vmem_shared>>
      tpu.wait_indirect_dma semaphore(%arg17 : memref<!tpu.dma_semaphore, #tpu.memory_space<semaphore_mem>>) src(%arg13 : memref<4608xf32, #tpu.memory_space<vmem>>) dst(%dma_wait3A_573 : memref<522240xf32, #tpu.memory_space<vmem_shared>>)
    } else {
    }
    %dma_wait3A_53 = arith.constant 0 : i32
    %dma_wait3A_54 = tpu.memref_slice %arg15[%dma_wait3A_53] : memref<522240xf32, #tpu.memory_space<vmem_shared>> -> memref<522240xf32, #tpu.memory_space<vmem_shared>>
    tpu.wait_indirect_dma semaphore(%arg18 : memref<!tpu.dma_semaphore, #tpu.memory_space<semaphore_mem>>) src(%arg7 : memref<4608xf32, #tpu.memory_space<vmem>>) dst(%dma_wait3A_54 : memref<522240xf32, #tpu.memory_space<vmem_shared>>)
    %dma_wait3A_55 = arith.constant 0 : i32
    %dma_wait3A_56 = tpu.memref_slice %arg16[%dma_wait3A_55] : memref<522240xf32, #tpu.memory_space<vmem_shared>> -> memref<522240xf32, #tpu.memory_space<vmem_shared>>
    tpu.wait_indirect_dma semaphore(%arg19 : memref<!tpu.dma_semaphore, #tpu.memory_space<semaphore_mem>>) src(%arg8 : memref<4608xf32, #tpu.memory_space<vmem>>) dst(%dma_wait3A_56 : memref<522240xf32, #tpu.memory_space<vmem_shared>>)
    %mul3A_57 = arith.constant 64512 : i32
    %mul3A_58 = arith.muli %arg1, %mul3A_57 : i32
    %add3A_59 = arith.constant 9216 : i32
    %add3A_60 = arith.addi %mul3A_58, %add3A_59 : i32
    %dma_start3A_61 = tpu.memref_slice %arg3[%add3A_60] : memref<1032192xi32, #tpu.memory_space<hbm>> -> memref<4608xi32, #tpu.memory_space<hbm>>
    %dma_start3A_62 = tpu.memref_slice %arg3[%add3A_60] : memref<1032192xi32, #tpu.memory_space<hbm>> -> memref<4608xi32, #tpu.memory_space<hbm>>
    tpu.enqueue_dma source(%dma_start3A_62 : memref<4608xi32, #tpu.memory_space<hbm>>) target(%arg9 : memref<4608xi32, #tpu.memory_space<vmem>>) target_semaphore(%arg23 : memref<!tpu.dma_semaphore, #tpu.memory_space<semaphore_mem>>)
    %mul3A_63 = arith.constant 1032192 : i32
    %mul3A_64 = arith.muli %mul3A_2, %mul3A_63 : i32
    %add3A_65 = arith.addi %mul3A_64, %add3A_60 : i32
    %dma_start3A_66 = tpu.memref_slice %arg2[%add3A_65] : memref<4128768xf32, #tpu.memory_space<hbm>> -> memref<4608xf32, #tpu.memory_space<hbm>>
    %dma_start3A_67 = tpu.memref_slice %arg2[%add3A_65] : memref<4128768xf32, #tpu.memory_space<hbm>> -> memref<4608xf32, #tpu.memory_space<hbm>>
    tpu.enqueue_dma source(%dma_start3A_67 : memref<4608xf32, #tpu.memory_space<hbm>>) target(%arg7 : memref<4608xf32, #tpu.memory_space<vmem>>) target_semaphore(%arg24 : memref<!tpu.dma_semaphore, #tpu.memory_space<semaphore_mem>>)
    %mul3A_68 = arith.constant 1032192 : i32
    %mul3A_69 = arith.muli %add3A_5, %mul3A_68 : i32
    %add3A_70 = arith.addi %mul3A_69, %add3A_60 : i32
    %dma_start3A_71 = tpu.memref_slice %arg2[%add3A_70] : memref<4128768xf32, #tpu.memory_space<hbm>> -> memref<4608xf32, #tpu.memory_space<hbm>>
    %dma_start3A_72 = tpu.memref_slice %arg2[%add3A_70] : memref<4128768xf32, #tpu.memory_space<hbm>> -> memref<4608xf32, #tpu.memory_space<hbm>>
    tpu.enqueue_dma source(%dma_start3A_72 : memref<4608xf32, #tpu.memory_space<hbm>>) target(%arg8 : memref<4608xf32, #tpu.memory_space<vmem>>) target_semaphore(%arg25 : memref<!tpu.dma_semaphore, #tpu.memory_space<semaphore_mem>>)
    %dma_wait3A_73 = tpu.memref_slice %arg3[%add3A_24] : memref<1032192xi32, #tpu.memory_space<hbm>> -> memref<4608xi32, #tpu.memory_space<hbm>>
    %dma_wait3A_74 = tpu.memref_slice %arg3[%add3A_24] : memref<1032192xi32, #tpu.memory_space<hbm>> -> memref<4608xi32, #tpu.memory_space<hbm>>
    tpu.wait_dma2 semaphore(%arg26 : memref<!tpu.dma_semaphore, #tpu.memory_space<semaphore_mem>>) src(%dma_wait3A_74 : memref<4608xi32, #tpu.memory_space<hbm>>) dst(%arg12 : memref<4608xi32, #tpu.memory_space<vmem>>)
    %dma_wait3A_75 = tpu.memref_slice %arg2[%add3A_29] : memref<4128768xf32, #tpu.memory_space<hbm>> -> memref<4608xf32, #tpu.memory_space<hbm>>
    %dma_wait3A_76 = tpu.memref_slice %arg2[%add3A_29] : memref<4128768xf32, #tpu.memory_space<hbm>> -> memref<4608xf32, #tpu.memory_space<hbm>>
    tpu.wait_dma2 semaphore(%arg27 : memref<!tpu.dma_semaphore, #tpu.memory_space<semaphore_mem>>) src(%dma_wait3A_76 : memref<4608xf32, #tpu.memory_space<hbm>>) dst(%arg10 : memref<4608xf32, #tpu.memory_space<vmem>>)
    %dma_wait3A_77 = tpu.memref_slice %arg2[%add3A_34] : memref<4128768xf32, #tpu.memory_space<hbm>> -> memref<4608xf32, #tpu.memory_space<hbm>>
    %dma_wait3A_78 = tpu.memref_slice %arg2[%add3A_34] : memref<4128768xf32, #tpu.memory_space<hbm>> -> memref<4608xf32, #tpu.memory_space<hbm>>
    tpu.wait_dma2 semaphore(%arg28 : memref<!tpu.dma_semaphore, #tpu.memory_space<semaphore_mem>>) src(%dma_wait3A_78 : memref<4608xf32, #tpu.memory_space<hbm>>) dst(%arg11 : memref<4608xf32, #tpu.memory_space<vmem>>)
    %eq3A_79 = arith.constant 0 : i32
    %eq3A_80 = arith.cmpi eq, %arg0, %eq3A_79 : i32
    %convert_element_type3A_81 = arith.extui %eq3A_80 : i1 to i32
    %cond3A_82 = arith.constant 0 : i32
    %cond3A_83 = arith.cmpi ne, %convert_element_type3A_81, %cond3A_82 : i32
    scf.if %cond3A_83 {
      %dma_start3A_572 = arith.constant 0 : i32
      %dma_start3A_573 = tpu.memref_slice %arg14[%dma_start3A_572] : memref<522240xf32, #tpu.memory_space<vmem_shared>> -> memref<522240xf32, #tpu.memory_space<vmem_shared>>
      tpu.enqueue_indirect_dma source(%arg13 : memref<4608xf32, #tpu.memory_space<vmem>>) target(%dma_start3A_573 : memref<522240xf32, #tpu.memory_space<vmem_shared>>) offsets(%arg12 : memref<4608xi32, #tpu.memory_space<vmem>>) semaphore(%arg20 : memref<!tpu.dma_semaphore, #tpu.memory_space<semaphore_mem>>) {add = true}
    } else {
    }
    %dma_start3A_84 = arith.constant 0 : i32
    %dma_start3A_85 = tpu.memref_slice %arg15[%dma_start3A_84] : memref<522240xf32, #tpu.memory_space<vmem_shared>> -> memref<522240xf32, #tpu.memory_space<vmem_shared>>
    tpu.enqueue_indirect_dma source(%arg10 : memref<4608xf32, #tpu.memory_space<vmem>>) target(%dma_start3A_85 : memref<522240xf32, #tpu.memory_space<vmem_shared>>) offsets(%arg12 : memref<4608xi32, #tpu.memory_space<vmem>>) semaphore(%arg21 : memref<!tpu.dma_semaphore, #tpu.memory_space<semaphore_mem>>) {add = true}
    %dma_start3A_86 = arith.constant 0 : i32
    %dma_start3A_87 = tpu.memref_slice %arg16[%dma_start3A_86] : memref<522240xf32, #tpu.memory_space<vmem_shared>> -> memref<522240xf32, #tpu.memory_space<vmem_shared>>
    tpu.enqueue_indirect_dma source(%arg11 : memref<4608xf32, #tpu.memory_space<vmem>>) target(%dma_start3A_87 : memref<522240xf32, #tpu.memory_space<vmem_shared>>) offsets(%arg12 : memref<4608xi32, #tpu.memory_space<vmem>>) semaphore(%arg22 : memref<!tpu.dma_semaphore, #tpu.memory_space<semaphore_mem>>) {add = true}
    %eq3A_88 = arith.constant 0 : i32
    %eq3A_89 = arith.cmpi eq, %arg0, %eq3A_88 : i32
    %convert_element_type3A_90 = arith.extui %eq3A_89 : i1 to i32
    %cond3A_91 = arith.constant 0 : i32
    %cond3A_92 = arith.cmpi ne, %convert_element_type3A_90, %cond3A_91 : i32
    scf.if %cond3A_92 {
      %dma_wait3A_572 = arith.constant 0 : i32
      %dma_wait3A_573 = tpu.memref_slice %arg14[%dma_wait3A_572] : memref<522240xf32, #tpu.memory_space<vmem_shared>> -> memref<522240xf32, #tpu.memory_space<vmem_shared>>
      tpu.wait_indirect_dma semaphore(%arg20 : memref<!tpu.dma_semaphore, #tpu.memory_space<semaphore_mem>>) src(%arg13 : memref<4608xf32, #tpu.memory_space<vmem>>) dst(%dma_wait3A_573 : memref<522240xf32, #tpu.memory_space<vmem_shared>>)
    } else {
    }
    %dma_wait3A_93 = arith.constant 0 : i32
    %dma_wait3A_94 = tpu.memref_slice %arg15[%dma_wait3A_93] : memref<522240xf32, #tpu.memory_space<vmem_shared>> -> memref<522240xf32, #tpu.memory_space<vmem_shared>>
    tpu.wait_indirect_dma semaphore(%arg21 : memref<!tpu.dma_semaphore, #tpu.memory_space<semaphore_mem>>) src(%arg10 : memref<4608xf32, #tpu.memory_space<vmem>>) dst(%dma_wait3A_94 : memref<522240xf32, #tpu.memory_space<vmem_shared>>)
    %dma_wait3A_95 = arith.constant 0 : i32
    %dma_wait3A_96 = tpu.memref_slice %arg16[%dma_wait3A_95] : memref<522240xf32, #tpu.memory_space<vmem_shared>> -> memref<522240xf32, #tpu.memory_space<vmem_shared>>
    tpu.wait_indirect_dma semaphore(%arg22 : memref<!tpu.dma_semaphore, #tpu.memory_space<semaphore_mem>>) src(%arg11 : memref<4608xf32, #tpu.memory_space<vmem>>) dst(%dma_wait3A_96 : memref<522240xf32, #tpu.memory_space<vmem_shared>>)
    %mul3A_97 = arith.constant 64512 : i32
    %mul3A_98 = arith.muli %arg1, %mul3A_97 : i32
    %add3A_99 = arith.constant 13824 : i32
    %add3A_100 = arith.addi %mul3A_98, %add3A_99 : i32
    %dma_start3A_101 = tpu.memref_slice %arg3[%add3A_100] : memref<1032192xi32, #tpu.memory_space<hbm>> -> memref<4608xi32, #tpu.memory_space<hbm>>
    %dma_start3A_102 = tpu.memref_slice %arg3[%add3A_100] : memref<1032192xi32, #tpu.memory_space<hbm>> -> memref<4608xi32, #tpu.memory_space<hbm>>
    tpu.enqueue_dma source(%dma_start3A_102 : memref<4608xi32, #tpu.memory_space<hbm>>) target(%arg12 : memref<4608xi32, #tpu.memory_space<vmem>>) target_semaphore(%arg26 : memref<!tpu.dma_semaphore, #tpu.memory_space<semaphore_mem>>)
    %mul3A_103 = arith.constant 1032192 : i32
    %mul3A_104 = arith.muli %mul3A_2, %mul3A_103 : i32
    %add3A_105 = arith.addi %mul3A_104, %add3A_100 : i32
    %dma_start3A_106 = tpu.memref_slice %arg2[%add3A_105] : memref<4128768xf32, #tpu.memory_space<hbm>> -> memref<4608xf32, #tpu.memory_space<hbm>>
    %dma_start3A_107 = tpu.memref_slice %arg2[%add3A_105] : memref<4128768xf32, #tpu.memory_space<hbm>> -> memref<4608xf32, #tpu.memory_space<hbm>>
    tpu.enqueue_dma source(%dma_start3A_107 : memref<4608xf32, #tpu.memory_space<hbm>>) target(%arg10 : memref<4608xf32, #tpu.memory_space<vmem>>) target_semaphore(%arg27 : memref<!tpu.dma_semaphore, #tpu.memory_space<semaphore_mem>>)
    %mul3A_108 = arith.constant 1032192 : i32
    %mul3A_109 = arith.muli %add3A_5, %mul3A_108 : i32
    %add3A_110 = arith.addi %mul3A_109, %add3A_100 : i32
    %dma_start3A_111 = tpu.memref_slice %arg2[%add3A_110] : memref<4128768xf32, #tpu.memory_space<hbm>> -> memref<4608xf32, #tpu.memory_space<hbm>>
    %dma_start3A_112 = tpu.memref_slice %arg2[%add3A_110] : memref<4128768xf32, #tpu.memory_space<hbm>> -> memref<4608xf32, #tpu.memory_space<hbm>>
    tpu.enqueue_dma source(%dma_start3A_112 : memref<4608xf32, #tpu.memory_space<hbm>>) target(%arg11 : memref<4608xf32, #tpu.memory_space<vmem>>) target_semaphore(%arg28 : memref<!tpu.dma_semaphore, #tpu.memory_space<semaphore_mem>>)
    %dma_wait3A_113 = tpu.memref_slice %arg3[%add3A_60] : memref<1032192xi32, #tpu.memory_space<hbm>> -> memref<4608xi32, #tpu.memory_space<hbm>>
    %dma_wait3A_114 = tpu.memref_slice %arg3[%add3A_60] : memref<1032192xi32, #tpu.memory_space<hbm>> -> memref<4608xi32, #tpu.memory_space<hbm>>
    tpu.wait_dma2 semaphore(%arg23 : memref<!tpu.dma_semaphore, #tpu.memory_space<semaphore_mem>>) src(%dma_wait3A_114 : memref<4608xi32, #tpu.memory_space<hbm>>) dst(%arg9 : memref<4608xi32, #tpu.memory_space<vmem>>)
    %dma_wait3A_115 = tpu.memref_slice %arg2[%add3A_65] : memref<4128768xf32, #tpu.memory_space<hbm>> -> memref<4608xf32, #tpu.memory_space<hbm>>
    %dma_wait3A_116 = tpu.memref_slice %arg2[%add3A_65] : memref<4128768xf32, #tpu.memory_space<hbm>> -> memref<4608xf32, #tpu.memory_space<hbm>>
    tpu.wait_dma2 semaphore(%arg24 : memref<!tpu.dma_semaphore, #tpu.memory_space<semaphore_mem>>) src(%dma_wait3A_116 : memref<4608xf32, #tpu.memory_space<hbm>>) dst(%arg7 : memref<4608xf32, #tpu.memory_space<vmem>>)
    %dma_wait3A_117 = tpu.memref_slice %arg2[%add3A_70] : memref<4128768xf32, #tpu.memory_space<hbm>> -> memref<4608xf32, #tpu.memory_space<hbm>>
    %dma_wait3A_118 = tpu.memref_slice %arg2[%add3A_70] : memref<4128768xf32, #tpu.memory_space<hbm>> -> memref<4608xf32, #tpu.memory_space<hbm>>
    tpu.wait_dma2 semaphore(%arg25 : memref<!tpu.dma_semaphore, #tpu.memory_space<semaphore_mem>>) src(%dma_wait3A_118 : memref<4608xf32, #tpu.memory_space<hbm>>) dst(%arg8 : memref<4608xf32, #tpu.memory_space<vmem>>)
    %eq3A_119 = arith.constant 0 : i32
    %eq3A_120 = arith.cmpi eq, %arg0, %eq3A_119 : i32
    %convert_element_type3A_121 = arith.extui %eq3A_120 : i1 to i32
    %cond3A_122 = arith.constant 0 : i32
    %cond3A_123 = arith.cmpi ne, %convert_element_type3A_121, %cond3A_122 : i32
    scf.if %cond3A_123 {
      %dma_start3A_572 = arith.constant 0 : i32
      %dma_start3A_573 = tpu.memref_slice %arg14[%dma_start3A_572] : memref<522240xf32, #tpu.memory_space<vmem_shared>> -> memref<522240xf32, #tpu.memory_space<vmem_shared>>
      tpu.enqueue_indirect_dma source(%arg13 : memref<4608xf32, #tpu.memory_space<vmem>>) target(%dma_start3A_573 : memref<522240xf32, #tpu.memory_space<vmem_shared>>) offsets(%arg9 : memref<4608xi32, #tpu.memory_space<vmem>>) semaphore(%arg17 : memref<!tpu.dma_semaphore, #tpu.memory_space<semaphore_mem>>) {add = true}
    } else {
    }
    %dma_start3A_124 = arith.constant 0 : i32
    %dma_start3A_125 = tpu.memref_slice %arg15[%dma_start3A_124] : memref<522240xf32, #tpu.memory_space<vmem_shared>> -> memref<522240xf32, #tpu.memory_space<vmem_shared>>
    tpu.enqueue_indirect_dma source(%arg7 : memref<4608xf32, #tpu.memory_space<vmem>>) target(%dma_start3A_125 : memref<522240xf32, #tpu.memory_space<vmem_shared>>) offsets(%arg9 : memref<4608xi32, #tpu.memory_space<vmem>>) semaphore(%arg18 : memref<!tpu.dma_semaphore, #tpu.memory_space<semaphore_mem>>) {add = true}
    %dma_start3A_126 = arith.constant 0 : i32
    %dma_start3A_127 = tpu.memref_slice %arg16[%dma_start3A_126] : memref<522240xf32, #tpu.memory_space<vmem_shared>> -> memref<522240xf32, #tpu.memory_space<vmem_shared>>
    tpu.enqueue_indirect_dma source(%arg8 : memref<4608xf32, #tpu.memory_space<vmem>>) target(%dma_start3A_127 : memref<522240xf32, #tpu.memory_space<vmem_shared>>) offsets(%arg9 : memref<4608xi32, #tpu.memory_space<vmem>>) semaphore(%arg19 : memref<!tpu.dma_semaphore, #tpu.memory_space<semaphore_mem>>) {add = true}
    %eq3A_128 = arith.constant 0 : i32
    %eq3A_129 = arith.cmpi eq, %arg0, %eq3A_128 : i32
    %convert_element_type3A_130 = arith.extui %eq3A_129 : i1 to i32
    %cond3A_131 = arith.constant 0 : i32
    %cond3A_132 = arith.cmpi ne, %convert_element_type3A_130, %cond3A_131 : i32
    scf.if %cond3A_132 {
      %dma_wait3A_572 = arith.constant 0 : i32
      %dma_wait3A_573 = tpu.memref_slice %arg14[%dma_wait3A_572] : memref<522240xf32, #tpu.memory_space<vmem_shared>> -> memref<522240xf32, #tpu.memory_space<vmem_shared>>
      tpu.wait_indirect_dma semaphore(%arg17 : memref<!tpu.dma_semaphore, #tpu.memory_space<semaphore_mem>>) src(%arg13 : memref<4608xf32, #tpu.memory_space<vmem>>) dst(%dma_wait3A_573 : memref<522240xf32, #tpu.memory_space<vmem_shared>>)
    } else {
    }
    %dma_wait3A_133 = arith.constant 0 : i32
    %dma_wait3A_134 = tpu.memref_slice %arg15[%dma_wait3A_133] : memref<522240xf32, #tpu.memory_space<vmem_shared>> -> memref<522240xf32, #tpu.memory_space<vmem_shared>>
    tpu.wait_indirect_dma semaphore(%arg18 : memref<!tpu.dma_semaphore, #tpu.memory_space<semaphore_mem>>) src(%arg7 : memref<4608xf32, #tpu.memory_space<vmem>>) dst(%dma_wait3A_134 : memref<522240xf32, #tpu.memory_space<vmem_shared>>)
    %dma_wait3A_135 = arith.constant 0 : i32
    %dma_wait3A_136 = tpu.memref_slice %arg16[%dma_wait3A_135] : memref<522240xf32, #tpu.memory_space<vmem_shared>> -> memref<522240xf32, #tpu.memory_space<vmem_shared>>
    tpu.wait_indirect_dma semaphore(%arg19 : memref<!tpu.dma_semaphore, #tpu.memory_space<semaphore_mem>>) src(%arg8 : memref<4608xf32, #tpu.memory_space<vmem>>) dst(%dma_wait3A_136 : memref<522240xf32, #tpu.memory_space<vmem_shared>>)
    %mul3A_137 = arith.constant 64512 : i32
    %mul3A_138 = arith.muli %arg1, %mul3A_137 : i32
    %add3A_139 = arith.constant 18432 : i32
    %add3A_140 = arith.addi %mul3A_138, %add3A_139 : i32
    %dma_start3A_141 = tpu.memref_slice %arg3[%add3A_140] : memref<1032192xi32, #tpu.memory_space<hbm>> -> memref<4608xi32, #tpu.memory_space<hbm>>
    %dma_start3A_142 = tpu.memref_slice %arg3[%add3A_140] : memref<1032192xi32, #tpu.memory_space<hbm>> -> memref<4608xi32, #tpu.memory_space<hbm>>
    tpu.enqueue_dma source(%dma_start3A_142 : memref<4608xi32, #tpu.memory_space<hbm>>) target(%arg9 : memref<4608xi32, #tpu.memory_space<vmem>>) target_semaphore(%arg23 : memref<!tpu.dma_semaphore, #tpu.memory_space<semaphore_mem>>)
    %mul3A_143 = arith.constant 1032192 : i32
    %mul3A_144 = arith.muli %mul3A_2, %mul3A_143 : i32
    %add3A_145 = arith.addi %mul3A_144, %add3A_140 : i32
    %dma_start3A_146 = tpu.memref_slice %arg2[%add3A_145] : memref<4128768xf32, #tpu.memory_space<hbm>> -> memref<4608xf32, #tpu.memory_space<hbm>>
    %dma_start3A_147 = tpu.memref_slice %arg2[%add3A_145] : memref<4128768xf32, #tpu.memory_space<hbm>> -> memref<4608xf32, #tpu.memory_space<hbm>>
    tpu.enqueue_dma source(%dma_start3A_147 : memref<4608xf32, #tpu.memory_space<hbm>>) target(%arg7 : memref<4608xf32, #tpu.memory_space<vmem>>) target_semaphore(%arg24 : memref<!tpu.dma_semaphore, #tpu.memory_space<semaphore_mem>>)
    %mul3A_148 = arith.constant 1032192 : i32
    %mul3A_149 = arith.muli %add3A_5, %mul3A_148 : i32
    %add3A_150 = arith.addi %mul3A_149, %add3A_140 : i32
    %dma_start3A_151 = tpu.memref_slice %arg2[%add3A_150] : memref<4128768xf32, #tpu.memory_space<hbm>> -> memref<4608xf32, #tpu.memory_space<hbm>>
    %dma_start3A_152 = tpu.memref_slice %arg2[%add3A_150] : memref<4128768xf32, #tpu.memory_space<hbm>> -> memref<4608xf32, #tpu.memory_space<hbm>>
    tpu.enqueue_dma source(%dma_start3A_152 : memref<4608xf32, #tpu.memory_space<hbm>>) target(%arg8 : memref<4608xf32, #tpu.memory_space<vmem>>) target_semaphore(%arg25 : memref<!tpu.dma_semaphore, #tpu.memory_space<semaphore_mem>>)
    %dma_wait3A_153 = tpu.memref_slice %arg3[%add3A_100] : memref<1032192xi32, #tpu.memory_space<hbm>> -> memref<4608xi32, #tpu.memory_space<hbm>>
    %dma_wait3A_154 = tpu.memref_slice %arg3[%add3A_100] : memref<1032192xi32, #tpu.memory_space<hbm>> -> memref<4608xi32, #tpu.memory_space<hbm>>
    tpu.wait_dma2 semaphore(%arg26 : memref<!tpu.dma_semaphore, #tpu.memory_space<semaphore_mem>>) src(%dma_wait3A_154 : memref<4608xi32, #tpu.memory_space<hbm>>) dst(%arg12 : memref<4608xi32, #tpu.memory_space<vmem>>)
    %dma_wait3A_155 = tpu.memref_slice %arg2[%add3A_105] : memref<4128768xf32, #tpu.memory_space<hbm>> -> memref<4608xf32, #tpu.memory_space<hbm>>
    %dma_wait3A_156 = tpu.memref_slice %arg2[%add3A_105] : memref<4128768xf32, #tpu.memory_space<hbm>> -> memref<4608xf32, #tpu.memory_space<hbm>>
    tpu.wait_dma2 semaphore(%arg27 : memref<!tpu.dma_semaphore, #tpu.memory_space<semaphore_mem>>) src(%dma_wait3A_156 : memref<4608xf32, #tpu.memory_space<hbm>>) dst(%arg10 : memref<4608xf32, #tpu.memory_space<vmem>>)
    %dma_wait3A_157 = tpu.memref_slice %arg2[%add3A_110] : memref<4128768xf32, #tpu.memory_space<hbm>> -> memref<4608xf32, #tpu.memory_space<hbm>>
    %dma_wait3A_158 = tpu.memref_slice %arg2[%add3A_110] : memref<4128768xf32, #tpu.memory_space<hbm>> -> memref<4608xf32, #tpu.memory_space<hbm>>
    tpu.wait_dma2 semaphore(%arg28 : memref<!tpu.dma_semaphore, #tpu.memory_space<semaphore_mem>>) src(%dma_wait3A_158 : memref<4608xf32, #tpu.memory_space<hbm>>) dst(%arg11 : memref<4608xf32, #tpu.memory_space<vmem>>)
    %eq3A_159 = arith.constant 0 : i32
    %eq3A_160 = arith.cmpi eq, %arg0, %eq3A_159 : i32
    %convert_element_type3A_161 = arith.extui %eq3A_160 : i1 to i32
    %cond3A_162 = arith.constant 0 : i32
    %cond3A_163 = arith.cmpi ne, %convert_element_type3A_161, %cond3A_162 : i32
    scf.if %cond3A_163 {
      %dma_start3A_572 = arith.constant 0 : i32
      %dma_start3A_573 = tpu.memref_slice %arg14[%dma_start3A_572] : memref<522240xf32, #tpu.memory_space<vmem_shared>> -> memref<522240xf32, #tpu.memory_space<vmem_shared>>
      tpu.enqueue_indirect_dma source(%arg13 : memref<4608xf32, #tpu.memory_space<vmem>>) target(%dma_start3A_573 : memref<522240xf32, #tpu.memory_space<vmem_shared>>) offsets(%arg12 : memref<4608xi32, #tpu.memory_space<vmem>>) semaphore(%arg20 : memref<!tpu.dma_semaphore, #tpu.memory_space<semaphore_mem>>) {add = true}
    } else {
    }
    %dma_start3A_164 = arith.constant 0 : i32
    %dma_start3A_165 = tpu.memref_slice %arg15[%dma_start3A_164] : memref<522240xf32, #tpu.memory_space<vmem_shared>> -> memref<522240xf32, #tpu.memory_space<vmem_shared>>
    tpu.enqueue_indirect_dma source(%arg10 : memref<4608xf32, #tpu.memory_space<vmem>>) target(%dma_start3A_165 : memref<522240xf32, #tpu.memory_space<vmem_shared>>) offsets(%arg12 : memref<4608xi32, #tpu.memory_space<vmem>>) semaphore(%arg21 : memref<!tpu.dma_semaphore, #tpu.memory_space<semaphore_mem>>) {add = true}
    %dma_start3A_166 = arith.constant 0 : i32
    %dma_start3A_167 = tpu.memref_slice %arg16[%dma_start3A_166] : memref<522240xf32, #tpu.memory_space<vmem_shared>> -> memref<522240xf32, #tpu.memory_space<vmem_shared>>
    tpu.enqueue_indirect_dma source(%arg11 : memref<4608xf32, #tpu.memory_space<vmem>>) target(%dma_start3A_167 : memref<522240xf32, #tpu.memory_space<vmem_shared>>) offsets(%arg12 : memref<4608xi32, #tpu.memory_space<vmem>>) semaphore(%arg22 : memref<!tpu.dma_semaphore, #tpu.memory_space<semaphore_mem>>) {add = true}
    %eq3A_168 = arith.constant 0 : i32
    %eq3A_169 = arith.cmpi eq, %arg0, %eq3A_168 : i32
    %convert_element_type3A_170 = arith.extui %eq3A_169 : i1 to i32
    %cond3A_171 = arith.constant 0 : i32
    %cond3A_172 = arith.cmpi ne, %convert_element_type3A_170, %cond3A_171 : i32
    scf.if %cond3A_172 {
      %dma_wait3A_572 = arith.constant 0 : i32
      %dma_wait3A_573 = tpu.memref_slice %arg14[%dma_wait3A_572] : memref<522240xf32, #tpu.memory_space<vmem_shared>> -> memref<522240xf32, #tpu.memory_space<vmem_shared>>
      tpu.wait_indirect_dma semaphore(%arg20 : memref<!tpu.dma_semaphore, #tpu.memory_space<semaphore_mem>>) src(%arg13 : memref<4608xf32, #tpu.memory_space<vmem>>) dst(%dma_wait3A_573 : memref<522240xf32, #tpu.memory_space<vmem_shared>>)
    } else {
    }
    %dma_wait3A_173 = arith.constant 0 : i32
    %dma_wait3A_174 = tpu.memref_slice %arg15[%dma_wait3A_173] : memref<522240xf32, #tpu.memory_space<vmem_shared>> -> memref<522240xf32, #tpu.memory_space<vmem_shared>>
    tpu.wait_indirect_dma semaphore(%arg21 : memref<!tpu.dma_semaphore, #tpu.memory_space<semaphore_mem>>) src(%arg10 : memref<4608xf32, #tpu.memory_space<vmem>>) dst(%dma_wait3A_174 : memref<522240xf32, #tpu.memory_space<vmem_shared>>)
    %dma_wait3A_175 = arith.constant 0 : i32
    %dma_wait3A_176 = tpu.memref_slice %arg16[%dma_wait3A_175] : memref<522240xf32, #tpu.memory_space<vmem_shared>> -> memref<522240xf32, #tpu.memory_space<vmem_shared>>
    tpu.wait_indirect_dma semaphore(%arg22 : memref<!tpu.dma_semaphore, #tpu.memory_space<semaphore_mem>>) src(%arg11 : memref<4608xf32, #tpu.memory_space<vmem>>) dst(%dma_wait3A_176 : memref<522240xf32, #tpu.memory_space<vmem_shared>>)
    %mul3A_177 = arith.constant 64512 : i32
    %mul3A_178 = arith.muli %arg1, %mul3A_177 : i32
    %add3A_179 = arith.constant 23040 : i32
    %add3A_180 = arith.addi %mul3A_178, %add3A_179 : i32
    %dma_start3A_181 = tpu.memref_slice %arg3[%add3A_180] : memref<1032192xi32, #tpu.memory_space<hbm>> -> memref<4608xi32, #tpu.memory_space<hbm>>
    %dma_start3A_182 = tpu.memref_slice %arg3[%add3A_180] : memref<1032192xi32, #tpu.memory_space<hbm>> -> memref<4608xi32, #tpu.memory_space<hbm>>
    tpu.enqueue_dma source(%dma_start3A_182 : memref<4608xi32, #tpu.memory_space<hbm>>) target(%arg12 : memref<4608xi32, #tpu.memory_space<vmem>>) target_semaphore(%arg26 : memref<!tpu.dma_semaphore, #tpu.memory_space<semaphore_mem>>)
    %mul3A_183 = arith.constant 1032192 : i32
    %mul3A_184 = arith.muli %mul3A_2, %mul3A_183 : i32
    %add3A_185 = arith.addi %mul3A_184, %add3A_180 : i32
    %dma_start3A_186 = tpu.memref_slice %arg2[%add3A_185] : memref<4128768xf32, #tpu.memory_space<hbm>> -> memref<4608xf32, #tpu.memory_space<hbm>>
    %dma_start3A_187 = tpu.memref_slice %arg2[%add3A_185] : memref<4128768xf32, #tpu.memory_space<hbm>> -> memref<4608xf32, #tpu.memory_space<hbm>>
    tpu.enqueue_dma source(%dma_start3A_187 : memref<4608xf32, #tpu.memory_space<hbm>>) target(%arg10 : memref<4608xf32, #tpu.memory_space<vmem>>) target_semaphore(%arg27 : memref<!tpu.dma_semaphore, #tpu.memory_space<semaphore_mem>>)
    %mul3A_188 = arith.constant 1032192 : i32
    %mul3A_189 = arith.muli %add3A_5, %mul3A_188 : i32
    %add3A_190 = arith.addi %mul3A_189, %add3A_180 : i32
    %dma_start3A_191 = tpu.memref_slice %arg2[%add3A_190] : memref<4128768xf32, #tpu.memory_space<hbm>> -> memref<4608xf32, #tpu.memory_space<hbm>>
    %dma_start3A_192 = tpu.memref_slice %arg2[%add3A_190] : memref<4128768xf32, #tpu.memory_space<hbm>> -> memref<4608xf32, #tpu.memory_space<hbm>>
    tpu.enqueue_dma source(%dma_start3A_192 : memref<4608xf32, #tpu.memory_space<hbm>>) target(%arg11 : memref<4608xf32, #tpu.memory_space<vmem>>) target_semaphore(%arg28 : memref<!tpu.dma_semaphore, #tpu.memory_space<semaphore_mem>>)
    %dma_wait3A_193 = tpu.memref_slice %arg3[%add3A_140] : memref<1032192xi32, #tpu.memory_space<hbm>> -> memref<4608xi32, #tpu.memory_space<hbm>>
    %dma_wait3A_194 = tpu.memref_slice %arg3[%add3A_140] : memref<1032192xi32, #tpu.memory_space<hbm>> -> memref<4608xi32, #tpu.memory_space<hbm>>
    tpu.wait_dma2 semaphore(%arg23 : memref<!tpu.dma_semaphore, #tpu.memory_space<semaphore_mem>>) src(%dma_wait3A_194 : memref<4608xi32, #tpu.memory_space<hbm>>) dst(%arg9 : memref<4608xi32, #tpu.memory_space<vmem>>)
    %dma_wait3A_195 = tpu.memref_slice %arg2[%add3A_145] : memref<4128768xf32, #tpu.memory_space<hbm>> -> memref<4608xf32, #tpu.memory_space<hbm>>
    %dma_wait3A_196 = tpu.memref_slice %arg2[%add3A_145] : memref<4128768xf32, #tpu.memory_space<hbm>> -> memref<4608xf32, #tpu.memory_space<hbm>>
    tpu.wait_dma2 semaphore(%arg24 : memref<!tpu.dma_semaphore, #tpu.memory_space<semaphore_mem>>) src(%dma_wait3A_196 : memref<4608xf32, #tpu.memory_space<hbm>>) dst(%arg7 : memref<4608xf32, #tpu.memory_space<vmem>>)
    %dma_wait3A_197 = tpu.memref_slice %arg2[%add3A_150] : memref<4128768xf32, #tpu.memory_space<hbm>> -> memref<4608xf32, #tpu.memory_space<hbm>>
    %dma_wait3A_198 = tpu.memref_slice %arg2[%add3A_150] : memref<4128768xf32, #tpu.memory_space<hbm>> -> memref<4608xf32, #tpu.memory_space<hbm>>
    tpu.wait_dma2 semaphore(%arg25 : memref<!tpu.dma_semaphore, #tpu.memory_space<semaphore_mem>>) src(%dma_wait3A_198 : memref<4608xf32, #tpu.memory_space<hbm>>) dst(%arg8 : memref<4608xf32, #tpu.memory_space<vmem>>)
    %eq3A_199 = arith.constant 0 : i32
    %eq3A_200 = arith.cmpi eq, %arg0, %eq3A_199 : i32
    %convert_element_type3A_201 = arith.extui %eq3A_200 : i1 to i32
    %cond3A_202 = arith.constant 0 : i32
    %cond3A_203 = arith.cmpi ne, %convert_element_type3A_201, %cond3A_202 : i32
    scf.if %cond3A_203 {
      %dma_start3A_572 = arith.constant 0 : i32
      %dma_start3A_573 = tpu.memref_slice %arg14[%dma_start3A_572] : memref<522240xf32, #tpu.memory_space<vmem_shared>> -> memref<522240xf32, #tpu.memory_space<vmem_shared>>
      tpu.enqueue_indirect_dma source(%arg13 : memref<4608xf32, #tpu.memory_space<vmem>>) target(%dma_start3A_573 : memref<522240xf32, #tpu.memory_space<vmem_shared>>) offsets(%arg9 : memref<4608xi32, #tpu.memory_space<vmem>>) semaphore(%arg17 : memref<!tpu.dma_semaphore, #tpu.memory_space<semaphore_mem>>) {add = true}
    } else {
    }
    %dma_start3A_204 = arith.constant 0 : i32
    %dma_start3A_205 = tpu.memref_slice %arg15[%dma_start3A_204] : memref<522240xf32, #tpu.memory_space<vmem_shared>> -> memref<522240xf32, #tpu.memory_space<vmem_shared>>
    tpu.enqueue_indirect_dma source(%arg7 : memref<4608xf32, #tpu.memory_space<vmem>>) target(%dma_start3A_205 : memref<522240xf32, #tpu.memory_space<vmem_shared>>) offsets(%arg9 : memref<4608xi32, #tpu.memory_space<vmem>>) semaphore(%arg18 : memref<!tpu.dma_semaphore, #tpu.memory_space<semaphore_mem>>) {add = true}
    %dma_start3A_206 = arith.constant 0 : i32
    %dma_start3A_207 = tpu.memref_slice %arg16[%dma_start3A_206] : memref<522240xf32, #tpu.memory_space<vmem_shared>> -> memref<522240xf32, #tpu.memory_space<vmem_shared>>
    tpu.enqueue_indirect_dma source(%arg8 : memref<4608xf32, #tpu.memory_space<vmem>>) target(%dma_start3A_207 : memref<522240xf32, #tpu.memory_space<vmem_shared>>) offsets(%arg9 : memref<4608xi32, #tpu.memory_space<vmem>>) semaphore(%arg19 : memref<!tpu.dma_semaphore, #tpu.memory_space<semaphore_mem>>) {add = true}
    %eq3A_208 = arith.constant 0 : i32
    %eq3A_209 = arith.cmpi eq, %arg0, %eq3A_208 : i32
    %convert_element_type3A_210 = arith.extui %eq3A_209 : i1 to i32
    %cond3A_211 = arith.constant 0 : i32
    %cond3A_212 = arith.cmpi ne, %convert_element_type3A_210, %cond3A_211 : i32
    scf.if %cond3A_212 {
      %dma_wait3A_572 = arith.constant 0 : i32
      %dma_wait3A_573 = tpu.memref_slice %arg14[%dma_wait3A_572] : memref<522240xf32, #tpu.memory_space<vmem_shared>> -> memref<522240xf32, #tpu.memory_space<vmem_shared>>
      tpu.wait_indirect_dma semaphore(%arg17 : memref<!tpu.dma_semaphore, #tpu.memory_space<semaphore_mem>>) src(%arg13 : memref<4608xf32, #tpu.memory_space<vmem>>) dst(%dma_wait3A_573 : memref<522240xf32, #tpu.memory_space<vmem_shared>>)
    } else {
    }
    %dma_wait3A_213 = arith.constant 0 : i32
    %dma_wait3A_214 = tpu.memref_slice %arg15[%dma_wait3A_213] : memref<522240xf32, #tpu.memory_space<vmem_shared>> -> memref<522240xf32, #tpu.memory_space<vmem_shared>>
    tpu.wait_indirect_dma semaphore(%arg18 : memref<!tpu.dma_semaphore, #tpu.memory_space<semaphore_mem>>) src(%arg7 : memref<4608xf32, #tpu.memory_space<vmem>>) dst(%dma_wait3A_214 : memref<522240xf32, #tpu.memory_space<vmem_shared>>)
    %dma_wait3A_215 = arith.constant 0 : i32
    %dma_wait3A_216 = tpu.memref_slice %arg16[%dma_wait3A_215] : memref<522240xf32, #tpu.memory_space<vmem_shared>> -> memref<522240xf32, #tpu.memory_space<vmem_shared>>
    tpu.wait_indirect_dma semaphore(%arg19 : memref<!tpu.dma_semaphore, #tpu.memory_space<semaphore_mem>>) src(%arg8 : memref<4608xf32, #tpu.memory_space<vmem>>) dst(%dma_wait3A_216 : memref<522240xf32, #tpu.memory_space<vmem_shared>>)
    %mul3A_217 = arith.constant 64512 : i32
    %mul3A_218 = arith.muli %arg1, %mul3A_217 : i32
    %add3A_219 = arith.constant 27648 : i32
    %add3A_220 = arith.addi %mul3A_218, %add3A_219 : i32
    %dma_start3A_221 = tpu.memref_slice %arg3[%add3A_220] : memref<1032192xi32, #tpu.memory_space<hbm>> -> memref<4608xi32, #tpu.memory_space<hbm>>
    %dma_start3A_222 = tpu.memref_slice %arg3[%add3A_220] : memref<1032192xi32, #tpu.memory_space<hbm>> -> memref<4608xi32, #tpu.memory_space<hbm>>
    tpu.enqueue_dma source(%dma_start3A_222 : memref<4608xi32, #tpu.memory_space<hbm>>) target(%arg9 : memref<4608xi32, #tpu.memory_space<vmem>>) target_semaphore(%arg23 : memref<!tpu.dma_semaphore, #tpu.memory_space<semaphore_mem>>)
    %mul3A_223 = arith.constant 1032192 : i32
    %mul3A_224 = arith.muli %mul3A_2, %mul3A_223 : i32
    %add3A_225 = arith.addi %mul3A_224, %add3A_220 : i32
    %dma_start3A_226 = tpu.memref_slice %arg2[%add3A_225] : memref<4128768xf32, #tpu.memory_space<hbm>> -> memref<4608xf32, #tpu.memory_space<hbm>>
    %dma_start3A_227 = tpu.memref_slice %arg2[%add3A_225] : memref<4128768xf32, #tpu.memory_space<hbm>> -> memref<4608xf32, #tpu.memory_space<hbm>>
    tpu.enqueue_dma source(%dma_start3A_227 : memref<4608xf32, #tpu.memory_space<hbm>>) target(%arg7 : memref<4608xf32, #tpu.memory_space<vmem>>) target_semaphore(%arg24 : memref<!tpu.dma_semaphore, #tpu.memory_space<semaphore_mem>>)
    %mul3A_228 = arith.constant 1032192 : i32
    %mul3A_229 = arith.muli %add3A_5, %mul3A_228 : i32
    %add3A_230 = arith.addi %mul3A_229, %add3A_220 : i32
    %dma_start3A_231 = tpu.memref_slice %arg2[%add3A_230] : memref<4128768xf32, #tpu.memory_space<hbm>> -> memref<4608xf32, #tpu.memory_space<hbm>>
    %dma_start3A_232 = tpu.memref_slice %arg2[%add3A_230] : memref<4128768xf32, #tpu.memory_space<hbm>> -> memref<4608xf32, #tpu.memory_space<hbm>>
    tpu.enqueue_dma source(%dma_start3A_232 : memref<4608xf32, #tpu.memory_space<hbm>>) target(%arg8 : memref<4608xf32, #tpu.memory_space<vmem>>) target_semaphore(%arg25 : memref<!tpu.dma_semaphore, #tpu.memory_space<semaphore_mem>>)
    %dma_wait3A_233 = tpu.memref_slice %arg3[%add3A_180] : memref<1032192xi32, #tpu.memory_space<hbm>> -> memref<4608xi32, #tpu.memory_space<hbm>>
    %dma_wait3A_234 = tpu.memref_slice %arg3[%add3A_180] : memref<1032192xi32, #tpu.memory_space<hbm>> -> memref<4608xi32, #tpu.memory_space<hbm>>
    tpu.wait_dma2 semaphore(%arg26 : memref<!tpu.dma_semaphore, #tpu.memory_space<semaphore_mem>>) src(%dma_wait3A_234 : memref<4608xi32, #tpu.memory_space<hbm>>) dst(%arg12 : memref<4608xi32, #tpu.memory_space<vmem>>)
    %dma_wait3A_235 = tpu.memref_slice %arg2[%add3A_185] : memref<4128768xf32, #tpu.memory_space<hbm>> -> memref<4608xf32, #tpu.memory_space<hbm>>
    %dma_wait3A_236 = tpu.memref_slice %arg2[%add3A_185] : memref<4128768xf32, #tpu.memory_space<hbm>> -> memref<4608xf32, #tpu.memory_space<hbm>>
    tpu.wait_dma2 semaphore(%arg27 : memref<!tpu.dma_semaphore, #tpu.memory_space<semaphore_mem>>) src(%dma_wait3A_236 : memref<4608xf32, #tpu.memory_space<hbm>>) dst(%arg10 : memref<4608xf32, #tpu.memory_space<vmem>>)
    %dma_wait3A_237 = tpu.memref_slice %arg2[%add3A_190] : memref<4128768xf32, #tpu.memory_space<hbm>> -> memref<4608xf32, #tpu.memory_space<hbm>>
    %dma_wait3A_238 = tpu.memref_slice %arg2[%add3A_190] : memref<4128768xf32, #tpu.memory_space<hbm>> -> memref<4608xf32, #tpu.memory_space<hbm>>
    tpu.wait_dma2 semaphore(%arg28 : memref<!tpu.dma_semaphore, #tpu.memory_space<semaphore_mem>>) src(%dma_wait3A_238 : memref<4608xf32, #tpu.memory_space<hbm>>) dst(%arg11 : memref<4608xf32, #tpu.memory_space<vmem>>)
    %eq3A_239 = arith.constant 0 : i32
    %eq3A_240 = arith.cmpi eq, %arg0, %eq3A_239 : i32
    %convert_element_type3A_241 = arith.extui %eq3A_240 : i1 to i32
    %cond3A_242 = arith.constant 0 : i32
    %cond3A_243 = arith.cmpi ne, %convert_element_type3A_241, %cond3A_242 : i32
    scf.if %cond3A_243 {
      %dma_start3A_572 = arith.constant 0 : i32
      %dma_start3A_573 = tpu.memref_slice %arg14[%dma_start3A_572] : memref<522240xf32, #tpu.memory_space<vmem_shared>> -> memref<522240xf32, #tpu.memory_space<vmem_shared>>
      tpu.enqueue_indirect_dma source(%arg13 : memref<4608xf32, #tpu.memory_space<vmem>>) target(%dma_start3A_573 : memref<522240xf32, #tpu.memory_space<vmem_shared>>) offsets(%arg12 : memref<4608xi32, #tpu.memory_space<vmem>>) semaphore(%arg20 : memref<!tpu.dma_semaphore, #tpu.memory_space<semaphore_mem>>) {add = true}
    } else {
    }
    %dma_start3A_244 = arith.constant 0 : i32
    %dma_start3A_245 = tpu.memref_slice %arg15[%dma_start3A_244] : memref<522240xf32, #tpu.memory_space<vmem_shared>> -> memref<522240xf32, #tpu.memory_space<vmem_shared>>
    tpu.enqueue_indirect_dma source(%arg10 : memref<4608xf32, #tpu.memory_space<vmem>>) target(%dma_start3A_245 : memref<522240xf32, #tpu.memory_space<vmem_shared>>) offsets(%arg12 : memref<4608xi32, #tpu.memory_space<vmem>>) semaphore(%arg21 : memref<!tpu.dma_semaphore, #tpu.memory_space<semaphore_mem>>) {add = true}
    %dma_start3A_246 = arith.constant 0 : i32
    %dma_start3A_247 = tpu.memref_slice %arg16[%dma_start3A_246] : memref<522240xf32, #tpu.memory_space<vmem_shared>> -> memref<522240xf32, #tpu.memory_space<vmem_shared>>
    tpu.enqueue_indirect_dma source(%arg11 : memref<4608xf32, #tpu.memory_space<vmem>>) target(%dma_start3A_247 : memref<522240xf32, #tpu.memory_space<vmem_shared>>) offsets(%arg12 : memref<4608xi32, #tpu.memory_space<vmem>>) semaphore(%arg22 : memref<!tpu.dma_semaphore, #tpu.memory_space<semaphore_mem>>) {add = true}
    %eq3A_248 = arith.constant 0 : i32
    %eq3A_249 = arith.cmpi eq, %arg0, %eq3A_248 : i32
    %convert_element_type3A_250 = arith.extui %eq3A_249 : i1 to i32
    %cond3A_251 = arith.constant 0 : i32
    %cond3A_252 = arith.cmpi ne, %convert_element_type3A_250, %cond3A_251 : i32
    scf.if %cond3A_252 {
      %dma_wait3A_572 = arith.constant 0 : i32
      %dma_wait3A_573 = tpu.memref_slice %arg14[%dma_wait3A_572] : memref<522240xf32, #tpu.memory_space<vmem_shared>> -> memref<522240xf32, #tpu.memory_space<vmem_shared>>
      tpu.wait_indirect_dma semaphore(%arg20 : memref<!tpu.dma_semaphore, #tpu.memory_space<semaphore_mem>>) src(%arg13 : memref<4608xf32, #tpu.memory_space<vmem>>) dst(%dma_wait3A_573 : memref<522240xf32, #tpu.memory_space<vmem_shared>>)
    } else {
    }
    %dma_wait3A_253 = arith.constant 0 : i32
    %dma_wait3A_254 = tpu.memref_slice %arg15[%dma_wait3A_253] : memref<522240xf32, #tpu.memory_space<vmem_shared>> -> memref<522240xf32, #tpu.memory_space<vmem_shared>>
    tpu.wait_indirect_dma semaphore(%arg21 : memref<!tpu.dma_semaphore, #tpu.memory_space<semaphore_mem>>) src(%arg10 : memref<4608xf32, #tpu.memory_space<vmem>>) dst(%dma_wait3A_254 : memref<522240xf32, #tpu.memory_space<vmem_shared>>)
    %dma_wait3A_255 = arith.constant 0 : i32
    %dma_wait3A_256 = tpu.memref_slice %arg16[%dma_wait3A_255] : memref<522240xf32, #tpu.memory_space<vmem_shared>> -> memref<522240xf32, #tpu.memory_space<vmem_shared>>
    tpu.wait_indirect_dma semaphore(%arg22 : memref<!tpu.dma_semaphore, #tpu.memory_space<semaphore_mem>>) src(%arg11 : memref<4608xf32, #tpu.memory_space<vmem>>) dst(%dma_wait3A_256 : memref<522240xf32, #tpu.memory_space<vmem_shared>>)
    %mul3A_257 = arith.constant 64512 : i32
    %mul3A_258 = arith.muli %arg1, %mul3A_257 : i32
    %add3A_259 = arith.constant 32256 : i32
    %add3A_260 = arith.addi %mul3A_258, %add3A_259 : i32
    %dma_start3A_261 = tpu.memref_slice %arg3[%add3A_260] : memref<1032192xi32, #tpu.memory_space<hbm>> -> memref<4608xi32, #tpu.memory_space<hbm>>
    %dma_start3A_262 = tpu.memref_slice %arg3[%add3A_260] : memref<1032192xi32, #tpu.memory_space<hbm>> -> memref<4608xi32, #tpu.memory_space<hbm>>
    tpu.enqueue_dma source(%dma_start3A_262 : memref<4608xi32, #tpu.memory_space<hbm>>) target(%arg12 : memref<4608xi32, #tpu.memory_space<vmem>>) target_semaphore(%arg26 : memref<!tpu.dma_semaphore, #tpu.memory_space<semaphore_mem>>)
    %mul3A_263 = arith.constant 1032192 : i32
    %mul3A_264 = arith.muli %mul3A_2, %mul3A_263 : i32
    %add3A_265 = arith.addi %mul3A_264, %add3A_260 : i32
    %dma_start3A_266 = tpu.memref_slice %arg2[%add3A_265] : memref<4128768xf32, #tpu.memory_space<hbm>> -> memref<4608xf32, #tpu.memory_space<hbm>>
    %dma_start3A_267 = tpu.memref_slice %arg2[%add3A_265] : memref<4128768xf32, #tpu.memory_space<hbm>> -> memref<4608xf32, #tpu.memory_space<hbm>>
    tpu.enqueue_dma source(%dma_start3A_267 : memref<4608xf32, #tpu.memory_space<hbm>>) target(%arg10 : memref<4608xf32, #tpu.memory_space<vmem>>) target_semaphore(%arg27 : memref<!tpu.dma_semaphore, #tpu.memory_space<semaphore_mem>>)
    %mul3A_268 = arith.constant 1032192 : i32
    %mul3A_269 = arith.muli %add3A_5, %mul3A_268 : i32
    %add3A_270 = arith.addi %mul3A_269, %add3A_260 : i32
    %dma_start3A_271 = tpu.memref_slice %arg2[%add3A_270] : memref<4128768xf32, #tpu.memory_space<hbm>> -> memref<4608xf32, #tpu.memory_space<hbm>>
    %dma_start3A_272 = tpu.memref_slice %arg2[%add3A_270] : memref<4128768xf32, #tpu.memory_space<hbm>> -> memref<4608xf32, #tpu.memory_space<hbm>>
    tpu.enqueue_dma source(%dma_start3A_272 : memref<4608xf32, #tpu.memory_space<hbm>>) target(%arg11 : memref<4608xf32, #tpu.memory_space<vmem>>) target_semaphore(%arg28 : memref<!tpu.dma_semaphore, #tpu.memory_space<semaphore_mem>>)
    %dma_wait3A_273 = tpu.memref_slice %arg3[%add3A_220] : memref<1032192xi32, #tpu.memory_space<hbm>> -> memref<4608xi32, #tpu.memory_space<hbm>>
    %dma_wait3A_274 = tpu.memref_slice %arg3[%add3A_220] : memref<1032192xi32, #tpu.memory_space<hbm>> -> memref<4608xi32, #tpu.memory_space<hbm>>
    tpu.wait_dma2 semaphore(%arg23 : memref<!tpu.dma_semaphore, #tpu.memory_space<semaphore_mem>>) src(%dma_wait3A_274 : memref<4608xi32, #tpu.memory_space<hbm>>) dst(%arg9 : memref<4608xi32, #tpu.memory_space<vmem>>)
    %dma_wait3A_275 = tpu.memref_slice %arg2[%add3A_225] : memref<4128768xf32, #tpu.memory_space<hbm>> -> memref<4608xf32, #tpu.memory_space<hbm>>
    %dma_wait3A_276 = tpu.memref_slice %arg2[%add3A_225] : memref<4128768xf32, #tpu.memory_space<hbm>> -> memref<4608xf32, #tpu.memory_space<hbm>>
    tpu.wait_dma2 semaphore(%arg24 : memref<!tpu.dma_semaphore, #tpu.memory_space<semaphore_mem>>) src(%dma_wait3A_276 : memref<4608xf32, #tpu.memory_space<hbm>>) dst(%arg7 : memref<4608xf32, #tpu.memory_space<vmem>>)
    %dma_wait3A_277 = tpu.memref_slice %arg2[%add3A_230] : memref<4128768xf32, #tpu.memory_space<hbm>> -> memref<4608xf32, #tpu.memory_space<hbm>>
    %dma_wait3A_278 = tpu.memref_slice %arg2[%add3A_230] : memref<4128768xf32, #tpu.memory_space<hbm>> -> memref<4608xf32, #tpu.memory_space<hbm>>
    tpu.wait_dma2 semaphore(%arg25 : memref<!tpu.dma_semaphore, #tpu.memory_space<semaphore_mem>>) src(%dma_wait3A_278 : memref<4608xf32, #tpu.memory_space<hbm>>) dst(%arg8 : memref<4608xf32, #tpu.memory_space<vmem>>)
    %eq3A_279 = arith.constant 0 : i32
    %eq3A_280 = arith.cmpi eq, %arg0, %eq3A_279 : i32
    %convert_element_type3A_281 = arith.extui %eq3A_280 : i1 to i32
    %cond3A_282 = arith.constant 0 : i32
    %cond3A_283 = arith.cmpi ne, %convert_element_type3A_281, %cond3A_282 : i32
    scf.if %cond3A_283 {
      %dma_start3A_572 = arith.constant 0 : i32
      %dma_start3A_573 = tpu.memref_slice %arg14[%dma_start3A_572] : memref<522240xf32, #tpu.memory_space<vmem_shared>> -> memref<522240xf32, #tpu.memory_space<vmem_shared>>
      tpu.enqueue_indirect_dma source(%arg13 : memref<4608xf32, #tpu.memory_space<vmem>>) target(%dma_start3A_573 : memref<522240xf32, #tpu.memory_space<vmem_shared>>) offsets(%arg9 : memref<4608xi32, #tpu.memory_space<vmem>>) semaphore(%arg17 : memref<!tpu.dma_semaphore, #tpu.memory_space<semaphore_mem>>) {add = true}
    } else {
    }
    %dma_start3A_284 = arith.constant 0 : i32
    %dma_start3A_285 = tpu.memref_slice %arg15[%dma_start3A_284] : memref<522240xf32, #tpu.memory_space<vmem_shared>> -> memref<522240xf32, #tpu.memory_space<vmem_shared>>
    tpu.enqueue_indirect_dma source(%arg7 : memref<4608xf32, #tpu.memory_space<vmem>>) target(%dma_start3A_285 : memref<522240xf32, #tpu.memory_space<vmem_shared>>) offsets(%arg9 : memref<4608xi32, #tpu.memory_space<vmem>>) semaphore(%arg18 : memref<!tpu.dma_semaphore, #tpu.memory_space<semaphore_mem>>) {add = true}
    %dma_start3A_286 = arith.constant 0 : i32
    %dma_start3A_287 = tpu.memref_slice %arg16[%dma_start3A_286] : memref<522240xf32, #tpu.memory_space<vmem_shared>> -> memref<522240xf32, #tpu.memory_space<vmem_shared>>
    tpu.enqueue_indirect_dma source(%arg8 : memref<4608xf32, #tpu.memory_space<vmem>>) target(%dma_start3A_287 : memref<522240xf32, #tpu.memory_space<vmem_shared>>) offsets(%arg9 : memref<4608xi32, #tpu.memory_space<vmem>>) semaphore(%arg19 : memref<!tpu.dma_semaphore, #tpu.memory_space<semaphore_mem>>) {add = true}
    %eq3A_288 = arith.constant 0 : i32
    %eq3A_289 = arith.cmpi eq, %arg0, %eq3A_288 : i32
    %convert_element_type3A_290 = arith.extui %eq3A_289 : i1 to i32
    %cond3A_291 = arith.constant 0 : i32
    %cond3A_292 = arith.cmpi ne, %convert_element_type3A_290, %cond3A_291 : i32
    scf.if %cond3A_292 {
      %dma_wait3A_572 = arith.constant 0 : i32
      %dma_wait3A_573 = tpu.memref_slice %arg14[%dma_wait3A_572] : memref<522240xf32, #tpu.memory_space<vmem_shared>> -> memref<522240xf32, #tpu.memory_space<vmem_shared>>
      tpu.wait_indirect_dma semaphore(%arg17 : memref<!tpu.dma_semaphore, #tpu.memory_space<semaphore_mem>>) src(%arg13 : memref<4608xf32, #tpu.memory_space<vmem>>) dst(%dma_wait3A_573 : memref<522240xf32, #tpu.memory_space<vmem_shared>>)
    } else {
    }
    %dma_wait3A_293 = arith.constant 0 : i32
    %dma_wait3A_294 = tpu.memref_slice %arg15[%dma_wait3A_293] : memref<522240xf32, #tpu.memory_space<vmem_shared>> -> memref<522240xf32, #tpu.memory_space<vmem_shared>>
    tpu.wait_indirect_dma semaphore(%arg18 : memref<!tpu.dma_semaphore, #tpu.memory_space<semaphore_mem>>) src(%arg7 : memref<4608xf32, #tpu.memory_space<vmem>>) dst(%dma_wait3A_294 : memref<522240xf32, #tpu.memory_space<vmem_shared>>)
    %dma_wait3A_295 = arith.constant 0 : i32
    %dma_wait3A_296 = tpu.memref_slice %arg16[%dma_wait3A_295] : memref<522240xf32, #tpu.memory_space<vmem_shared>> -> memref<522240xf32, #tpu.memory_space<vmem_shared>>
    tpu.wait_indirect_dma semaphore(%arg19 : memref<!tpu.dma_semaphore, #tpu.memory_space<semaphore_mem>>) src(%arg8 : memref<4608xf32, #tpu.memory_space<vmem>>) dst(%dma_wait3A_296 : memref<522240xf32, #tpu.memory_space<vmem_shared>>)
    %mul3A_297 = arith.constant 64512 : i32
    %mul3A_298 = arith.muli %arg1, %mul3A_297 : i32
    %add3A_299 = arith.constant 36864 : i32
    %add3A_300 = arith.addi %mul3A_298, %add3A_299 : i32
    %dma_start3A_301 = tpu.memref_slice %arg3[%add3A_300] : memref<1032192xi32, #tpu.memory_space<hbm>> -> memref<4608xi32, #tpu.memory_space<hbm>>
    %dma_start3A_302 = tpu.memref_slice %arg3[%add3A_300] : memref<1032192xi32, #tpu.memory_space<hbm>> -> memref<4608xi32, #tpu.memory_space<hbm>>
    tpu.enqueue_dma source(%dma_start3A_302 : memref<4608xi32, #tpu.memory_space<hbm>>) target(%arg9 : memref<4608xi32, #tpu.memory_space<vmem>>) target_semaphore(%arg23 : memref<!tpu.dma_semaphore, #tpu.memory_space<semaphore_mem>>)
    %mul3A_303 = arith.constant 1032192 : i32
    %mul3A_304 = arith.muli %mul3A_2, %mul3A_303 : i32
    %add3A_305 = arith.addi %mul3A_304, %add3A_300 : i32
    %dma_start3A_306 = tpu.memref_slice %arg2[%add3A_305] : memref<4128768xf32, #tpu.memory_space<hbm>> -> memref<4608xf32, #tpu.memory_space<hbm>>
    %dma_start3A_307 = tpu.memref_slice %arg2[%add3A_305] : memref<4128768xf32, #tpu.memory_space<hbm>> -> memref<4608xf32, #tpu.memory_space<hbm>>
    tpu.enqueue_dma source(%dma_start3A_307 : memref<4608xf32, #tpu.memory_space<hbm>>) target(%arg7 : memref<4608xf32, #tpu.memory_space<vmem>>) target_semaphore(%arg24 : memref<!tpu.dma_semaphore, #tpu.memory_space<semaphore_mem>>)
    %mul3A_308 = arith.constant 1032192 : i32
    %mul3A_309 = arith.muli %add3A_5, %mul3A_308 : i32
    %add3A_310 = arith.addi %mul3A_309, %add3A_300 : i32
    %dma_start3A_311 = tpu.memref_slice %arg2[%add3A_310] : memref<4128768xf32, #tpu.memory_space<hbm>> -> memref<4608xf32, #tpu.memory_space<hbm>>
    %dma_start3A_312 = tpu.memref_slice %arg2[%add3A_310] : memref<4128768xf32, #tpu.memory_space<hbm>> -> memref<4608xf32, #tpu.memory_space<hbm>>
    tpu.enqueue_dma source(%dma_start3A_312 : memref<4608xf32, #tpu.memory_space<hbm>>) target(%arg8 : memref<4608xf32, #tpu.memory_space<vmem>>) target_semaphore(%arg25 : memref<!tpu.dma_semaphore, #tpu.memory_space<semaphore_mem>>)
    %dma_wait3A_313 = tpu.memref_slice %arg3[%add3A_260] : memref<1032192xi32, #tpu.memory_space<hbm>> -> memref<4608xi32, #tpu.memory_space<hbm>>
    %dma_wait3A_314 = tpu.memref_slice %arg3[%add3A_260] : memref<1032192xi32, #tpu.memory_space<hbm>> -> memref<4608xi32, #tpu.memory_space<hbm>>
    tpu.wait_dma2 semaphore(%arg26 : memref<!tpu.dma_semaphore, #tpu.memory_space<semaphore_mem>>) src(%dma_wait3A_314 : memref<4608xi32, #tpu.memory_space<hbm>>) dst(%arg12 : memref<4608xi32, #tpu.memory_space<vmem>>)
    %dma_wait3A_315 = tpu.memref_slice %arg2[%add3A_265] : memref<4128768xf32, #tpu.memory_space<hbm>> -> memref<4608xf32, #tpu.memory_space<hbm>>
    %dma_wait3A_316 = tpu.memref_slice %arg2[%add3A_265] : memref<4128768xf32, #tpu.memory_space<hbm>> -> memref<4608xf32, #tpu.memory_space<hbm>>
    tpu.wait_dma2 semaphore(%arg27 : memref<!tpu.dma_semaphore, #tpu.memory_space<semaphore_mem>>) src(%dma_wait3A_316 : memref<4608xf32, #tpu.memory_space<hbm>>) dst(%arg10 : memref<4608xf32, #tpu.memory_space<vmem>>)
    %dma_wait3A_317 = tpu.memref_slice %arg2[%add3A_270] : memref<4128768xf32, #tpu.memory_space<hbm>> -> memref<4608xf32, #tpu.memory_space<hbm>>
    %dma_wait3A_318 = tpu.memref_slice %arg2[%add3A_270] : memref<4128768xf32, #tpu.memory_space<hbm>> -> memref<4608xf32, #tpu.memory_space<hbm>>
    tpu.wait_dma2 semaphore(%arg28 : memref<!tpu.dma_semaphore, #tpu.memory_space<semaphore_mem>>) src(%dma_wait3A_318 : memref<4608xf32, #tpu.memory_space<hbm>>) dst(%arg11 : memref<4608xf32, #tpu.memory_space<vmem>>)
    %eq3A_319 = arith.constant 1 : i32
    %eq3A_320 = arith.cmpi eq, %arg0, %eq3A_319 : i32
    %convert_element_type3A_321 = arith.extui %eq3A_320 : i1 to i32
    %cond3A_322 = arith.constant 0 : i32
    %cond3A_323 = arith.cmpi ne, %convert_element_type3A_321, %cond3A_322 : i32
    scf.if %cond3A_323 {
      %dma_start3A_572 = arith.constant 0 : i32
      %dma_start3A_573 = tpu.memref_slice %arg14[%dma_start3A_572] : memref<522240xf32, #tpu.memory_space<vmem_shared>> -> memref<522240xf32, #tpu.memory_space<vmem_shared>>
      tpu.enqueue_indirect_dma source(%arg13 : memref<4608xf32, #tpu.memory_space<vmem>>) target(%dma_start3A_573 : memref<522240xf32, #tpu.memory_space<vmem_shared>>) offsets(%arg12 : memref<4608xi32, #tpu.memory_space<vmem>>) semaphore(%arg20 : memref<!tpu.dma_semaphore, #tpu.memory_space<semaphore_mem>>) {add = true}
    } else {
    }
    %dma_start3A_324 = arith.constant 0 : i32
    %dma_start3A_325 = tpu.memref_slice %arg15[%dma_start3A_324] : memref<522240xf32, #tpu.memory_space<vmem_shared>> -> memref<522240xf32, #tpu.memory_space<vmem_shared>>
    tpu.enqueue_indirect_dma source(%arg10 : memref<4608xf32, #tpu.memory_space<vmem>>) target(%dma_start3A_325 : memref<522240xf32, #tpu.memory_space<vmem_shared>>) offsets(%arg12 : memref<4608xi32, #tpu.memory_space<vmem>>) semaphore(%arg21 : memref<!tpu.dma_semaphore, #tpu.memory_space<semaphore_mem>>) {add = true}
    %dma_start3A_326 = arith.constant 0 : i32
    %dma_start3A_327 = tpu.memref_slice %arg16[%dma_start3A_326] : memref<522240xf32, #tpu.memory_space<vmem_shared>> -> memref<522240xf32, #tpu.memory_space<vmem_shared>>
    tpu.enqueue_indirect_dma source(%arg11 : memref<4608xf32, #tpu.memory_space<vmem>>) target(%dma_start3A_327 : memref<522240xf32, #tpu.memory_space<vmem_shared>>) offsets(%arg12 : memref<4608xi32, #tpu.memory_space<vmem>>) semaphore(%arg22 : memref<!tpu.dma_semaphore, #tpu.memory_space<semaphore_mem>>) {add = true}
    %eq3A_328 = arith.constant 1 : i32
    %eq3A_329 = arith.cmpi eq, %arg0, %eq3A_328 : i32
    %convert_element_type3A_330 = arith.extui %eq3A_329 : i1 to i32
    %cond3A_331 = arith.constant 0 : i32
    %cond3A_332 = arith.cmpi ne, %convert_element_type3A_330, %cond3A_331 : i32
    scf.if %cond3A_332 {
      %dma_wait3A_572 = arith.constant 0 : i32
      %dma_wait3A_573 = tpu.memref_slice %arg14[%dma_wait3A_572] : memref<522240xf32, #tpu.memory_space<vmem_shared>> -> memref<522240xf32, #tpu.memory_space<vmem_shared>>
      tpu.wait_indirect_dma semaphore(%arg20 : memref<!tpu.dma_semaphore, #tpu.memory_space<semaphore_mem>>) src(%arg13 : memref<4608xf32, #tpu.memory_space<vmem>>) dst(%dma_wait3A_573 : memref<522240xf32, #tpu.memory_space<vmem_shared>>)
    } else {
    }
    %dma_wait3A_333 = arith.constant 0 : i32
    %dma_wait3A_334 = tpu.memref_slice %arg15[%dma_wait3A_333] : memref<522240xf32, #tpu.memory_space<vmem_shared>> -> memref<522240xf32, #tpu.memory_space<vmem_shared>>
    tpu.wait_indirect_dma semaphore(%arg21 : memref<!tpu.dma_semaphore, #tpu.memory_space<semaphore_mem>>) src(%arg10 : memref<4608xf32, #tpu.memory_space<vmem>>) dst(%dma_wait3A_334 : memref<522240xf32, #tpu.memory_space<vmem_shared>>)
    %dma_wait3A_335 = arith.constant 0 : i32
    %dma_wait3A_336 = tpu.memref_slice %arg16[%dma_wait3A_335] : memref<522240xf32, #tpu.memory_space<vmem_shared>> -> memref<522240xf32, #tpu.memory_space<vmem_shared>>
    tpu.wait_indirect_dma semaphore(%arg22 : memref<!tpu.dma_semaphore, #tpu.memory_space<semaphore_mem>>) src(%arg11 : memref<4608xf32, #tpu.memory_space<vmem>>) dst(%dma_wait3A_336 : memref<522240xf32, #tpu.memory_space<vmem_shared>>)
    %mul3A_337 = arith.constant 64512 : i32
    %mul3A_338 = arith.muli %arg1, %mul3A_337 : i32
    %add3A_339 = arith.constant 41472 : i32
    %add3A_340 = arith.addi %mul3A_338, %add3A_339 : i32
    %dma_start3A_341 = tpu.memref_slice %arg3[%add3A_340] : memref<1032192xi32, #tpu.memory_space<hbm>> -> memref<4608xi32, #tpu.memory_space<hbm>>
    %dma_start3A_342 = tpu.memref_slice %arg3[%add3A_340] : memref<1032192xi32, #tpu.memory_space<hbm>> -> memref<4608xi32, #tpu.memory_space<hbm>>
    tpu.enqueue_dma source(%dma_start3A_342 : memref<4608xi32, #tpu.memory_space<hbm>>) target(%arg12 : memref<4608xi32, #tpu.memory_space<vmem>>) target_semaphore(%arg26 : memref<!tpu.dma_semaphore, #tpu.memory_space<semaphore_mem>>)
    %mul3A_343 = arith.constant 1032192 : i32
    %mul3A_344 = arith.muli %mul3A_2, %mul3A_343 : i32
    %add3A_345 = arith.addi %mul3A_344, %add3A_340 : i32
    %dma_start3A_346 = tpu.memref_slice %arg2[%add3A_345] : memref<4128768xf32, #tpu.memory_space<hbm>> -> memref<4608xf32, #tpu.memory_space<hbm>>
    %dma_start3A_347 = tpu.memref_slice %arg2[%add3A_345] : memref<4128768xf32, #tpu.memory_space<hbm>> -> memref<4608xf32, #tpu.memory_space<hbm>>
    tpu.enqueue_dma source(%dma_start3A_347 : memref<4608xf32, #tpu.memory_space<hbm>>) target(%arg10 : memref<4608xf32, #tpu.memory_space<vmem>>) target_semaphore(%arg27 : memref<!tpu.dma_semaphore, #tpu.memory_space<semaphore_mem>>)
    %mul3A_348 = arith.constant 1032192 : i32
    %mul3A_349 = arith.muli %add3A_5, %mul3A_348 : i32
    %add3A_350 = arith.addi %mul3A_349, %add3A_340 : i32
    %dma_start3A_351 = tpu.memref_slice %arg2[%add3A_350] : memref<4128768xf32, #tpu.memory_space<hbm>> -> memref<4608xf32, #tpu.memory_space<hbm>>
    %dma_start3A_352 = tpu.memref_slice %arg2[%add3A_350] : memref<4128768xf32, #tpu.memory_space<hbm>> -> memref<4608xf32, #tpu.memory_space<hbm>>
    tpu.enqueue_dma source(%dma_start3A_352 : memref<4608xf32, #tpu.memory_space<hbm>>) target(%arg11 : memref<4608xf32, #tpu.memory_space<vmem>>) target_semaphore(%arg28 : memref<!tpu.dma_semaphore, #tpu.memory_space<semaphore_mem>>)
    %dma_wait3A_353 = tpu.memref_slice %arg3[%add3A_300] : memref<1032192xi32, #tpu.memory_space<hbm>> -> memref<4608xi32, #tpu.memory_space<hbm>>
    %dma_wait3A_354 = tpu.memref_slice %arg3[%add3A_300] : memref<1032192xi32, #tpu.memory_space<hbm>> -> memref<4608xi32, #tpu.memory_space<hbm>>
    tpu.wait_dma2 semaphore(%arg23 : memref<!tpu.dma_semaphore, #tpu.memory_space<semaphore_mem>>) src(%dma_wait3A_354 : memref<4608xi32, #tpu.memory_space<hbm>>) dst(%arg9 : memref<4608xi32, #tpu.memory_space<vmem>>)
    %dma_wait3A_355 = tpu.memref_slice %arg2[%add3A_305] : memref<4128768xf32, #tpu.memory_space<hbm>> -> memref<4608xf32, #tpu.memory_space<hbm>>
    %dma_wait3A_356 = tpu.memref_slice %arg2[%add3A_305] : memref<4128768xf32, #tpu.memory_space<hbm>> -> memref<4608xf32, #tpu.memory_space<hbm>>
    tpu.wait_dma2 semaphore(%arg24 : memref<!tpu.dma_semaphore, #tpu.memory_space<semaphore_mem>>) src(%dma_wait3A_356 : memref<4608xf32, #tpu.memory_space<hbm>>) dst(%arg7 : memref<4608xf32, #tpu.memory_space<vmem>>)
    %dma_wait3A_357 = tpu.memref_slice %arg2[%add3A_310] : memref<4128768xf32, #tpu.memory_space<hbm>> -> memref<4608xf32, #tpu.memory_space<hbm>>
    %dma_wait3A_358 = tpu.memref_slice %arg2[%add3A_310] : memref<4128768xf32, #tpu.memory_space<hbm>> -> memref<4608xf32, #tpu.memory_space<hbm>>
    tpu.wait_dma2 semaphore(%arg25 : memref<!tpu.dma_semaphore, #tpu.memory_space<semaphore_mem>>) src(%dma_wait3A_358 : memref<4608xf32, #tpu.memory_space<hbm>>) dst(%arg8 : memref<4608xf32, #tpu.memory_space<vmem>>)
    %eq3A_359 = arith.constant 1 : i32
    %eq3A_360 = arith.cmpi eq, %arg0, %eq3A_359 : i32
    %convert_element_type3A_361 = arith.extui %eq3A_360 : i1 to i32
    %cond3A_362 = arith.constant 0 : i32
    %cond3A_363 = arith.cmpi ne, %convert_element_type3A_361, %cond3A_362 : i32
    scf.if %cond3A_363 {
      %dma_start3A_572 = arith.constant 0 : i32
      %dma_start3A_573 = tpu.memref_slice %arg14[%dma_start3A_572] : memref<522240xf32, #tpu.memory_space<vmem_shared>> -> memref<522240xf32, #tpu.memory_space<vmem_shared>>
      tpu.enqueue_indirect_dma source(%arg13 : memref<4608xf32, #tpu.memory_space<vmem>>) target(%dma_start3A_573 : memref<522240xf32, #tpu.memory_space<vmem_shared>>) offsets(%arg9 : memref<4608xi32, #tpu.memory_space<vmem>>) semaphore(%arg17 : memref<!tpu.dma_semaphore, #tpu.memory_space<semaphore_mem>>) {add = true}
    } else {
    }
    %dma_start3A_364 = arith.constant 0 : i32
    %dma_start3A_365 = tpu.memref_slice %arg15[%dma_start3A_364] : memref<522240xf32, #tpu.memory_space<vmem_shared>> -> memref<522240xf32, #tpu.memory_space<vmem_shared>>
    tpu.enqueue_indirect_dma source(%arg7 : memref<4608xf32, #tpu.memory_space<vmem>>) target(%dma_start3A_365 : memref<522240xf32, #tpu.memory_space<vmem_shared>>) offsets(%arg9 : memref<4608xi32, #tpu.memory_space<vmem>>) semaphore(%arg18 : memref<!tpu.dma_semaphore, #tpu.memory_space<semaphore_mem>>) {add = true}
    %dma_start3A_366 = arith.constant 0 : i32
    %dma_start3A_367 = tpu.memref_slice %arg16[%dma_start3A_366] : memref<522240xf32, #tpu.memory_space<vmem_shared>> -> memref<522240xf32, #tpu.memory_space<vmem_shared>>
    tpu.enqueue_indirect_dma source(%arg8 : memref<4608xf32, #tpu.memory_space<vmem>>) target(%dma_start3A_367 : memref<522240xf32, #tpu.memory_space<vmem_shared>>) offsets(%arg9 : memref<4608xi32, #tpu.memory_space<vmem>>) semaphore(%arg19 : memref<!tpu.dma_semaphore, #tpu.memory_space<semaphore_mem>>) {add = true}
    %eq3A_368 = arith.constant 1 : i32
    %eq3A_369 = arith.cmpi eq, %arg0, %eq3A_368 : i32
    %convert_element_type3A_370 = arith.extui %eq3A_369 : i1 to i32
    %cond3A_371 = arith.constant 0 : i32
    %cond3A_372 = arith.cmpi ne, %convert_element_type3A_370, %cond3A_371 : i32
    scf.if %cond3A_372 {
      %dma_wait3A_572 = arith.constant 0 : i32
      %dma_wait3A_573 = tpu.memref_slice %arg14[%dma_wait3A_572] : memref<522240xf32, #tpu.memory_space<vmem_shared>> -> memref<522240xf32, #tpu.memory_space<vmem_shared>>
      tpu.wait_indirect_dma semaphore(%arg17 : memref<!tpu.dma_semaphore, #tpu.memory_space<semaphore_mem>>) src(%arg13 : memref<4608xf32, #tpu.memory_space<vmem>>) dst(%dma_wait3A_573 : memref<522240xf32, #tpu.memory_space<vmem_shared>>)
    } else {
    }
    %dma_wait3A_373 = arith.constant 0 : i32
    %dma_wait3A_374 = tpu.memref_slice %arg15[%dma_wait3A_373] : memref<522240xf32, #tpu.memory_space<vmem_shared>> -> memref<522240xf32, #tpu.memory_space<vmem_shared>>
    tpu.wait_indirect_dma semaphore(%arg18 : memref<!tpu.dma_semaphore, #tpu.memory_space<semaphore_mem>>) src(%arg7 : memref<4608xf32, #tpu.memory_space<vmem>>) dst(%dma_wait3A_374 : memref<522240xf32, #tpu.memory_space<vmem_shared>>)
    %dma_wait3A_375 = arith.constant 0 : i32
    %dma_wait3A_376 = tpu.memref_slice %arg16[%dma_wait3A_375] : memref<522240xf32, #tpu.memory_space<vmem_shared>> -> memref<522240xf32, #tpu.memory_space<vmem_shared>>
    tpu.wait_indirect_dma semaphore(%arg19 : memref<!tpu.dma_semaphore, #tpu.memory_space<semaphore_mem>>) src(%arg8 : memref<4608xf32, #tpu.memory_space<vmem>>) dst(%dma_wait3A_376 : memref<522240xf32, #tpu.memory_space<vmem_shared>>)
    %mul3A_377 = arith.constant 64512 : i32
    %mul3A_378 = arith.muli %arg1, %mul3A_377 : i32
    %add3A_379 = arith.constant 46080 : i32
    %add3A_380 = arith.addi %mul3A_378, %add3A_379 : i32
    %dma_start3A_381 = tpu.memref_slice %arg3[%add3A_380] : memref<1032192xi32, #tpu.memory_space<hbm>> -> memref<4608xi32, #tpu.memory_space<hbm>>
    %dma_start3A_382 = tpu.memref_slice %arg3[%add3A_380] : memref<1032192xi32, #tpu.memory_space<hbm>> -> memref<4608xi32, #tpu.memory_space<hbm>>
    tpu.enqueue_dma source(%dma_start3A_382 : memref<4608xi32, #tpu.memory_space<hbm>>) target(%arg9 : memref<4608xi32, #tpu.memory_space<vmem>>) target_semaphore(%arg23 : memref<!tpu.dma_semaphore, #tpu.memory_space<semaphore_mem>>)
    %mul3A_383 = arith.constant 1032192 : i32
    %mul3A_384 = arith.muli %mul3A_2, %mul3A_383 : i32
    %add3A_385 = arith.addi %mul3A_384, %add3A_380 : i32
    %dma_start3A_386 = tpu.memref_slice %arg2[%add3A_385] : memref<4128768xf32, #tpu.memory_space<hbm>> -> memref<4608xf32, #tpu.memory_space<hbm>>
    %dma_start3A_387 = tpu.memref_slice %arg2[%add3A_385] : memref<4128768xf32, #tpu.memory_space<hbm>> -> memref<4608xf32, #tpu.memory_space<hbm>>
    tpu.enqueue_dma source(%dma_start3A_387 : memref<4608xf32, #tpu.memory_space<hbm>>) target(%arg7 : memref<4608xf32, #tpu.memory_space<vmem>>) target_semaphore(%arg24 : memref<!tpu.dma_semaphore, #tpu.memory_space<semaphore_mem>>)
    %mul3A_388 = arith.constant 1032192 : i32
    %mul3A_389 = arith.muli %add3A_5, %mul3A_388 : i32
    %add3A_390 = arith.addi %mul3A_389, %add3A_380 : i32
    %dma_start3A_391 = tpu.memref_slice %arg2[%add3A_390] : memref<4128768xf32, #tpu.memory_space<hbm>> -> memref<4608xf32, #tpu.memory_space<hbm>>
    %dma_start3A_392 = tpu.memref_slice %arg2[%add3A_390] : memref<4128768xf32, #tpu.memory_space<hbm>> -> memref<4608xf32, #tpu.memory_space<hbm>>
    tpu.enqueue_dma source(%dma_start3A_392 : memref<4608xf32, #tpu.memory_space<hbm>>) target(%arg8 : memref<4608xf32, #tpu.memory_space<vmem>>) target_semaphore(%arg25 : memref<!tpu.dma_semaphore, #tpu.memory_space<semaphore_mem>>)
    %dma_wait3A_393 = tpu.memref_slice %arg3[%add3A_340] : memref<1032192xi32, #tpu.memory_space<hbm>> -> memref<4608xi32, #tpu.memory_space<hbm>>
    %dma_wait3A_394 = tpu.memref_slice %arg3[%add3A_340] : memref<1032192xi32, #tpu.memory_space<hbm>> -> memref<4608xi32, #tpu.memory_space<hbm>>
    tpu.wait_dma2 semaphore(%arg26 : memref<!tpu.dma_semaphore, #tpu.memory_space<semaphore_mem>>) src(%dma_wait3A_394 : memref<4608xi32, #tpu.memory_space<hbm>>) dst(%arg12 : memref<4608xi32, #tpu.memory_space<vmem>>)
    %dma_wait3A_395 = tpu.memref_slice %arg2[%add3A_345] : memref<4128768xf32, #tpu.memory_space<hbm>> -> memref<4608xf32, #tpu.memory_space<hbm>>
    %dma_wait3A_396 = tpu.memref_slice %arg2[%add3A_345] : memref<4128768xf32, #tpu.memory_space<hbm>> -> memref<4608xf32, #tpu.memory_space<hbm>>
    tpu.wait_dma2 semaphore(%arg27 : memref<!tpu.dma_semaphore, #tpu.memory_space<semaphore_mem>>) src(%dma_wait3A_396 : memref<4608xf32, #tpu.memory_space<hbm>>) dst(%arg10 : memref<4608xf32, #tpu.memory_space<vmem>>)
    %dma_wait3A_397 = tpu.memref_slice %arg2[%add3A_350] : memref<4128768xf32, #tpu.memory_space<hbm>> -> memref<4608xf32, #tpu.memory_space<hbm>>
    %dma_wait3A_398 = tpu.memref_slice %arg2[%add3A_350] : memref<4128768xf32, #tpu.memory_space<hbm>> -> memref<4608xf32, #tpu.memory_space<hbm>>
    tpu.wait_dma2 semaphore(%arg28 : memref<!tpu.dma_semaphore, #tpu.memory_space<semaphore_mem>>) src(%dma_wait3A_398 : memref<4608xf32, #tpu.memory_space<hbm>>) dst(%arg11 : memref<4608xf32, #tpu.memory_space<vmem>>)
    %eq3A_399 = arith.constant 1 : i32
    %eq3A_400 = arith.cmpi eq, %arg0, %eq3A_399 : i32
    %convert_element_type3A_401 = arith.extui %eq3A_400 : i1 to i32
    %cond3A_402 = arith.constant 0 : i32
    %cond3A_403 = arith.cmpi ne, %convert_element_type3A_401, %cond3A_402 : i32
    scf.if %cond3A_403 {
      %dma_start3A_572 = arith.constant 0 : i32
      %dma_start3A_573 = tpu.memref_slice %arg14[%dma_start3A_572] : memref<522240xf32, #tpu.memory_space<vmem_shared>> -> memref<522240xf32, #tpu.memory_space<vmem_shared>>
      tpu.enqueue_indirect_dma source(%arg13 : memref<4608xf32, #tpu.memory_space<vmem>>) target(%dma_start3A_573 : memref<522240xf32, #tpu.memory_space<vmem_shared>>) offsets(%arg12 : memref<4608xi32, #tpu.memory_space<vmem>>) semaphore(%arg20 : memref<!tpu.dma_semaphore, #tpu.memory_space<semaphore_mem>>) {add = true}
    } else {
    }
    %dma_start3A_404 = arith.constant 0 : i32
    %dma_start3A_405 = tpu.memref_slice %arg15[%dma_start3A_404] : memref<522240xf32, #tpu.memory_space<vmem_shared>> -> memref<522240xf32, #tpu.memory_space<vmem_shared>>
    tpu.enqueue_indirect_dma source(%arg10 : memref<4608xf32, #tpu.memory_space<vmem>>) target(%dma_start3A_405 : memref<522240xf32, #tpu.memory_space<vmem_shared>>) offsets(%arg12 : memref<4608xi32, #tpu.memory_space<vmem>>) semaphore(%arg21 : memref<!tpu.dma_semaphore, #tpu.memory_space<semaphore_mem>>) {add = true}
    %dma_start3A_406 = arith.constant 0 : i32
    %dma_start3A_407 = tpu.memref_slice %arg16[%dma_start3A_406] : memref<522240xf32, #tpu.memory_space<vmem_shared>> -> memref<522240xf32, #tpu.memory_space<vmem_shared>>
    tpu.enqueue_indirect_dma source(%arg11 : memref<4608xf32, #tpu.memory_space<vmem>>) target(%dma_start3A_407 : memref<522240xf32, #tpu.memory_space<vmem_shared>>) offsets(%arg12 : memref<4608xi32, #tpu.memory_space<vmem>>) semaphore(%arg22 : memref<!tpu.dma_semaphore, #tpu.memory_space<semaphore_mem>>) {add = true}
    %eq3A_408 = arith.constant 1 : i32
    %eq3A_409 = arith.cmpi eq, %arg0, %eq3A_408 : i32
    %convert_element_type3A_410 = arith.extui %eq3A_409 : i1 to i32
    %cond3A_411 = arith.constant 0 : i32
    %cond3A_412 = arith.cmpi ne, %convert_element_type3A_410, %cond3A_411 : i32
    scf.if %cond3A_412 {
      %dma_wait3A_572 = arith.constant 0 : i32
      %dma_wait3A_573 = tpu.memref_slice %arg14[%dma_wait3A_572] : memref<522240xf32, #tpu.memory_space<vmem_shared>> -> memref<522240xf32, #tpu.memory_space<vmem_shared>>
      tpu.wait_indirect_dma semaphore(%arg20 : memref<!tpu.dma_semaphore, #tpu.memory_space<semaphore_mem>>) src(%arg13 : memref<4608xf32, #tpu.memory_space<vmem>>) dst(%dma_wait3A_573 : memref<522240xf32, #tpu.memory_space<vmem_shared>>)
    } else {
    }
    %dma_wait3A_413 = arith.constant 0 : i32
    %dma_wait3A_414 = tpu.memref_slice %arg15[%dma_wait3A_413] : memref<522240xf32, #tpu.memory_space<vmem_shared>> -> memref<522240xf32, #tpu.memory_space<vmem_shared>>
    tpu.wait_indirect_dma semaphore(%arg21 : memref<!tpu.dma_semaphore, #tpu.memory_space<semaphore_mem>>) src(%arg10 : memref<4608xf32, #tpu.memory_space<vmem>>) dst(%dma_wait3A_414 : memref<522240xf32, #tpu.memory_space<vmem_shared>>)
    %dma_wait3A_415 = arith.constant 0 : i32
    %dma_wait3A_416 = tpu.memref_slice %arg16[%dma_wait3A_415] : memref<522240xf32, #tpu.memory_space<vmem_shared>> -> memref<522240xf32, #tpu.memory_space<vmem_shared>>
    tpu.wait_indirect_dma semaphore(%arg22 : memref<!tpu.dma_semaphore, #tpu.memory_space<semaphore_mem>>) src(%arg11 : memref<4608xf32, #tpu.memory_space<vmem>>) dst(%dma_wait3A_416 : memref<522240xf32, #tpu.memory_space<vmem_shared>>)
    %mul3A_417 = arith.constant 64512 : i32
    %mul3A_418 = arith.muli %arg1, %mul3A_417 : i32
    %add3A_419 = arith.constant 50688 : i32
    %add3A_420 = arith.addi %mul3A_418, %add3A_419 : i32
    %dma_start3A_421 = tpu.memref_slice %arg3[%add3A_420] : memref<1032192xi32, #tpu.memory_space<hbm>> -> memref<4608xi32, #tpu.memory_space<hbm>>
    %dma_start3A_422 = tpu.memref_slice %arg3[%add3A_420] : memref<1032192xi32, #tpu.memory_space<hbm>> -> memref<4608xi32, #tpu.memory_space<hbm>>
    tpu.enqueue_dma source(%dma_start3A_422 : memref<4608xi32, #tpu.memory_space<hbm>>) target(%arg12 : memref<4608xi32, #tpu.memory_space<vmem>>) target_semaphore(%arg26 : memref<!tpu.dma_semaphore, #tpu.memory_space<semaphore_mem>>)
    %mul3A_423 = arith.constant 1032192 : i32
    %mul3A_424 = arith.muli %mul3A_2, %mul3A_423 : i32
    %add3A_425 = arith.addi %mul3A_424, %add3A_420 : i32
    %dma_start3A_426 = tpu.memref_slice %arg2[%add3A_425] : memref<4128768xf32, #tpu.memory_space<hbm>> -> memref<4608xf32, #tpu.memory_space<hbm>>
    %dma_start3A_427 = tpu.memref_slice %arg2[%add3A_425] : memref<4128768xf32, #tpu.memory_space<hbm>> -> memref<4608xf32, #tpu.memory_space<hbm>>
    tpu.enqueue_dma source(%dma_start3A_427 : memref<4608xf32, #tpu.memory_space<hbm>>) target(%arg10 : memref<4608xf32, #tpu.memory_space<vmem>>) target_semaphore(%arg27 : memref<!tpu.dma_semaphore, #tpu.memory_space<semaphore_mem>>)
    %mul3A_428 = arith.constant 1032192 : i32
    %mul3A_429 = arith.muli %add3A_5, %mul3A_428 : i32
    %add3A_430 = arith.addi %mul3A_429, %add3A_420 : i32
    %dma_start3A_431 = tpu.memref_slice %arg2[%add3A_430] : memref<4128768xf32, #tpu.memory_space<hbm>> -> memref<4608xf32, #tpu.memory_space<hbm>>
    %dma_start3A_432 = tpu.memref_slice %arg2[%add3A_430] : memref<4128768xf32, #tpu.memory_space<hbm>> -> memref<4608xf32, #tpu.memory_space<hbm>>
    tpu.enqueue_dma source(%dma_start3A_432 : memref<4608xf32, #tpu.memory_space<hbm>>) target(%arg11 : memref<4608xf32, #tpu.memory_space<vmem>>) target_semaphore(%arg28 : memref<!tpu.dma_semaphore, #tpu.memory_space<semaphore_mem>>)
    %dma_wait3A_433 = tpu.memref_slice %arg3[%add3A_380] : memref<1032192xi32, #tpu.memory_space<hbm>> -> memref<4608xi32, #tpu.memory_space<hbm>>
    %dma_wait3A_434 = tpu.memref_slice %arg3[%add3A_380] : memref<1032192xi32, #tpu.memory_space<hbm>> -> memref<4608xi32, #tpu.memory_space<hbm>>
    tpu.wait_dma2 semaphore(%arg23 : memref<!tpu.dma_semaphore, #tpu.memory_space<semaphore_mem>>) src(%dma_wait3A_434 : memref<4608xi32, #tpu.memory_space<hbm>>) dst(%arg9 : memref<4608xi32, #tpu.memory_space<vmem>>)
    %dma_wait3A_435 = tpu.memref_slice %arg2[%add3A_385] : memref<4128768xf32, #tpu.memory_space<hbm>> -> memref<4608xf32, #tpu.memory_space<hbm>>
    %dma_wait3A_436 = tpu.memref_slice %arg2[%add3A_385] : memref<4128768xf32, #tpu.memory_space<hbm>> -> memref<4608xf32, #tpu.memory_space<hbm>>
    tpu.wait_dma2 semaphore(%arg24 : memref<!tpu.dma_semaphore, #tpu.memory_space<semaphore_mem>>) src(%dma_wait3A_436 : memref<4608xf32, #tpu.memory_space<hbm>>) dst(%arg7 : memref<4608xf32, #tpu.memory_space<vmem>>)
    %dma_wait3A_437 = tpu.memref_slice %arg2[%add3A_390] : memref<4128768xf32, #tpu.memory_space<hbm>> -> memref<4608xf32, #tpu.memory_space<hbm>>
    %dma_wait3A_438 = tpu.memref_slice %arg2[%add3A_390] : memref<4128768xf32, #tpu.memory_space<hbm>> -> memref<4608xf32, #tpu.memory_space<hbm>>
    tpu.wait_dma2 semaphore(%arg25 : memref<!tpu.dma_semaphore, #tpu.memory_space<semaphore_mem>>) src(%dma_wait3A_438 : memref<4608xf32, #tpu.memory_space<hbm>>) dst(%arg8 : memref<4608xf32, #tpu.memory_space<vmem>>)
    %eq3A_439 = arith.constant 1 : i32
    %eq3A_440 = arith.cmpi eq, %arg0, %eq3A_439 : i32
    %convert_element_type3A_441 = arith.extui %eq3A_440 : i1 to i32
    %cond3A_442 = arith.constant 0 : i32
    %cond3A_443 = arith.cmpi ne, %convert_element_type3A_441, %cond3A_442 : i32
    scf.if %cond3A_443 {
      %dma_start3A_572 = arith.constant 0 : i32
      %dma_start3A_573 = tpu.memref_slice %arg14[%dma_start3A_572] : memref<522240xf32, #tpu.memory_space<vmem_shared>> -> memref<522240xf32, #tpu.memory_space<vmem_shared>>
      tpu.enqueue_indirect_dma source(%arg13 : memref<4608xf32, #tpu.memory_space<vmem>>) target(%dma_start3A_573 : memref<522240xf32, #tpu.memory_space<vmem_shared>>) offsets(%arg9 : memref<4608xi32, #tpu.memory_space<vmem>>) semaphore(%arg17 : memref<!tpu.dma_semaphore, #tpu.memory_space<semaphore_mem>>) {add = true}
    } else {
    }
    %dma_start3A_444 = arith.constant 0 : i32
    %dma_start3A_445 = tpu.memref_slice %arg15[%dma_start3A_444] : memref<522240xf32, #tpu.memory_space<vmem_shared>> -> memref<522240xf32, #tpu.memory_space<vmem_shared>>
    tpu.enqueue_indirect_dma source(%arg7 : memref<4608xf32, #tpu.memory_space<vmem>>) target(%dma_start3A_445 : memref<522240xf32, #tpu.memory_space<vmem_shared>>) offsets(%arg9 : memref<4608xi32, #tpu.memory_space<vmem>>) semaphore(%arg18 : memref<!tpu.dma_semaphore, #tpu.memory_space<semaphore_mem>>) {add = true}
    %dma_start3A_446 = arith.constant 0 : i32
    %dma_start3A_447 = tpu.memref_slice %arg16[%dma_start3A_446] : memref<522240xf32, #tpu.memory_space<vmem_shared>> -> memref<522240xf32, #tpu.memory_space<vmem_shared>>
    tpu.enqueue_indirect_dma source(%arg8 : memref<4608xf32, #tpu.memory_space<vmem>>) target(%dma_start3A_447 : memref<522240xf32, #tpu.memory_space<vmem_shared>>) offsets(%arg9 : memref<4608xi32, #tpu.memory_space<vmem>>) semaphore(%arg19 : memref<!tpu.dma_semaphore, #tpu.memory_space<semaphore_mem>>) {add = true}
    %eq3A_448 = arith.constant 1 : i32
    %eq3A_449 = arith.cmpi eq, %arg0, %eq3A_448 : i32
    %convert_element_type3A_450 = arith.extui %eq3A_449 : i1 to i32
    %cond3A_451 = arith.constant 0 : i32
    %cond3A_452 = arith.cmpi ne, %convert_element_type3A_450, %cond3A_451 : i32
    scf.if %cond3A_452 {
      %dma_wait3A_572 = arith.constant 0 : i32
      %dma_wait3A_573 = tpu.memref_slice %arg14[%dma_wait3A_572] : memref<522240xf32, #tpu.memory_space<vmem_shared>> -> memref<522240xf32, #tpu.memory_space<vmem_shared>>
      tpu.wait_indirect_dma semaphore(%arg17 : memref<!tpu.dma_semaphore, #tpu.memory_space<semaphore_mem>>) src(%arg13 : memref<4608xf32, #tpu.memory_space<vmem>>) dst(%dma_wait3A_573 : memref<522240xf32, #tpu.memory_space<vmem_shared>>)
    } else {
    }
    %dma_wait3A_453 = arith.constant 0 : i32
    %dma_wait3A_454 = tpu.memref_slice %arg15[%dma_wait3A_453] : memref<522240xf32, #tpu.memory_space<vmem_shared>> -> memref<522240xf32, #tpu.memory_space<vmem_shared>>
    tpu.wait_indirect_dma semaphore(%arg18 : memref<!tpu.dma_semaphore, #tpu.memory_space<semaphore_mem>>) src(%arg7 : memref<4608xf32, #tpu.memory_space<vmem>>) dst(%dma_wait3A_454 : memref<522240xf32, #tpu.memory_space<vmem_shared>>)
    %dma_wait3A_455 = arith.constant 0 : i32
    %dma_wait3A_456 = tpu.memref_slice %arg16[%dma_wait3A_455] : memref<522240xf32, #tpu.memory_space<vmem_shared>> -> memref<522240xf32, #tpu.memory_space<vmem_shared>>
    tpu.wait_indirect_dma semaphore(%arg19 : memref<!tpu.dma_semaphore, #tpu.memory_space<semaphore_mem>>) src(%arg8 : memref<4608xf32, #tpu.memory_space<vmem>>) dst(%dma_wait3A_456 : memref<522240xf32, #tpu.memory_space<vmem_shared>>)
    %mul3A_457 = arith.constant 64512 : i32
    %mul3A_458 = arith.muli %arg1, %mul3A_457 : i32
    %add3A_459 = arith.constant 55296 : i32
    %add3A_460 = arith.addi %mul3A_458, %add3A_459 : i32
    %dma_start3A_461 = tpu.memref_slice %arg3[%add3A_460] : memref<1032192xi32, #tpu.memory_space<hbm>> -> memref<4608xi32, #tpu.memory_space<hbm>>
    %dma_start3A_462 = tpu.memref_slice %arg3[%add3A_460] : memref<1032192xi32, #tpu.memory_space<hbm>> -> memref<4608xi32, #tpu.memory_space<hbm>>
    tpu.enqueue_dma source(%dma_start3A_462 : memref<4608xi32, #tpu.memory_space<hbm>>) target(%arg9 : memref<4608xi32, #tpu.memory_space<vmem>>) target_semaphore(%arg23 : memref<!tpu.dma_semaphore, #tpu.memory_space<semaphore_mem>>)
    %mul3A_463 = arith.constant 1032192 : i32
    %mul3A_464 = arith.muli %mul3A_2, %mul3A_463 : i32
    %add3A_465 = arith.addi %mul3A_464, %add3A_460 : i32
    %dma_start3A_466 = tpu.memref_slice %arg2[%add3A_465] : memref<4128768xf32, #tpu.memory_space<hbm>> -> memref<4608xf32, #tpu.memory_space<hbm>>
    %dma_start3A_467 = tpu.memref_slice %arg2[%add3A_465] : memref<4128768xf32, #tpu.memory_space<hbm>> -> memref<4608xf32, #tpu.memory_space<hbm>>
    tpu.enqueue_dma source(%dma_start3A_467 : memref<4608xf32, #tpu.memory_space<hbm>>) target(%arg7 : memref<4608xf32, #tpu.memory_space<vmem>>) target_semaphore(%arg24 : memref<!tpu.dma_semaphore, #tpu.memory_space<semaphore_mem>>)
    %mul3A_468 = arith.constant 1032192 : i32
    %mul3A_469 = arith.muli %add3A_5, %mul3A_468 : i32
    %add3A_470 = arith.addi %mul3A_469, %add3A_460 : i32
    %dma_start3A_471 = tpu.memref_slice %arg2[%add3A_470] : memref<4128768xf32, #tpu.memory_space<hbm>> -> memref<4608xf32, #tpu.memory_space<hbm>>
    %dma_start3A_472 = tpu.memref_slice %arg2[%add3A_470] : memref<4128768xf32, #tpu.memory_space<hbm>> -> memref<4608xf32, #tpu.memory_space<hbm>>
    tpu.enqueue_dma source(%dma_start3A_472 : memref<4608xf32, #tpu.memory_space<hbm>>) target(%arg8 : memref<4608xf32, #tpu.memory_space<vmem>>) target_semaphore(%arg25 : memref<!tpu.dma_semaphore, #tpu.memory_space<semaphore_mem>>)
    %dma_wait3A_473 = tpu.memref_slice %arg3[%add3A_420] : memref<1032192xi32, #tpu.memory_space<hbm>> -> memref<4608xi32, #tpu.memory_space<hbm>>
    %dma_wait3A_474 = tpu.memref_slice %arg3[%add3A_420] : memref<1032192xi32, #tpu.memory_space<hbm>> -> memref<4608xi32, #tpu.memory_space<hbm>>
    tpu.wait_dma2 semaphore(%arg26 : memref<!tpu.dma_semaphore, #tpu.memory_space<semaphore_mem>>) src(%dma_wait3A_474 : memref<4608xi32, #tpu.memory_space<hbm>>) dst(%arg12 : memref<4608xi32, #tpu.memory_space<vmem>>)
    %dma_wait3A_475 = tpu.memref_slice %arg2[%add3A_425] : memref<4128768xf32, #tpu.memory_space<hbm>> -> memref<4608xf32, #tpu.memory_space<hbm>>
    %dma_wait3A_476 = tpu.memref_slice %arg2[%add3A_425] : memref<4128768xf32, #tpu.memory_space<hbm>> -> memref<4608xf32, #tpu.memory_space<hbm>>
    tpu.wait_dma2 semaphore(%arg27 : memref<!tpu.dma_semaphore, #tpu.memory_space<semaphore_mem>>) src(%dma_wait3A_476 : memref<4608xf32, #tpu.memory_space<hbm>>) dst(%arg10 : memref<4608xf32, #tpu.memory_space<vmem>>)
    %dma_wait3A_477 = tpu.memref_slice %arg2[%add3A_430] : memref<4128768xf32, #tpu.memory_space<hbm>> -> memref<4608xf32, #tpu.memory_space<hbm>>
    %dma_wait3A_478 = tpu.memref_slice %arg2[%add3A_430] : memref<4128768xf32, #tpu.memory_space<hbm>> -> memref<4608xf32, #tpu.memory_space<hbm>>
    tpu.wait_dma2 semaphore(%arg28 : memref<!tpu.dma_semaphore, #tpu.memory_space<semaphore_mem>>) src(%dma_wait3A_478 : memref<4608xf32, #tpu.memory_space<hbm>>) dst(%arg11 : memref<4608xf32, #tpu.memory_space<vmem>>)
    %eq3A_479 = arith.constant 1 : i32
    %eq3A_480 = arith.cmpi eq, %arg0, %eq3A_479 : i32
    %convert_element_type3A_481 = arith.extui %eq3A_480 : i1 to i32
    %cond3A_482 = arith.constant 0 : i32
    %cond3A_483 = arith.cmpi ne, %convert_element_type3A_481, %cond3A_482 : i32
    scf.if %cond3A_483 {
      %dma_start3A_572 = arith.constant 0 : i32
      %dma_start3A_573 = tpu.memref_slice %arg14[%dma_start3A_572] : memref<522240xf32, #tpu.memory_space<vmem_shared>> -> memref<522240xf32, #tpu.memory_space<vmem_shared>>
      tpu.enqueue_indirect_dma source(%arg13 : memref<4608xf32, #tpu.memory_space<vmem>>) target(%dma_start3A_573 : memref<522240xf32, #tpu.memory_space<vmem_shared>>) offsets(%arg12 : memref<4608xi32, #tpu.memory_space<vmem>>) semaphore(%arg20 : memref<!tpu.dma_semaphore, #tpu.memory_space<semaphore_mem>>) {add = true}
    } else {
    }
    %dma_start3A_484 = arith.constant 0 : i32
    %dma_start3A_485 = tpu.memref_slice %arg15[%dma_start3A_484] : memref<522240xf32, #tpu.memory_space<vmem_shared>> -> memref<522240xf32, #tpu.memory_space<vmem_shared>>
    tpu.enqueue_indirect_dma source(%arg10 : memref<4608xf32, #tpu.memory_space<vmem>>) target(%dma_start3A_485 : memref<522240xf32, #tpu.memory_space<vmem_shared>>) offsets(%arg12 : memref<4608xi32, #tpu.memory_space<vmem>>) semaphore(%arg21 : memref<!tpu.dma_semaphore, #tpu.memory_space<semaphore_mem>>) {add = true}
    %dma_start3A_486 = arith.constant 0 : i32
    %dma_start3A_487 = tpu.memref_slice %arg16[%dma_start3A_486] : memref<522240xf32, #tpu.memory_space<vmem_shared>> -> memref<522240xf32, #tpu.memory_space<vmem_shared>>
    tpu.enqueue_indirect_dma source(%arg11 : memref<4608xf32, #tpu.memory_space<vmem>>) target(%dma_start3A_487 : memref<522240xf32, #tpu.memory_space<vmem_shared>>) offsets(%arg12 : memref<4608xi32, #tpu.memory_space<vmem>>) semaphore(%arg22 : memref<!tpu.dma_semaphore, #tpu.memory_space<semaphore_mem>>) {add = true}
    %eq3A_488 = arith.constant 1 : i32
    %eq3A_489 = arith.cmpi eq, %arg0, %eq3A_488 : i32
    %convert_element_type3A_490 = arith.extui %eq3A_489 : i1 to i32
    %cond3A_491 = arith.constant 0 : i32
    %cond3A_492 = arith.cmpi ne, %convert_element_type3A_490, %cond3A_491 : i32
    scf.if %cond3A_492 {
      %dma_wait3A_572 = arith.constant 0 : i32
      %dma_wait3A_573 = tpu.memref_slice %arg14[%dma_wait3A_572] : memref<522240xf32, #tpu.memory_space<vmem_shared>> -> memref<522240xf32, #tpu.memory_space<vmem_shared>>
      tpu.wait_indirect_dma semaphore(%arg20 : memref<!tpu.dma_semaphore, #tpu.memory_space<semaphore_mem>>) src(%arg13 : memref<4608xf32, #tpu.memory_space<vmem>>) dst(%dma_wait3A_573 : memref<522240xf32, #tpu.memory_space<vmem_shared>>)
    } else {
    }
    %dma_wait3A_493 = arith.constant 0 : i32
    %dma_wait3A_494 = tpu.memref_slice %arg15[%dma_wait3A_493] : memref<522240xf32, #tpu.memory_space<vmem_shared>> -> memref<522240xf32, #tpu.memory_space<vmem_shared>>
    tpu.wait_indirect_dma semaphore(%arg21 : memref<!tpu.dma_semaphore, #tpu.memory_space<semaphore_mem>>) src(%arg10 : memref<4608xf32, #tpu.memory_space<vmem>>) dst(%dma_wait3A_494 : memref<522240xf32, #tpu.memory_space<vmem_shared>>)
    %dma_wait3A_495 = arith.constant 0 : i32
    %dma_wait3A_496 = tpu.memref_slice %arg16[%dma_wait3A_495] : memref<522240xf32, #tpu.memory_space<vmem_shared>> -> memref<522240xf32, #tpu.memory_space<vmem_shared>>
    tpu.wait_indirect_dma semaphore(%arg22 : memref<!tpu.dma_semaphore, #tpu.memory_space<semaphore_mem>>) src(%arg11 : memref<4608xf32, #tpu.memory_space<vmem>>) dst(%dma_wait3A_496 : memref<522240xf32, #tpu.memory_space<vmem_shared>>)
    %mul3A_497 = arith.constant 64512 : i32
    %mul3A_498 = arith.muli %arg1, %mul3A_497 : i32
    %add3A_499 = arith.constant 59904 : i32
    %add3A_500 = arith.addi %mul3A_498, %add3A_499 : i32
    %dma_start3A_501 = tpu.memref_slice %arg3[%add3A_500] : memref<1032192xi32, #tpu.memory_space<hbm>> -> memref<4608xi32, #tpu.memory_space<hbm>>
    %dma_start3A_502 = tpu.memref_slice %arg3[%add3A_500] : memref<1032192xi32, #tpu.memory_space<hbm>> -> memref<4608xi32, #tpu.memory_space<hbm>>
    tpu.enqueue_dma source(%dma_start3A_502 : memref<4608xi32, #tpu.memory_space<hbm>>) target(%arg12 : memref<4608xi32, #tpu.memory_space<vmem>>) target_semaphore(%arg26 : memref<!tpu.dma_semaphore, #tpu.memory_space<semaphore_mem>>)
    %mul3A_503 = arith.constant 1032192 : i32
    %mul3A_504 = arith.muli %mul3A_2, %mul3A_503 : i32
    %add3A_505 = arith.addi %mul3A_504, %add3A_500 : i32
    %dma_start3A_506 = tpu.memref_slice %arg2[%add3A_505] : memref<4128768xf32, #tpu.memory_space<hbm>> -> memref<4608xf32, #tpu.memory_space<hbm>>
    %dma_start3A_507 = tpu.memref_slice %arg2[%add3A_505] : memref<4128768xf32, #tpu.memory_space<hbm>> -> memref<4608xf32, #tpu.memory_space<hbm>>
    tpu.enqueue_dma source(%dma_start3A_507 : memref<4608xf32, #tpu.memory_space<hbm>>) target(%arg10 : memref<4608xf32, #tpu.memory_space<vmem>>) target_semaphore(%arg27 : memref<!tpu.dma_semaphore, #tpu.memory_space<semaphore_mem>>)
    %mul3A_508 = arith.constant 1032192 : i32
    %mul3A_509 = arith.muli %add3A_5, %mul3A_508 : i32
    %add3A_510 = arith.addi %mul3A_509, %add3A_500 : i32
    %dma_start3A_511 = tpu.memref_slice %arg2[%add3A_510] : memref<4128768xf32, #tpu.memory_space<hbm>> -> memref<4608xf32, #tpu.memory_space<hbm>>
    %dma_start3A_512 = tpu.memref_slice %arg2[%add3A_510] : memref<4128768xf32, #tpu.memory_space<hbm>> -> memref<4608xf32, #tpu.memory_space<hbm>>
    tpu.enqueue_dma source(%dma_start3A_512 : memref<4608xf32, #tpu.memory_space<hbm>>) target(%arg11 : memref<4608xf32, #tpu.memory_space<vmem>>) target_semaphore(%arg28 : memref<!tpu.dma_semaphore, #tpu.memory_space<semaphore_mem>>)
    %dma_wait3A_513 = tpu.memref_slice %arg3[%add3A_460] : memref<1032192xi32, #tpu.memory_space<hbm>> -> memref<4608xi32, #tpu.memory_space<hbm>>
    %dma_wait3A_514 = tpu.memref_slice %arg3[%add3A_460] : memref<1032192xi32, #tpu.memory_space<hbm>> -> memref<4608xi32, #tpu.memory_space<hbm>>
    tpu.wait_dma2 semaphore(%arg23 : memref<!tpu.dma_semaphore, #tpu.memory_space<semaphore_mem>>) src(%dma_wait3A_514 : memref<4608xi32, #tpu.memory_space<hbm>>) dst(%arg9 : memref<4608xi32, #tpu.memory_space<vmem>>)
    %dma_wait3A_515 = tpu.memref_slice %arg2[%add3A_465] : memref<4128768xf32, #tpu.memory_space<hbm>> -> memref<4608xf32, #tpu.memory_space<hbm>>
    %dma_wait3A_516 = tpu.memref_slice %arg2[%add3A_465] : memref<4128768xf32, #tpu.memory_space<hbm>> -> memref<4608xf32, #tpu.memory_space<hbm>>
    tpu.wait_dma2 semaphore(%arg24 : memref<!tpu.dma_semaphore, #tpu.memory_space<semaphore_mem>>) src(%dma_wait3A_516 : memref<4608xf32, #tpu.memory_space<hbm>>) dst(%arg7 : memref<4608xf32, #tpu.memory_space<vmem>>)
    %dma_wait3A_517 = tpu.memref_slice %arg2[%add3A_470] : memref<4128768xf32, #tpu.memory_space<hbm>> -> memref<4608xf32, #tpu.memory_space<hbm>>
    %dma_wait3A_518 = tpu.memref_slice %arg2[%add3A_470] : memref<4128768xf32, #tpu.memory_space<hbm>> -> memref<4608xf32, #tpu.memory_space<hbm>>
    tpu.wait_dma2 semaphore(%arg25 : memref<!tpu.dma_semaphore, #tpu.memory_space<semaphore_mem>>) src(%dma_wait3A_518 : memref<4608xf32, #tpu.memory_space<hbm>>) dst(%arg8 : memref<4608xf32, #tpu.memory_space<vmem>>)
    %eq3A_519 = arith.constant 1 : i32
    %eq3A_520 = arith.cmpi eq, %arg0, %eq3A_519 : i32
    %convert_element_type3A_521 = arith.extui %eq3A_520 : i1 to i32
    %cond3A_522 = arith.constant 0 : i32
    %cond3A_523 = arith.cmpi ne, %convert_element_type3A_521, %cond3A_522 : i32
    scf.if %cond3A_523 {
      %dma_start3A_572 = arith.constant 0 : i32
      %dma_start3A_573 = tpu.memref_slice %arg14[%dma_start3A_572] : memref<522240xf32, #tpu.memory_space<vmem_shared>> -> memref<522240xf32, #tpu.memory_space<vmem_shared>>
      tpu.enqueue_indirect_dma source(%arg13 : memref<4608xf32, #tpu.memory_space<vmem>>) target(%dma_start3A_573 : memref<522240xf32, #tpu.memory_space<vmem_shared>>) offsets(%arg9 : memref<4608xi32, #tpu.memory_space<vmem>>) semaphore(%arg17 : memref<!tpu.dma_semaphore, #tpu.memory_space<semaphore_mem>>) {add = true}
    } else {
    }
    %dma_start3A_524 = arith.constant 0 : i32
    %dma_start3A_525 = tpu.memref_slice %arg15[%dma_start3A_524] : memref<522240xf32, #tpu.memory_space<vmem_shared>> -> memref<522240xf32, #tpu.memory_space<vmem_shared>>
    tpu.enqueue_indirect_dma source(%arg7 : memref<4608xf32, #tpu.memory_space<vmem>>) target(%dma_start3A_525 : memref<522240xf32, #tpu.memory_space<vmem_shared>>) offsets(%arg9 : memref<4608xi32, #tpu.memory_space<vmem>>) semaphore(%arg18 : memref<!tpu.dma_semaphore, #tpu.memory_space<semaphore_mem>>) {add = true}
    %dma_start3A_526 = arith.constant 0 : i32
    %dma_start3A_527 = tpu.memref_slice %arg16[%dma_start3A_526] : memref<522240xf32, #tpu.memory_space<vmem_shared>> -> memref<522240xf32, #tpu.memory_space<vmem_shared>>
    tpu.enqueue_indirect_dma source(%arg8 : memref<4608xf32, #tpu.memory_space<vmem>>) target(%dma_start3A_527 : memref<522240xf32, #tpu.memory_space<vmem_shared>>) offsets(%arg9 : memref<4608xi32, #tpu.memory_space<vmem>>) semaphore(%arg19 : memref<!tpu.dma_semaphore, #tpu.memory_space<semaphore_mem>>) {add = true}
    %dma_wait3A_528 = tpu.memref_slice %arg3[%add3A_500] : memref<1032192xi32, #tpu.memory_space<hbm>> -> memref<4608xi32, #tpu.memory_space<hbm>>
    %dma_wait3A_529 = tpu.memref_slice %arg3[%add3A_500] : memref<1032192xi32, #tpu.memory_space<hbm>> -> memref<4608xi32, #tpu.memory_space<hbm>>
    tpu.wait_dma2 semaphore(%arg26 : memref<!tpu.dma_semaphore, #tpu.memory_space<semaphore_mem>>) src(%dma_wait3A_529 : memref<4608xi32, #tpu.memory_space<hbm>>) dst(%arg12 : memref<4608xi32, #tpu.memory_space<vmem>>)
    %dma_wait3A_530 = tpu.memref_slice %arg2[%add3A_505] : memref<4128768xf32, #tpu.memory_space<hbm>> -> memref<4608xf32, #tpu.memory_space<hbm>>
    %dma_wait3A_531 = tpu.memref_slice %arg2[%add3A_505] : memref<4128768xf32, #tpu.memory_space<hbm>> -> memref<4608xf32, #tpu.memory_space<hbm>>
    tpu.wait_dma2 semaphore(%arg27 : memref<!tpu.dma_semaphore, #tpu.memory_space<semaphore_mem>>) src(%dma_wait3A_531 : memref<4608xf32, #tpu.memory_space<hbm>>) dst(%arg10 : memref<4608xf32, #tpu.memory_space<vmem>>)
    %dma_wait3A_532 = tpu.memref_slice %arg2[%add3A_510] : memref<4128768xf32, #tpu.memory_space<hbm>> -> memref<4608xf32, #tpu.memory_space<hbm>>
    %dma_wait3A_533 = tpu.memref_slice %arg2[%add3A_510] : memref<4128768xf32, #tpu.memory_space<hbm>> -> memref<4608xf32, #tpu.memory_space<hbm>>
    tpu.wait_dma2 semaphore(%arg28 : memref<!tpu.dma_semaphore, #tpu.memory_space<semaphore_mem>>) src(%dma_wait3A_533 : memref<4608xf32, #tpu.memory_space<hbm>>) dst(%arg11 : memref<4608xf32, #tpu.memory_space<vmem>>)
    %eq3A_534 = arith.constant 1 : i32
    %eq3A_535 = arith.cmpi eq, %arg0, %eq3A_534 : i32
    %convert_element_type3A_536 = arith.extui %eq3A_535 : i1 to i32
    %cond3A_537 = arith.constant 0 : i32
    %cond3A_538 = arith.cmpi ne, %convert_element_type3A_536, %cond3A_537 : i32
    scf.if %cond3A_538 {
      %dma_start3A_572 = arith.constant 0 : i32
      %dma_start3A_573 = tpu.memref_slice %arg14[%dma_start3A_572] : memref<522240xf32, #tpu.memory_space<vmem_shared>> -> memref<522240xf32, #tpu.memory_space<vmem_shared>>
      tpu.enqueue_indirect_dma source(%arg13 : memref<4608xf32, #tpu.memory_space<vmem>>) target(%dma_start3A_573 : memref<522240xf32, #tpu.memory_space<vmem_shared>>) offsets(%arg12 : memref<4608xi32, #tpu.memory_space<vmem>>) semaphore(%arg20 : memref<!tpu.dma_semaphore, #tpu.memory_space<semaphore_mem>>) {add = true}
    } else {
    }
    %dma_start3A_539 = arith.constant 0 : i32
    %dma_start3A_540 = tpu.memref_slice %arg15[%dma_start3A_539] : memref<522240xf32, #tpu.memory_space<vmem_shared>> -> memref<522240xf32, #tpu.memory_space<vmem_shared>>
    tpu.enqueue_indirect_dma source(%arg10 : memref<4608xf32, #tpu.memory_space<vmem>>) target(%dma_start3A_540 : memref<522240xf32, #tpu.memory_space<vmem_shared>>) offsets(%arg12 : memref<4608xi32, #tpu.memory_space<vmem>>) semaphore(%arg21 : memref<!tpu.dma_semaphore, #tpu.memory_space<semaphore_mem>>) {add = true}
    %dma_start3A_541 = arith.constant 0 : i32
    %dma_start3A_542 = tpu.memref_slice %arg16[%dma_start3A_541] : memref<522240xf32, #tpu.memory_space<vmem_shared>> -> memref<522240xf32, #tpu.memory_space<vmem_shared>>
    tpu.enqueue_indirect_dma source(%arg11 : memref<4608xf32, #tpu.memory_space<vmem>>) target(%dma_start3A_542 : memref<522240xf32, #tpu.memory_space<vmem_shared>>) offsets(%arg12 : memref<4608xi32, #tpu.memory_space<vmem>>) semaphore(%arg22 : memref<!tpu.dma_semaphore, #tpu.memory_space<semaphore_mem>>) {add = true}
    %eq3A_543 = arith.constant 1 : i32
    %eq3A_544 = arith.cmpi eq, %arg0, %eq3A_543 : i32
    %convert_element_type3A_545 = arith.extui %eq3A_544 : i1 to i32
    %cond3A_546 = arith.constant 0 : i32
    %cond3A_547 = arith.cmpi ne, %convert_element_type3A_545, %cond3A_546 : i32
    scf.if %cond3A_547 {
      %dma_wait3A_572 = arith.constant 0 : i32
      %dma_wait3A_573 = tpu.memref_slice %arg14[%dma_wait3A_572] : memref<522240xf32, #tpu.memory_space<vmem_shared>> -> memref<522240xf32, #tpu.memory_space<vmem_shared>>
      tpu.wait_indirect_dma semaphore(%arg17 : memref<!tpu.dma_semaphore, #tpu.memory_space<semaphore_mem>>) src(%arg13 : memref<4608xf32, #tpu.memory_space<vmem>>) dst(%dma_wait3A_573 : memref<522240xf32, #tpu.memory_space<vmem_shared>>)
    } else {
    }
    %dma_wait3A_548 = arith.constant 0 : i32
    %dma_wait3A_549 = tpu.memref_slice %arg15[%dma_wait3A_548] : memref<522240xf32, #tpu.memory_space<vmem_shared>> -> memref<522240xf32, #tpu.memory_space<vmem_shared>>
    tpu.wait_indirect_dma semaphore(%arg18 : memref<!tpu.dma_semaphore, #tpu.memory_space<semaphore_mem>>) src(%arg7 : memref<4608xf32, #tpu.memory_space<vmem>>) dst(%dma_wait3A_549 : memref<522240xf32, #tpu.memory_space<vmem_shared>>)
    %dma_wait3A_550 = arith.constant 0 : i32
    %dma_wait3A_551 = tpu.memref_slice %arg16[%dma_wait3A_550] : memref<522240xf32, #tpu.memory_space<vmem_shared>> -> memref<522240xf32, #tpu.memory_space<vmem_shared>>
    tpu.wait_indirect_dma semaphore(%arg19 : memref<!tpu.dma_semaphore, #tpu.memory_space<semaphore_mem>>) src(%arg8 : memref<4608xf32, #tpu.memory_space<vmem>>) dst(%dma_wait3A_551 : memref<522240xf32, #tpu.memory_space<vmem_shared>>)
    %eq3A_552 = arith.constant 1 : i32
    %eq3A_553 = arith.cmpi eq, %arg0, %eq3A_552 : i32
    %convert_element_type3A_554 = arith.extui %eq3A_553 : i1 to i32
    %cond3A_555 = arith.constant 0 : i32
    %cond3A_556 = arith.cmpi ne, %convert_element_type3A_554, %cond3A_555 : i32
    scf.if %cond3A_556 {
      %dma_wait3A_572 = arith.constant 0 : i32
      %dma_wait3A_573 = tpu.memref_slice %arg14[%dma_wait3A_572] : memref<522240xf32, #tpu.memory_space<vmem_shared>> -> memref<522240xf32, #tpu.memory_space<vmem_shared>>
      tpu.wait_indirect_dma semaphore(%arg20 : memref<!tpu.dma_semaphore, #tpu.memory_space<semaphore_mem>>) src(%arg13 : memref<4608xf32, #tpu.memory_space<vmem>>) dst(%dma_wait3A_573 : memref<522240xf32, #tpu.memory_space<vmem_shared>>)
    } else {
    }
    %dma_wait3A_557 = arith.constant 0 : i32
    %dma_wait3A_558 = tpu.memref_slice %arg15[%dma_wait3A_557] : memref<522240xf32, #tpu.memory_space<vmem_shared>> -> memref<522240xf32, #tpu.memory_space<vmem_shared>>
    tpu.wait_indirect_dma semaphore(%arg21 : memref<!tpu.dma_semaphore, #tpu.memory_space<semaphore_mem>>) src(%arg10 : memref<4608xf32, #tpu.memory_space<vmem>>) dst(%dma_wait3A_558 : memref<522240xf32, #tpu.memory_space<vmem_shared>>)
    %dma_wait3A_559 = arith.constant 0 : i32
    %dma_wait3A_560 = tpu.memref_slice %arg16[%dma_wait3A_559] : memref<522240xf32, #tpu.memory_space<vmem_shared>> -> memref<522240xf32, #tpu.memory_space<vmem_shared>>
    tpu.wait_indirect_dma semaphore(%arg22 : memref<!tpu.dma_semaphore, #tpu.memory_space<semaphore_mem>>) src(%arg11 : memref<4608xf32, #tpu.memory_space<vmem>>) dst(%dma_wait3A_560 : memref<522240xf32, #tpu.memory_space<vmem_shared>>)
    %barrier3A_561 = arith.constant 0 : index
    tpu.barrier barrier_id(%barrier3A_561)
    %eq3A_562 = arith.constant 0 : i32
    %eq3A_563 = arith.cmpi eq, %arg0, %eq3A_562 : i32
    %convert_element_type3A_564 = arith.extui %eq3A_563 : i1 to i32
    %cond3A_565 = arith.constant 0 : i32
    %cond3A_566 = arith.cmpi ne, %convert_element_type3A_564, %cond3A_565 : i32
    scf.if %cond3A_566 {
      %mul3A_572 = arith.constant 32640 : i32
      %mul3A_573 = arith.muli %arg1, %mul3A_572 : i32
      "tpu.region"() ({
        %run_scoped3A = tpu.sem_alloc : memref<!tpu.dma_semaphore, #tpu.memory_space<semaphore_mem>>
        %dma_start3A_582 = tpu.memref_slice %arg6[%mul3A_573] : memref<3133440xf32, #tpu.memory_space<hbm>> -> memref<32640xf32, #tpu.memory_space<hbm>>
        %dma_start3A_583 = tpu.memref_slice %arg14[%mul3A_0] : memref<522240xf32, #tpu.memory_space<vmem_shared>> -> memref<32640xf32, #tpu.memory_space<vmem_shared>>
        tpu.enqueue_dma source(%dma_start3A_583 : memref<32640xf32, #tpu.memory_space<vmem_shared>>) target(%dma_start3A_582 : memref<32640xf32, #tpu.memory_space<hbm>>) target_semaphore(%run_scoped3A : memref<!tpu.dma_semaphore, #tpu.memory_space<semaphore_mem>>)
        %dma_wait3A_584 = tpu.memref_slice %arg6[%mul3A_573] : memref<3133440xf32, #tpu.memory_space<hbm>> -> memref<32640xf32, #tpu.memory_space<hbm>>
        %dma_wait3A_585 = tpu.memref_slice %arg14[%mul3A_0] : memref<522240xf32, #tpu.memory_space<vmem_shared>> -> memref<32640xf32, #tpu.memory_space<vmem_shared>>
        tpu.wait_dma2 semaphore(%run_scoped3A : memref<!tpu.dma_semaphore, #tpu.memory_space<semaphore_mem>>) src(%dma_wait3A_585 : memref<32640xf32, #tpu.memory_space<vmem_shared>>) dst(%dma_wait3A_584 : memref<32640xf32, #tpu.memory_space<hbm>>)
        tpu.yield
      }) : () -> ()
      %mul3A_574 = arith.constant 32640 : i32
      %mul3A_575 = arith.muli %arg1, %mul3A_574 : i32
      %add3A_576 = arith.constant 522240 : i32
      %add3A_577 = arith.addi %add3A_576, %mul3A_575 : i32
      "tpu.region"() ({
        %run_scoped3A = tpu.sem_alloc : memref<!tpu.dma_semaphore, #tpu.memory_space<semaphore_mem>>
        %dma_start3A_582 = tpu.memref_slice %arg6[%add3A_577] : memref<3133440xf32, #tpu.memory_space<hbm>> -> memref<32640xf32, #tpu.memory_space<hbm>>
        %dma_start3A_583 = tpu.memref_slice %arg15[%mul3A_0] : memref<522240xf32, #tpu.memory_space<vmem_shared>> -> memref<32640xf32, #tpu.memory_space<vmem_shared>>
        tpu.enqueue_dma source(%dma_start3A_583 : memref<32640xf32, #tpu.memory_space<vmem_shared>>) target(%dma_start3A_582 : memref<32640xf32, #tpu.memory_space<hbm>>) target_semaphore(%run_scoped3A : memref<!tpu.dma_semaphore, #tpu.memory_space<semaphore_mem>>)
        %dma_wait3A_584 = tpu.memref_slice %arg6[%add3A_577] : memref<3133440xf32, #tpu.memory_space<hbm>> -> memref<32640xf32, #tpu.memory_space<hbm>>
        %dma_wait3A_585 = tpu.memref_slice %arg15[%mul3A_0] : memref<522240xf32, #tpu.memory_space<vmem_shared>> -> memref<32640xf32, #tpu.memory_space<vmem_shared>>
        tpu.wait_dma2 semaphore(%run_scoped3A : memref<!tpu.dma_semaphore, #tpu.memory_space<semaphore_mem>>) src(%dma_wait3A_585 : memref<32640xf32, #tpu.memory_space<vmem_shared>>) dst(%dma_wait3A_584 : memref<32640xf32, #tpu.memory_space<hbm>>)
        tpu.yield
      }) : () -> ()
      %mul3A_578 = arith.constant 32640 : i32
      %mul3A_579 = arith.muli %arg1, %mul3A_578 : i32
      %add3A_580 = arith.constant 1044480 : i32
      %add3A_581 = arith.addi %add3A_580, %mul3A_579 : i32
      "tpu.region"() ({
        %run_scoped3A = tpu.sem_alloc : memref<!tpu.dma_semaphore, #tpu.memory_space<semaphore_mem>>
        %dma_start3A_582 = tpu.memref_slice %arg6[%add3A_581] : memref<3133440xf32, #tpu.memory_space<hbm>> -> memref<32640xf32, #tpu.memory_space<hbm>>
        %dma_start3A_583 = tpu.memref_slice %arg16[%mul3A_0] : memref<522240xf32, #tpu.memory_space<vmem_shared>> -> memref<32640xf32, #tpu.memory_space<vmem_shared>>
        tpu.enqueue_dma source(%dma_start3A_583 : memref<32640xf32, #tpu.memory_space<vmem_shared>>) target(%dma_start3A_582 : memref<32640xf32, #tpu.memory_space<hbm>>) target_semaphore(%run_scoped3A : memref<!tpu.dma_semaphore, #tpu.memory_space<semaphore_mem>>)
        %dma_wait3A_584 = tpu.memref_slice %arg6[%add3A_581] : memref<3133440xf32, #tpu.memory_space<hbm>> -> memref<32640xf32, #tpu.memory_space<hbm>>
        %dma_wait3A_585 = tpu.memref_slice %arg16[%mul3A_0] : memref<522240xf32, #tpu.memory_space<vmem_shared>> -> memref<32640xf32, #tpu.memory_space<vmem_shared>>
        tpu.wait_dma2 semaphore(%run_scoped3A : memref<!tpu.dma_semaphore, #tpu.memory_space<semaphore_mem>>) src(%dma_wait3A_585 : memref<32640xf32, #tpu.memory_space<vmem_shared>>) dst(%dma_wait3A_584 : memref<32640xf32, #tpu.memory_space<hbm>>)
        tpu.yield
      }) : () -> ()
    } else {
    }
    %eq3A_567 = arith.constant 1 : i32
    %eq3A_568 = arith.cmpi eq, %arg0, %eq3A_567 : i32
    %convert_element_type3A_569 = arith.extui %eq3A_568 : i1 to i32
    %cond3A_570 = arith.constant 0 : i32
    %cond3A_571 = arith.cmpi ne, %convert_element_type3A_569, %cond3A_570 : i32
    scf.if %cond3A_571 {
      %mul3A_572 = arith.constant 32640 : i32
      %mul3A_573 = arith.muli %arg1, %mul3A_572 : i32
      %add3A_574 = arith.constant 1566720 : i32
      %add3A_575 = arith.addi %add3A_574, %mul3A_573 : i32
      "tpu.region"() ({
        %run_scoped3A = tpu.sem_alloc : memref<!tpu.dma_semaphore, #tpu.memory_space<semaphore_mem>>
        %dma_start3A_584 = tpu.memref_slice %arg6[%add3A_575] : memref<3133440xf32, #tpu.memory_space<hbm>> -> memref<32640xf32, #tpu.memory_space<hbm>>
        %dma_start3A_585 = tpu.memref_slice %arg15[%mul3A_0] : memref<522240xf32, #tpu.memory_space<vmem_shared>> -> memref<32640xf32, #tpu.memory_space<vmem_shared>>
        tpu.enqueue_dma source(%dma_start3A_585 : memref<32640xf32, #tpu.memory_space<vmem_shared>>) target(%dma_start3A_584 : memref<32640xf32, #tpu.memory_space<hbm>>) target_semaphore(%run_scoped3A : memref<!tpu.dma_semaphore, #tpu.memory_space<semaphore_mem>>)
        %dma_wait3A_586 = tpu.memref_slice %arg6[%add3A_575] : memref<3133440xf32, #tpu.memory_space<hbm>> -> memref<32640xf32, #tpu.memory_space<hbm>>
        %dma_wait3A_587 = tpu.memref_slice %arg15[%mul3A_0] : memref<522240xf32, #tpu.memory_space<vmem_shared>> -> memref<32640xf32, #tpu.memory_space<vmem_shared>>
        tpu.wait_dma2 semaphore(%run_scoped3A : memref<!tpu.dma_semaphore, #tpu.memory_space<semaphore_mem>>) src(%dma_wait3A_587 : memref<32640xf32, #tpu.memory_space<vmem_shared>>) dst(%dma_wait3A_586 : memref<32640xf32, #tpu.memory_space<hbm>>)
        tpu.yield
      }) : () -> ()
      %mul3A_576 = arith.constant 32640 : i32
      %mul3A_577 = arith.muli %arg1, %mul3A_576 : i32
      %add3A_578 = arith.constant 2088960 : i32
      %add3A_579 = arith.addi %add3A_578, %mul3A_577 : i32
      "tpu.region"() ({
        %run_scoped3A = tpu.sem_alloc : memref<!tpu.dma_semaphore, #tpu.memory_space<semaphore_mem>>
        %dma_start3A_584 = tpu.memref_slice %arg6[%add3A_579] : memref<3133440xf32, #tpu.memory_space<hbm>> -> memref<32640xf32, #tpu.memory_space<hbm>>
        %dma_start3A_585 = tpu.memref_slice %arg16[%mul3A_0] : memref<522240xf32, #tpu.memory_space<vmem_shared>> -> memref<32640xf32, #tpu.memory_space<vmem_shared>>
        tpu.enqueue_dma source(%dma_start3A_585 : memref<32640xf32, #tpu.memory_space<vmem_shared>>) target(%dma_start3A_584 : memref<32640xf32, #tpu.memory_space<hbm>>) target_semaphore(%run_scoped3A : memref<!tpu.dma_semaphore, #tpu.memory_space<semaphore_mem>>)
        %dma_wait3A_586 = tpu.memref_slice %arg6[%add3A_579] : memref<3133440xf32, #tpu.memory_space<hbm>> -> memref<32640xf32, #tpu.memory_space<hbm>>
        %dma_wait3A_587 = tpu.memref_slice %arg16[%mul3A_0] : memref<522240xf32, #tpu.memory_space<vmem_shared>> -> memref<32640xf32, #tpu.memory_space<vmem_shared>>
        tpu.wait_dma2 semaphore(%run_scoped3A : memref<!tpu.dma_semaphore, #tpu.memory_space<semaphore_mem>>) src(%dma_wait3A_587 : memref<32640xf32, #tpu.memory_space<vmem_shared>>) dst(%dma_wait3A_586 : memref<32640xf32, #tpu.memory_space<hbm>>)
        tpu.yield
      }) : () -> ()
      %mul3A_580 = arith.constant 32640 : i32
      %mul3A_581 = arith.muli %arg1, %mul3A_580 : i32
      %add3A_582 = arith.constant 2611200 : i32
      %add3A_583 = arith.addi %add3A_582, %mul3A_581 : i32
      "tpu.region"() ({
        %run_scoped3A = tpu.sem_alloc : memref<!tpu.dma_semaphore, #tpu.memory_space<semaphore_mem>>
        %dma_start3A_584 = tpu.memref_slice %arg6[%add3A_583] : memref<3133440xf32, #tpu.memory_space<hbm>> -> memref<32640xf32, #tpu.memory_space<hbm>>
        %dma_start3A_585 = tpu.memref_slice %arg14[%mul3A_0] : memref<522240xf32, #tpu.memory_space<vmem_shared>> -> memref<32640xf32, #tpu.memory_space<vmem_shared>>
        tpu.enqueue_dma source(%dma_start3A_585 : memref<32640xf32, #tpu.memory_space<vmem_shared>>) target(%dma_start3A_584 : memref<32640xf32, #tpu.memory_space<hbm>>) target_semaphore(%run_scoped3A : memref<!tpu.dma_semaphore, #tpu.memory_space<semaphore_mem>>)
        %dma_wait3A_586 = tpu.memref_slice %arg6[%add3A_583] : memref<3133440xf32, #tpu.memory_space<hbm>> -> memref<32640xf32, #tpu.memory_space<hbm>>
        %dma_wait3A_587 = tpu.memref_slice %arg14[%mul3A_0] : memref<522240xf32, #tpu.memory_space<vmem_shared>> -> memref<32640xf32, #tpu.memory_space<vmem_shared>>
        tpu.wait_dma2 semaphore(%run_scoped3A : memref<!tpu.dma_semaphore, #tpu.memory_space<semaphore_mem>>) src(%dma_wait3A_587 : memref<32640xf32, #tpu.memory_space<vmem_shared>>) dst(%dma_wait3A_586 : memref<32640xf32, #tpu.memory_space<hbm>>)
        tpu.yield
      }) : () -> ()
    } else {
    }
    return
  }
}

module attributes {stable_mosaic.version = 14 : i64} {
  func.func @_idx_body(%arg0: i32, %arg1: memref<2x1008x128xf32, #tpu.memory_space<vmem>>, %arg2: memref<2x1xf32, #tpu.memory_space<vmem>>, %arg3: memref<1008x128xi32, #tpu.memory_space<vmem>>) attributes {dimension_semantics = [#tpu.dimension_semantics<arbitrary>], iteration_bounds = array<i64: 8>, scalar_prefetch = 0 : i64, scratch_operands = 0 : i64, tpu.core_type = #tpu.core_type<tc>, window_params = [{transform_indices = @transform_0, window_bounds = array<i64: 2, 1008, 128>}, {pipeline_mode = #tpu.pipeline_mode<synchronous>, transform_indices = @transform_1, window_bounds = array<i64: 2, 1>}, {transform_indices = @transform_2, window_bounds = array<i64: 1008, 128>}]} {
    %get3A = arith.constant 0 : index
    %get3A_0 = arith.constant 0 : index
    %get3A_1 = vector.load %arg2[%get3A, %get3A_0] : memref<2x1xf32, #tpu.memory_space<vmem>>, vector<1x1xf32>
    %get3A_2 = vector.extract %get3A_1[0, 0] : f32 from vector<1x1xf32>
    %get3A_3 = arith.constant 1 : index
    %get3A_4 = arith.constant 0 : index
    %get3A_5 = vector.load %arg2[%get3A_3, %get3A_4] : memref<2x1xf32, #tpu.memory_space<vmem>>, vector<1x1xf32>
    %get3A_6 = vector.extract %get3A_5[0, 0] : f32 from vector<1x1xf32>
    %get3A_7 = arith.constant 0 : index
    %get3A_8 = arith.constant 0 : index
    %get3A_9 = arith.constant 0 : index
    %get3A_10 = vector.load %arg1[%get3A_7, %get3A_8, %get3A_9] : memref<2x1008x128xf32, #tpu.memory_space<vmem>>, vector<1x1008x128xf32>
    %get3A_11 = vector.shape_cast %get3A_10 : vector<1x1008x128xf32> to vector<1008x128xf32>
    %get3A_12 = arith.constant 1 : index
    %get3A_13 = arith.constant 0 : index
    %get3A_14 = arith.constant 0 : index
    %get3A_15 = vector.load %arg1[%get3A_12, %get3A_13, %get3A_14] : memref<2x1008x128xf32, #tpu.memory_space<vmem>>, vector<1x1008x128xf32>
    %get3A_16 = vector.shape_cast %get3A_15 : vector<1x1008x128xf32> to vector<1008x128xf32>
    %mul3A = vector.broadcast %get3A_2 : f32 to vector<1008x128xf32>
    %mul3A_17 = arith.mulf %get3A_11, %mul3A : vector<1008x128xf32>
    %round3A = math.roundeven %mul3A_17 : vector<1008x128xf32>
    %convert_element_type3A = arith.fptosi %round3A : vector<1008x128xf32> to vector<1008x128xi32>
    %jit3A = arith.constant 0 : i32
    %jit3A_18 = arith.constant 679 : i32
    %max3A = vector.broadcast %jit3A : i32 to vector<1008x128xi32>
    %max3A_19 = arith.maxsi %max3A, %convert_element_type3A : vector<1008x128xi32>
    %min3A = vector.broadcast %jit3A_18 : i32 to vector<1008x128xi32>
    %min3A_20 = arith.minsi %min3A, %max3A_19 : vector<1008x128xi32>
    %mul3A_21 = vector.broadcast %get3A_6 : f32 to vector<1008x128xf32>
    %mul3A_22 = arith.mulf %get3A_16, %mul3A_21 : vector<1008x128xf32>
    %round3A_23 = math.roundeven %mul3A_22 : vector<1008x128xf32>
    %convert_element_type3A_24 = arith.fptosi %round3A_23 : vector<1008x128xf32> to vector<1008x128xi32>
    %jit3A_25 = arith.constant 0 : i32
    %jit3A_26 = arith.constant 679 : i32
    %max3A_27 = vector.broadcast %jit3A_25 : i32 to vector<1008x128xi32>
    %max3A_28 = arith.maxsi %max3A_27, %convert_element_type3A_24 : vector<1008x128xi32>
    %min3A_29 = vector.broadcast %jit3A_26 : i32 to vector<1008x128xi32>
    %min3A_30 = arith.minsi %min3A_29, %max3A_28 : vector<1008x128xi32>
    %mul3A_31 = arith.constant 768 : i32
    %mul3A_32 = vector.broadcast %mul3A_31 : i32 to vector<1008x128xi32>
    %mul3A_33 = arith.muli %min3A_30, %mul3A_32 : vector<1008x128xi32>
    %add3A = arith.addi %mul3A_33, %min3A_20 : vector<1008x128xi32>
    %lt3A = arith.constant 7 : i32
    %lt3A_34 = arith.cmpi slt, %arg0, %lt3A : i32
    %convert_element_type3A_35 = arith.extui %lt3A_34 : i1 to i32
    %cond3A = arith.constant 0 : i32
    %cond3A_36 = arith.cmpi ne, %convert_element_type3A_35, %cond3A : i32
    scf.if %cond3A_36 {
      %swap3A = arith.constant 0 : index
      %swap3A_41 = arith.constant 0 : index
      %swap3A_42 = vector.load %arg3[%swap3A, %swap3A_41] : memref<1008x128xi32, #tpu.memory_space<vmem>>, vector<1008x128xi32>
      tpu.vector_store %arg3[%swap3A, %swap3A_41], %add3A {strides = array<i32>} : memref<1008x128xi32, #tpu.memory_space<vmem>>, vector<1008x128xi32>,
    } else {
    }
    %eq3A = arith.constant 7 : i32
    %eq3A_37 = arith.cmpi eq, %arg0, %eq3A : i32
    %convert_element_type3A_38 = arith.extui %eq3A_37 : i1 to i32
    %cond3A_39 = arith.constant 0 : i32
    %cond3A_40 = arith.cmpi ne, %convert_element_type3A_38, %cond3A_39 : i32
    scf.if %cond3A_40 {
      %mul3A_41 = arith.constant 129024 : i32
      %mul3A_42 = arith.muli %arg0, %mul3A_41 : i32
      %iota3A = tpu.iota {dimensions = array<i32: 0>} : vector<1008x128xi32>
      %mul3A_43 = arith.constant 128 : i32
      %mul3A_44 = vector.broadcast %mul3A_43 : i32 to vector<1008x128xi32>
      %mul3A_45 = arith.muli %iota3A, %mul3A_44 : vector<1008x128xi32>
      %add3A_46 = vector.broadcast %mul3A_42 : i32 to vector<1008x128xi32>
      %add3A_47 = arith.addi %add3A_46, %mul3A_45 : vector<1008x128xi32>
      %iota3A_48 = tpu.iota {dimensions = array<i32: 1>} : vector<1008x128xi32>
      %add3A_49 = arith.addi %add3A_47, %iota3A_48 : vector<1008x128xi32>
      %and3A = arith.constant 255 : i32
      %and3A_50 = vector.broadcast %and3A : i32 to vector<1008x128xi32>
      %and3A_51 = arith.andi %add3A_49, %and3A_50 : vector<1008x128xi32>
      %mul3A_52 = arith.constant 768 : i32
      %mul3A_53 = vector.broadcast %mul3A_52 : i32 to vector<1008x128xi32>
      %mul3A_54 = arith.muli %and3A_51, %mul3A_53 : vector<1008x128xi32>
      %add3A_55 = arith.constant 680 : i32
      %add3A_56 = vector.broadcast %add3A_55 : i32 to vector<1008x128xi32>
      %add3A_57 = arith.addi %mul3A_54, %add3A_56 : vector<1008x128xi32>
      %lt3A_58 = arith.constant 1000000 : i32
      %lt3A_59 = vector.broadcast %lt3A_58 : i32 to vector<1008x128xi32>
      %lt3A_60 = arith.cmpi slt, %add3A_49, %lt3A_59 : vector<1008x128xi32>
      %select_n3A = arith.select %lt3A_60, %add3A, %add3A_57 : vector<1008x128xi1>, vector<1008x128xi32>
      %swap3A = arith.constant 0 : index
      %swap3A_61 = arith.constant 0 : index
      %swap3A_62 = vector.load %arg3[%swap3A, %swap3A_61] : memref<1008x128xi32, #tpu.memory_space<vmem>>, vector<1008x128xi32>
      tpu.vector_store %arg3[%swap3A, %swap3A_61], %select_n3A {strides = array<i32>} : memref<1008x128xi32, #tpu.memory_space<vmem>>, vector<1008x128xi32>,
    } else {
    }
    return
  }
  func.func @transform_0(%arg0: i32) -> (i32, i32, i32) {
    %c0_i32 = arith.constant 0 : i32
    %c0_i32_0 = arith.constant 0 : i32
    %c0_i32_1 = arith.constant 0 : i32
    return %c0_i32, %arg0, %c0_i32_0 : i32, i32, i32
  }
  func.func @transform_1(%arg0: i32) -> (i32, i32) {
    %c0_i32 = arith.constant 0 : i32
    %c0_i32_0 = arith.constant 0 : i32
    %c0_i32_1 = arith.constant 0 : i32
    return %c0_i32, %c0_i32_0 : i32, i32
  }
  func.func @transform_2(%arg0: i32) -> (i32, i32) {
    %c0_i32 = arith.constant 0 : i32
    %c0_i32_0 = arith.constant 0 : i32
    return %arg0, %c0_i32 : i32, i32
  }
}

module attributes {stable_mosaic.version = 14 : i64} {
  func.func @_finalize_body(%arg0: i32, %arg1: memref<6x816x128xf32, #tpu.memory_space<vmem>>, %arg2: memref<4x136x680xf32, #tpu.memory_space<vmem>>) attributes {dimension_semantics = [#tpu.dimension_semantics<arbitrary>], iteration_bounds = array<i64: 5>, scalar_prefetch = 0 : i64, scratch_operands = 0 : i64, tpu.core_type = #tpu.core_type<tc>, window_params = [{transform_indices = @transform_0, window_bounds = array<i64: 6, 816, 128>}, {transform_indices = @transform_1, window_bounds = array<i64: 4, 136, 680>}]} {
    %get3A = arith.constant 0 : index
    %get3A_0 = arith.constant 0 : index
    %get3A_1 = arith.constant 0 : index
    %get3A_2 = vector.load %arg1[%get3A, %get3A_0, %get3A_1] : memref<6x816x128xf32, #tpu.memory_space<vmem>>, vector<1x816x128xf32>
    %get3A_3 = vector.shape_cast %get3A_2 : vector<1x816x128xf32> to vector<816x128xf32>
    %reshape3A = vector.shape_cast %get3A_3 : vector<816x128xf32> to vector<136x768xf32>
    %slice3A = vector.extract_strided_slice %reshape3A {offsets = [0, 0], sizes = [136, 680], strides = [1, 1]} : vector<136x768xf32> to vector<136x680xf32>
    %get3A_4 = arith.constant 5 : index
    %get3A_5 = arith.constant 0 : index
    %get3A_6 = arith.constant 0 : index
    %get3A_7 = vector.load %arg1[%get3A_4, %get3A_5, %get3A_6] : memref<6x816x128xf32, #tpu.memory_space<vmem>>, vector<1x816x128xf32>
    %get3A_8 = vector.shape_cast %get3A_7 : vector<1x816x128xf32> to vector<816x128xf32>
    %reshape3A_9 = vector.shape_cast %get3A_8 : vector<816x128xf32> to vector<136x768xf32>
    %slice3A_10 = vector.extract_strided_slice %reshape3A_9 {offsets = [0, 0], sizes = [136, 680], strides = [1, 1]} : vector<136x768xf32> to vector<136x680xf32>
    %add3A = arith.addf %slice3A, %slice3A_10 : vector<136x680xf32>
    %eq3A = arith.constant 0.000000e+00 : f32
    %eq3A_11 = vector.broadcast %eq3A : f32 to vector<136x680xf32>
    %eq3A_12 = arith.cmpf oeq, %add3A, %eq3A_11 : vector<136x680xf32>
    %jit3A = arith.constant 1.000000e+00 : f32
    %broadcast_in_dim3A = vector.broadcast %jit3A : f32 to vector<136x680xf32>
    %select_n3A = arith.select %eq3A_12, %broadcast_in_dim3A, %add3A : vector<136x680xi1>, vector<136x680xf32>
    %div3A = arith.constant 1.000000e+00 : f32
    %div3A_13 = vector.broadcast %div3A : f32 to vector<136x680xf32>
    %div3A_14 = arith.divf %div3A_13, %select_n3A : vector<136x680xf32>
    %jit3A_15 = arith.constant 0.000000e+00 : f32
    %broadcast_in_dim3A_16 = vector.broadcast %jit3A_15 : f32 to vector<136x680xf32>
    %select_n3A_17 = arith.select %eq3A_12, %broadcast_in_dim3A_16, %div3A_14 : vector<136x680xi1>, vector<136x680xf32>
    %get3A_18 = arith.constant 1 : index
    %get3A_19 = arith.constant 0 : index
    %get3A_20 = arith.constant 0 : index
    %get3A_21 = vector.load %arg1[%get3A_18, %get3A_19, %get3A_20] : memref<6x816x128xf32, #tpu.memory_space<vmem>>, vector<1x816x128xf32>
    %get3A_22 = vector.shape_cast %get3A_21 : vector<1x816x128xf32> to vector<816x128xf32>
    %reshape3A_23 = vector.shape_cast %get3A_22 : vector<816x128xf32> to vector<136x768xf32>
    %slice3A_24 = vector.extract_strided_slice %reshape3A_23 {offsets = [0, 0], sizes = [136, 680], strides = [1, 1]} : vector<136x768xf32> to vector<136x680xf32>
    %mul3A = arith.mulf %slice3A_24, %select_n3A_17 : vector<136x680xf32>
    %swap3A = arith.constant 0 : index
    %swap3A_25 = arith.constant 0 : index
    %swap3A_26 = arith.constant 0 : index
    %swap3A_27 = vector.load %arg2[%swap3A, %swap3A_25, %swap3A_26] : memref<4x136x680xf32, #tpu.memory_space<vmem>>, vector<1x136x680xf32>
    %swap3A_28 = vector.shape_cast %swap3A_27 : vector<1x136x680xf32> to vector<136x680xf32>
    %swap3A_29 = vector.shape_cast %mul3A : vector<136x680xf32> to vector<1x136x680xf32>
    tpu.vector_store %arg2[%swap3A, %swap3A_25, %swap3A_26], %swap3A_29 {strides = array<i32>} : memref<4x136x680xf32, #tpu.memory_space<vmem>>, vector<1x136x680xf32>,
    %get3A_30 = arith.constant 2 : index
    %get3A_31 = arith.constant 0 : index
    %get3A_32 = arith.constant 0 : index
    %get3A_33 = vector.load %arg1[%get3A_30, %get3A_31, %get3A_32] : memref<6x816x128xf32, #tpu.memory_space<vmem>>, vector<1x816x128xf32>
    %get3A_34 = vector.shape_cast %get3A_33 : vector<1x816x128xf32> to vector<816x128xf32>
    %reshape3A_35 = vector.shape_cast %get3A_34 : vector<816x128xf32> to vector<136x768xf32>
    %slice3A_36 = vector.extract_strided_slice %reshape3A_35 {offsets = [0, 0], sizes = [136, 680], strides = [1, 1]} : vector<136x768xf32> to vector<136x680xf32>
    %mul3A_37 = arith.mulf %slice3A_36, %select_n3A_17 : vector<136x680xf32>
    %swap3A_38 = arith.constant 1 : index
    %swap3A_39 = arith.constant 0 : index
    %swap3A_40 = arith.constant 0 : index
    %swap3A_41 = vector.load %arg2[%swap3A_38, %swap3A_39, %swap3A_40] : memref<4x136x680xf32, #tpu.memory_space<vmem>>, vector<1x136x680xf32>
    %swap3A_42 = vector.shape_cast %swap3A_41 : vector<1x136x680xf32> to vector<136x680xf32>
    %swap3A_43 = vector.shape_cast %mul3A_37 : vector<136x680xf32> to vector<1x136x680xf32>
    tpu.vector_store %arg2[%swap3A_38, %swap3A_39, %swap3A_40], %swap3A_43 {strides = array<i32>} : memref<4x136x680xf32, #tpu.memory_space<vmem>>, vector<1x136x680xf32>,
    %get3A_44 = arith.constant 3 : index
    %get3A_45 = arith.constant 0 : index
    %get3A_46 = arith.constant 0 : index
    %get3A_47 = vector.load %arg1[%get3A_44, %get3A_45, %get3A_46] : memref<6x816x128xf32, #tpu.memory_space<vmem>>, vector<1x816x128xf32>
    %get3A_48 = vector.shape_cast %get3A_47 : vector<1x816x128xf32> to vector<816x128xf32>
    %reshape3A_49 = vector.shape_cast %get3A_48 : vector<816x128xf32> to vector<136x768xf32>
    %slice3A_50 = vector.extract_strided_slice %reshape3A_49 {offsets = [0, 0], sizes = [136, 680], strides = [1, 1]} : vector<136x768xf32> to vector<136x680xf32>
    %mul3A_51 = arith.mulf %slice3A_50, %select_n3A_17 : vector<136x680xf32>
    %swap3A_52 = arith.constant 2 : index
    %swap3A_53 = arith.constant 0 : index
    %swap3A_54 = arith.constant 0 : index
    %swap3A_55 = vector.load %arg2[%swap3A_52, %swap3A_53, %swap3A_54] : memref<4x136x680xf32, #tpu.memory_space<vmem>>, vector<1x136x680xf32>
    %swap3A_56 = vector.shape_cast %swap3A_55 : vector<1x136x680xf32> to vector<136x680xf32>
    %swap3A_57 = vector.shape_cast %mul3A_51 : vector<136x680xf32> to vector<1x136x680xf32>
    tpu.vector_store %arg2[%swap3A_52, %swap3A_53, %swap3A_54], %swap3A_57 {strides = array<i32>} : memref<4x136x680xf32, #tpu.memory_space<vmem>>, vector<1x136x680xf32>,
    %get3A_58 = arith.constant 4 : index
    %get3A_59 = arith.constant 0 : index
    %get3A_60 = arith.constant 0 : index
    %get3A_61 = vector.load %arg1[%get3A_58, %get3A_59, %get3A_60] : memref<6x816x128xf32, #tpu.memory_space<vmem>>, vector<1x816x128xf32>
    %get3A_62 = vector.shape_cast %get3A_61 : vector<1x816x128xf32> to vector<816x128xf32>
    %reshape3A_63 = vector.shape_cast %get3A_62 : vector<816x128xf32> to vector<136x768xf32>
    %slice3A_64 = vector.extract_strided_slice %reshape3A_63 {offsets = [0, 0], sizes = [136, 680], strides = [1, 1]} : vector<136x768xf32> to vector<136x680xf32>
    %mul3A_65 = arith.mulf %slice3A_64, %select_n3A_17 : vector<136x680xf32>
    %swap3A_66 = arith.constant 3 : index
    %swap3A_67 = arith.constant 0 : index
    %swap3A_68 = arith.constant 0 : index
    %swap3A_69 = vector.load %arg2[%swap3A_66, %swap3A_67, %swap3A_68] : memref<4x136x680xf32, #tpu.memory_space<vmem>>, vector<1x136x680xf32>
    %swap3A_70 = vector.shape_cast %swap3A_69 : vector<1x136x680xf32> to vector<136x680xf32>
    %swap3A_71 = vector.shape_cast %mul3A_65 : vector<136x680xf32> to vector<1x136x680xf32>
    tpu.vector_store %arg2[%swap3A_66, %swap3A_67, %swap3A_68], %swap3A_71 {strides = array<i32>} : memref<4x136x680xf32, #tpu.memory_space<vmem>>, vector<1x136x680xf32>,
    return
  }
  func.func @transform_0(%arg0: i32) -> (i32, i32, i32) {
    %c0_i32 = arith.constant 0 : i32
    %c0_i32_0 = arith.constant 0 : i32
    %c0_i32_1 = arith.constant 0 : i32
    return %c0_i32, %arg0, %c0_i32_0 : i32, i32, i32
  }
  func.func @transform_1(%arg0: i32) -> (i32, i32, i32) {
    %c0_i32 = arith.constant 0 : i32
    %c0_i32_0 = arith.constant 0 : i32
    %c0_i32_1 = arith.constant 0 : i32
    return %c0_i32, %arg0, %c0_i32_0 : i32, i32, i32
  }
}

</mosaic_0001>

<sc_bundles>
// kernel: kernel.5.cloned.1.call-start
scs
__scs_entry_jumppad:
0x0: {  	(pc) =	sbr.rel $0x88, $3  }
0x1: {  	(tag) =	ssettag $0x0;
	lr =	simm.s32 $0x1  }
0x2: {  	[smem:$0x3F9F] =	sst lr;
	_ =	strace $0xD0000000  }
0x3: {  	_ = 	snop  }
0x4: {  	_ = 	snop  }
0x5: {  	_ = 	snop  }
0x6: {  	_ = 	snop  }
0x7: {  	_ = 	snop  }
__scs_overlays_trampoline_lowered:
0x8: {  	[smem:$0x3FAE] =	sst s0  }
0x9: {  	[smem:$0x3FAF] =	sst s1  }
0xa: {  	[smem:$0x3FB0] =	sst s2  }
0xb: {  	[smem:$0x3FB1] =	sst s3  }
0xc: {  	[smem:$0x3FB2] =	sst s4  }
0xd: {  	[smem:$0x3FB3] =	sst s5  }
0xe: {  	[smem:$0x3FB4] =	sst s6  }
0xf: {  	[smem:$0x3FB5] =	sst s7  }
0x10: {  	[smem:$0x3FB6] =	sst s8  }
0x11: {  	[smem:$0x3FB7] =	sst s9;
	s0 =	simm.s32 @!p0 $0x0  }
0x12: {  	s1 =	sld [smem:$0x3F9D];
	s0 =	simm.s32 @p0 $0x1  }
0x13: {  	[smem:$0x3FB8] =	sst s0;
	s0 =	simm.s32 @!p1 $0x0  }
0x14: {  	s2 =	sld [smem:$0x3F9C];
	s0 =	simm.s32 @p1 $0x1  }
0x15: {  	[smem:$0x3FB9] =	sst s0;
	s0 =	simm.s32 @!p2 $0x0  }
0x16: {  	s3 =	sld [smem:$0x3FDB];
	s0 =	simm.s32 @p2 $0x1  }
0x17: {  	s4 =	simm.s32 $0x1BF5;
	[smem:$0x3FBB] =	sst s0  }
0x18: {  	s0 =	sld [smem:$0x3F9E];
	_ =	swait.ge [sflag:s4], $0x0  }
0x19: {  	s7 =	sld [smem:$0x3F9F]  }
0x1a: {  	s8 =	sadd.s32 $0xFFFFE003, lr  }
0x1b: {  	s9 =	sadd.s32 $0xFFFFFEF7, lr;
	s5 =	simm.s32 $0xFFFFFFFF;
	p2 =	slt.u32 s8, $0xFFFFF086  }
0x1c: {  	p1 =	slt.u32 s9, $0xF7A;
	s5 =	simm.s32 @!p2 $0x0  }
0x1d: {  	s5 =	simm.s32 @p1 $0x1;
	p0 =	seq.s32 s7, s2  }
0x1e: {  	s7 =	smul.u32 @!p0 $0xF7A, s2;
	p2 =	seq.s32 @!p0 s5, $0x0  }
0x1f: {  	s9 =	smul.u32 $0xF7A, s1;
	s8 =	simm.s32 @!p0 $0x1BF5;
	p2 =	por !p2, p0  }
0x20: {  	[sflag:s8] =	ssyncset.s32 @!p0 $0xFFFFF086;
	s6 =	sadd.s32 @!p0 s3, s7;
	s7 =	simm.s32 @!p0 $0x108  }
0x21: {  	s3 =	sadd.s32 s3, s9;
	s6 =	sadd.s32 @!p0 $0x88, s6;
	s7 =	simm.s32 @p2 $0x1082  }
0x22: {  	[simem:s7], [sflag:s8] =	dma.local @!p0 [hbm:s6], $0xF7A  }
0x23: {  	s9 =	sor.u32 $0xD0000000, s2;
	s6 =	simm.s32 $0x108;
	_ =	swait.ge @!p0 [sflag:s8], $0x0  }
0x24: {  	s3 =	sadd.s32 $0x88, s3;
	s6 =	simm.s32 @!p1 $0x1082;
	[sflag:s4] =	ssyncset.s32 $0xFFFFF086  }
0x25: {  	[simem:s6], [sflag:s4] =	dma.local [hbm:s3], $0xF7A  }
0x26: {  	[smem:$0x3F9F] =	sst s1;
	(tag) =	ssettag s2;
	_ =	strace s9  }
0x27: {  	s1 =	sld [smem:$0x3FAF]  }
0x28: {  	s2 =	sld [smem:$0x3FB0]  }
0x29: {  	s4 =	sld [smem:$0x3FB2]  }
0x2a: {  	p0 =	seq.s32 s5, $0x0;
	s5 =	sld [smem:$0x3FB3]  }
0x2b: {  	s6 =	sld [smem:$0x3FB4]  }
0x2c: {  	s7 =	sld [smem:$0x3FB5]  }
0x2d: {  	s3 =	simm.s32 $0x108;
	s8 =	sld [smem:$0x3FB6]  }
0x2e: {  	s3 =	simm.s32 @!p0 $0x1082;
	s9 =	sld [smem:$0x3FB7]  }
0x2f: {  	lr =	sadd.s32 s0, s3;
	s0 =	sld [smem:$0x3FAE]  }
0x30: {  	s3 =	sld [smem:$0x3FB1]  }
0x31: {  	[smem:$0x3FBA] =	sst s10  }
0x32: {  	s10 =	sld [smem:$0x3FB8];
	_ =	sdelay $0x3  }
0x33: {  	p0 =	seq.s32 s10, $0x1;
	s10 =	sld [smem:$0x3FBA];
	_ =	sdelay $0x3  }
0x34: {  	[smem:$0x3FBA] =	sst s10  }
0x35: {  	s10 =	sld [smem:$0x3FB9];
	_ =	sdelay $0x3  }
0x36: {  	p1 =	seq.s32 s10, $0x1;
	s10 =	sld [smem:$0x3FBA];
	_ =	sdelay $0x3  }
0x37: {  	[smem:$0x3FBA] =	sst s10  }
0x38: {  	s10 =	sld [smem:$0x3FBB]  }
0x39: {  	_ = 	snop;
	(pc) =	sbr.ind lr, $3  }
0x3a: {  	_ = 	snop  }
0x3b: {  	_ = 	snop  }
0x3c: {  	p2 =	seq.s32 s10, $0x1;
	s10 =	sld [smem:$0x3FBA]  }
0x3d: {  	_ =	shalt  }
0x3e: {  	_ =	shalt  }
0x3f: {  	_ =	shalt  }
0x40: {  	_ =	shalt  }
0x41: {  	_ =	shalt  }
0x42: {  	_ =	shalt  }
0x43: {  	_ =	shalt  }
0x44: {  	_ =	shalt  }
0x45: {  	_ =	shalt  }
0x46: {  	_ =	shalt  }
0x47: {  	_ =	shalt  }
0x48: {  	_ =	shalt  }
0x49: {  	_ =	shalt  }
0x4a: {  	_ =	shalt  }
0x4b: {  	_ =	shalt  }
0x4c: {  	_ =	shalt  }
0x4d: {  	_ =	shalt  }
0x4e: {  	_ =	shalt  }
0x4f: {  	_ =	shalt  }
0x50: {  	_ =	shalt  }
0x51: {  	_ =	shalt  }
0x52: {  	_ =	shalt  }
0x53: {  	_ =	shalt  }
0x54: {  	_ =	shalt  }
0x55: {  	_ =	shalt  }
0x56: {  	_ =	shalt  }
0x57: {  	_ =	shalt  }
0x58: {  	_ =	shalt  }
0x59: {  	_ =	shalt  }
0x5a: {  	_ =	shalt  }
0x5b: {  	_ =	shalt  }
0x5c: {  	_ =	shalt  }
0x5d: {  	_ =	shalt  }
0x5e: {  	_ =	shalt  }
0x5f: {  	_ =	shalt  }
0x60: {  	_ =	shalt  }
0x61: {  	_ =	shalt  }
0x62: {  	_ =	shalt  }
0x63: {  	_ =	shalt  }
0x64: {  	_ =	shalt  }
0x65: {  	_ =	shalt  }
0x66: {  	_ =	shalt  }
0x67: {  	_ =	shalt  }
0x68: {  	_ =	shalt  }
0x69: {  	_ =	shalt  }
0x6a: {  	_ =	shalt  }
0x6b: {  	_ =	shalt  }
0x6c: {  	_ =	shalt  }
0x6d: {  	_ =	shalt  }
0x6e: {  	_ =	shalt  }
0x6f: {  	_ =	shalt  }
0x70: {  	_ =	shalt  }
0x71: {  	_ =	shalt  }
0x72: {  	_ =	shalt  }
0x73: {  	_ =	shalt  }
0x74: {  	_ =	shalt  }
0x75: {  	_ =	shalt  }
0x76: {  	_ =	shalt  }
0x77: {  	_ =	shalt  }
0x78: {  	_ =	shalt  }
0x79: {  	_ =	shalt  }
0x7a: {  	_ =	shalt  }
0x7b: {  	_ =	shalt  }
0x7c: {  	_ =	shalt  }
0x7d: {  	_ =	shalt  }
0x7e: {  	_ =	shalt  }
0x7f: {  	_ =	shalt  }
0x80: {  	_ =	shalt  }
0x81: {  	_ =	shalt  }
0x82: {  	_ =	shalt  }
0x83: {  	_ =	shalt  }
0x84: {  	_ =	shalt  }
0x85: {  	_ =	shalt  }
0x86: {  	_ =	shalt  }
0x87: {  	_ =	shalt  }
.Lfunc_end0:
.L_simem_size_0:
called_computation_lowered:
.L_overlay_start_0:
0x88: {  	s2 =	sld [smem:$0x3FD9]  }
0x89: {  	s3 =	sld [smem:$0x3FFE];
	_ =	sdelay $0x1  }
0x8a: {  	s1 =	srdreg.scid  }
0x8b: {  	s0 =	sand.u32 $0x1, s1  }
0x8c: {  	s17 =	sshll.u32 s0, $0xA;
	s2 =	sadd.s32 s3, s2  }
0x8d: {  	s2 =	sadd.s32 s2, s17  }
0x8e: {  	[smem:$0x3FC6] =	sst s2  }
0x8f: {  	_ = 	snop  }
0x90: {  	s2 =	sld [smem:$0x3FD0];
	(tm) =	ssettm $0x1  }
0x91: {  	s18 =	sld [smem:$0x3FFB];
	_ =	sdelay $0x3  }
0x92: {  	_ =	strace s18  }
0x93: {  	s3 =	sld [smem:$0x3FFC];
	_ =	sdelay $0x3  }
0x94: {  	_ =	strace s3  }
0x95: {  	s3 =	sld [smem:$0x3FFD];
	_ =	sdelay $0x3  }
0x96: {  	_ =	strace s3  }
0x97: {  	_ =	strace $0x8FFFFFFF  }
0x98: {  	s19 =	sld [smem:$0x3FDB];
	_ =	sdelay $0x1  }
0x99: {  	s4 =	simm.s32 $_scs_section_size  }
0x9a: {  	s5 =	simm.s32 $_size__tile_overlayer_lowered;
	s6 =	simm.s32 $_tile_overlayer_lowered  }
0x9b: {  	s22 =	simm.s32 $0x1BFF;
	s21 =	sshll.u32 s6, $0x1;
	s3 =	sadd.s32 s4, s19  }
0x9c: {  	s7 =	simm.s32 $0x0;
	s20 =	sshll.u32 s5, $0x1;
	s5 =	sadd.s32 s21, s3  }
0x9d: {  	[timem:s7], [sflag:s22] =	dma.local [hbm:s5], s20  }
0x9e: {  	_ =	swait.ge [sflag:s22], s20  }
0x9f: {  	s4 =	ssub.s32 $0x0, s20;
	[sflag:s22] =	ssyncset.done $0x0  }
0xa0: {  	[sflag:s22] =	ssyncadd.s32 s4;
	_ =	sdelay $0x1  }
0xa1: {  	s23 =	simm.s32 $0x1B8B  }
0xa2: {  	_ =	swait.ge [sflag:s23], $0x1  }
0xa3: {  	[sflag:s23] =	ssyncset.done $0x0  }
0xa4: {  	s25 =	simm.s32 $0x1B8E;
	s24 =	sld [smem:$0x3FFE];
	[sflag:s23] =	ssyncadd.s32 $0xFFFFFFFF  }
0xa5: {  	s26 =	simm.s32 $execute0_lowered;
	[smem:$0x3FD2] =	sst s25  }
0xa6: {  	s5 =	sshll.u32 s26, $0x1;
	_ =	strace $0x80000046;
	[dreg:$0x1] =	wrdreg $0xFFFFFFFF  }
0xa7: {  	s28 =	simm.s32 $_size_execute0_lowered;
	s3 =	sadd.s32 s3, s5;
	[dreg:$0x0] =	wrdreg $0x0  }
0xa8: {  	s5 =	sshll.u32 s28, $0x1;
	[dreg:$0x2] =	wrdreg s3  }
0xa9: {  	[dreg:$0x3] =	wrdreg s5  }
0xaa: {  	[dreg:$0x4] =	wrdreg $0xC0  }
0xab: {  	_ =	task [dreg:s7], $0x5FFFF  }
0xac: {  	[dreg:$0x1] =	wrdreg $0xFFFFFFFF  }
0xad: {  	[dreg:$0x0] =	wrdreg $0x60  }
0xae: {  	[dreg:$0x2] =	wrdreg s24  }
0xaf: {  	[dreg:$0x3] =	wrdreg s2  }
0xb0: {  	[dreg:$0x4] =	wrdreg $0x7E000  }
0xb1: {  	[dreg:$0x5] =	wrdreg $0xFD800  }
0xb2: {  	[dreg:$0x6] =	wrdreg $0x17D000  }
0xb3: {  	[dreg:$0x7] =	wrdreg $0x9  }
0xb4: {  	_ =	task.clear_ibuf [dreg:s7], $0x8FFFF;
	_ =	strace $0x90000046  }
0xb5: {  	s29 =	simm.s32 $0x9;
	_ =	strace $0x80000048  }
0xb6: {  	_ =	swait.ge [sflag:s29], $0x1  }
0xb7: {  	[sflag:s29] =	ssyncadd.s32 $0xFFFFFFFF  }
0xb8: {  	_ =	strace $0x90000048  }
0xb9: {  	_ =	sfence  }
0xba: {  	s30 =	sld [smem:$0x0];
	_ =	sdelay $0x2  }
0xbb: {  	s31 =	sshll.u32 s1, $0xD;
	s1 =	sshrl.u32 s1, $0x2  }
0xbc: {  	s3 =	sand.u32 $0x4000, s31;
	s1 =	sadd.s32 s1, s30  }
0xbd: {  	s0 =	sor.u32 s3, s0;
	s1 =	sshll.u32 s1, $0x11  }
0xbe: {  	s0 =	sor.u32 s1, s0  }
0xbf: {  	s0 =	sadd.s32 $0x8F2B, s0  }
0xc0: {  	[sflag:s0] =	ssyncadd.remote.s32 $0x1  }
0xc1: {  	_ =	sfence.sel $0xFFFF  }
0xc2: {  	[dreg:$0x0] =	wrdreg $0xFFFFFFFF;
	(pc) =	sbr.abs _section_cstart, $3  }
0xc3: {  	[dreg:$0x1] =	wrdreg $0xFFFFFFFF  }
0xc4: {  	_ =	task.clear_ibuf [dreg:s7], $0x2FFFF;
	_ =	strace $0x9FFFFFFF  }
0xc5: {  	(tm) =	ssettm $0x7FFFFFFF  }
tec
execute0_lowered:
.L_overlay_start_1:
0x0: {  	(tag) =	ssettag $0x1  }
0x1: {  	s9 =	rddreg [dreg:$0x0]  }
0x2: {  	s1 =	rddreg [dreg:$0x1]  }
0x3: {  	s29 =	rddreg [dreg:$0x2]  }
0x4: {  	s6 =	rddreg [dreg:$0x3]  }
0x5: {  	s7 =	rddreg [dreg:$0x4];
	s14 =	simm.s32 $0x0  }
0x6: {  	s0 =	srdreg.scid;
	s15 =	stileid.u32;
	p2 =	por $0x0, $0x0  }
0x7: {  	s28 =	simm.s32 $0x2;
	[smem:$0x7FF] =	sst s14;
	s2 =	sadd.s32 $0x7F000, s9  }
0x8: {  	s21 =	sadd.s32 $0x1000, s9;
	s0 =	sand.u32 $0x1, s0;
	s3 =	smul.u32 $0xFC00, s15  }
0x9: {  	s10 =	sadd.s32 $0x2000, s9;
	s17 =	sadd.s32 $0x2400, s9;
	s8 =	smul.u32 $0x7F80, s15  }
0xa: {  	s23 =	sshll.u32 s15, $0x6;
	_ =	strace $0x80000047;
	s11 =	ssub.s32 $0x2, s0  }
0xb: {  	s4 =	smul.u32 $0x1F8000, s0;
	[dreg:$0x6] =	wrdreg s10;
	s16 =	sor.u32 $0x1C0D, s23  }
0xc: {  	p1 =	sne.s32 s0, $0x0;
	p0 =	seq.s32 s0, $0x0;
	[smem:$0x7F8] =	sst s17  }
0xd: {  	s18 =	sshrl.u32 s11, $0x1;
	s12 =	sshrl.u32 s3, $0x3;
	s24 =	sadd.s32 $0x1200, s3  }
0xe: {  	s31 =	sadd.s32 $0x2400, s3;
	s23 =	sadd.s32 $0x3600, s3;
	[smem:$0x7F7] =	sst s8  }
0xf: {  	[smem:$0x7FD] =	sst s16;
	s13 =	sadd.s32 s3, s4;
	s9 =	sadd.s32 $0xFC000, s4  }
0x10: {  	s12 =	sadd.s32 s1, s12;
	s10 =	ssub.s32 s11, s18;
	s25 =	sshrl.u32 s24, $0x3  }
0x11: {  	s26 =	sadd.s32 s4, s24;
	s15 =	sshrl.u32 s31, $0x3;
	s18 =	sadd.s32 s4, s31  }
0x12: {  	s13 =	sshrl.u32 s13, $0x3;
	s5 =	sadd.s32 s3, s9;
	[dreg:$0x7] =	wrdreg s12  }
0x13: {  	s12 =	sadd.s32 s1, s25;
	s11 =	sadd.s32 s24, s9;
	s24 =	sshrl.u32 s23, $0x3  }
0x14: {  	s25 =	sadd.s32 s4, s23;
	s19 =	sadd.s32 s2, s13;
	s20 =	sshrl.u32 s5, $0x3  }
0x15: {  	s5 =	sadd.s32 s8, s6;
	s13 =	sshrl.u32 s26, $0x3;
	[dreg:$0xa] =	wrdreg s12  }
0x16: {  	s11 =	sshrl.u32 s11, $0x3;
	s12 =	sadd.s32 s31, s9;
	s31 =	sadd.s32 $0x4800, s3  }
0x17: {  	[dreg:$0x8] =	wrdreg s19;
	s22 =	sadd.s32 s2, s20;
	s30 =	sadd.s32 s2, s13  }
0x18: {  	s11 =	sadd.s32 s2, s11;
	s13 =	sshrl.u32 s18, $0x3;
	[dreg:$0x9] =	wrdreg s22  }
0x19: {  	s12 =	sshrl.u32 s12, $0x3;
	s18 =	sadd.s32 s4, s31;
	[dreg:$0xb] =	wrdreg s30  }
0x1a: {  	s22 =	sadd.s32 s8, s29;
	[dreg:$0xc] =	wrdreg s11;
	s11 =	sadd.s32 s1, s15  }
0x1b: {  	s19 =	sadd.s32 s2, s13;
	s20 =	sadd.s32 s2, s12;
	[dreg:$0xd] =	wrdreg s11  }
0x1c: {  	s13 =	sshrl.u32 s25, $0x3;
	s12 =	sadd.s32 s23, s9;
	[dreg:$0xe] =	wrdreg s19  }
0x1d: {  	s15 =	sshrl.u32 s31, $0x3;
	s23 =	sadd.s32 $0x5A00, s3;
	[dreg:$0xf] =	wrdreg s20  }
0x1e: {  	s11 =	sadd.s32 s1, s24;
	s26 =	sadd.s32 s2, s13;
	s12 =	sshrl.u32 s12, $0x3  }
0x1f: {  	s13 =	sshrl.u32 s18, $0x3;
	s24 =	sshrl.u32 s23, $0x3;
	[dreg:$0x10] =	wrdreg s11  }
0x20: {  	s25 =	sadd.s32 s4, s23;
	[dreg:$0x11] =	wrdreg s26;
	s30 =	sadd.s32 s2, s12  }
0x21: {  	s11 =	sadd.s32 s1, s15;
	s12 =	sadd.s32 s31, s9;
	[dreg:$0x12] =	wrdreg s30  }
0x22: {  	s19 =	sadd.s32 s2, s13;
	s13 =	sshrl.u32 s25, $0x3;
	[dreg:$0x13] =	wrdreg s11  }
0x23: {  	s31 =	sadd.s32 $0x6C00, s3;
	s12 =	sshrl.u32 s12, $0x3;
	[dreg:$0x14] =	wrdreg s19  }
0x24: {  	s11 =	sadd.s32 s1, s24;
	s26 =	sadd.s32 s2, s13;
	s15 =	sshrl.u32 s31, $0x3  }
0x25: {  	s18 =	sadd.s32 s4, s31;
	s20 =	sadd.s32 s2, s12;
	[dreg:$0x16] =	wrdreg s11  }
0x26: {  	s12 =	sadd.s32 s23, s9;
	[dreg:$0x17] =	wrdreg s26;
	s11 =	sadd.s32 s1, s15  }
0x27: {  	s13 =	sshrl.u32 s18, $0x3;
	s23 =	sadd.s32 $0x7E00, s3;
	[dreg:$0x15] =	wrdreg s20  }
0x28: {  	s12 =	sshrl.u32 s12, $0x3;
	[dreg:$0x19] =	wrdreg s11;
	s19 =	sadd.s32 s2, s13  }
0x29: {  	s24 =	sshrl.u32 s23, $0x3;
	s25 =	sadd.s32 s4, s23;
	s30 =	sadd.s32 s2, s12  }
0x2a: {  	s12 =	sadd.s32 s31, s9;
	[dreg:$0x1a] =	wrdreg s19;
	s11 =	sadd.s32 s1, s24  }
0x2b: {  	s13 =	sshrl.u32 s25, $0x3;
	s31 =	sadd.s32 $0x9000, s3;
	[dreg:$0x18] =	wrdreg s30  }
0x2c: {  	s12 =	sshrl.u32 s12, $0x3;
	[dreg:$0x1c] =	wrdreg s11;
	s26 =	sadd.s32 s2, s13  }
0x2d: {  	s15 =	sshrl.u32 s31, $0x3;
	s18 =	sadd.s32 s4, s31;
	s20 =	sadd.s32 s2, s12  }
0x2e: {  	s12 =	sadd.s32 s23, s9;
	[dreg:$0x1d] =	wrdreg s26;
	s11 =	sadd.s32 s1, s15  }
0x2f: {  	s13 =	sshrl.u32 s18, $0x3;
	s23 =	sadd.s32 $0xA200, s3;
	[dreg:$0x1b] =	wrdreg s20  }
0x30: {  	s12 =	sshrl.u32 s12, $0x3;
	[dreg:$0x1f] =	wrdreg s11;
	s19 =	sadd.s32 s2, s13  }
0x31: {  	s24 =	sshrl.u32 s23, $0x3;
	s25 =	sadd.s32 s4, s23;
	s30 =	sadd.s32 s2, s12  }
0x32: {  	s12 =	sadd.s32 s31, s9;
	[smem:$0x7E5] =	sst s19;
	s11 =	sadd.s32 s1, s24  }
0x33: {  	s13 =	sshrl.u32 s25, $0x3;
	s31 =	sadd.s32 $0xB400, s3;
	[dreg:$0x1e] =	wrdreg s30  }
0x34: {  	s12 =	sshrl.u32 s12, $0x3;
	[smem:$0x7E7] =	sst s11;
	s26 =	sadd.s32 s2, s13  }
0x35: {  	s15 =	sshrl.u32 s31, $0x3;
	s18 =	sadd.s32 s4, s31;
	s20 =	sadd.s32 s2, s12  }
0x36: {  	s12 =	sadd.s32 s23, s9;
	[smem:$0x7E8] =	sst s26;
	s11 =	sadd.s32 s1, s15  }
0x37: {  	s13 =	sshrl.u32 s18, $0x3;
	s23 =	sadd.s32 $0xC600, s3;
	[smem:$0x7E6] =	sst s20  }
0x38: {  	s12 =	sshrl.u32 s12, $0x3;
	[smem:$0x7EA] =	sst s11;
	s19 =	sadd.s32 s2, s13  }
0x39: {  	s24 =	sshrl.u32 s23, $0x3;
	s25 =	sadd.s32 s4, s23;
	s30 =	sadd.s32 s2, s12  }
0x3a: {  	s12 =	sadd.s32 s31, s9;
	[smem:$0x7EB] =	sst s19;
	s11 =	sadd.s32 s1, s24  }
0x3b: {  	s13 =	sshrl.u32 s25, $0x3;
	s31 =	sadd.s32 $0xD800, s3;
	[smem:$0x7E9] =	sst s30  }
0x3c: {  	s3 =	sadd.s32 $0xEA00, s3;
	s12 =	sshrl.u32 s12, $0x3;
	[smem:$0x7ED] =	sst s11  }
0x3d: {  	s26 =	sadd.s32 s2, s13;
	s15 =	sshrl.u32 s31, $0x3;
	s18 =	sadd.s32 s4, s31  }
0x3e: {  	s4 =	sadd.s32 s4, s3;
	s20 =	sadd.s32 s2, s12;
	s12 =	sadd.s32 s23, s9  }
0x3f: {  	[smem:$0x7EE] =	sst s26;
	s11 =	sadd.s32 s1, s15;
	s13 =	sshrl.u32 s18, $0x3  }
0x40: {  	s23 =	sshrl.u32 s3, $0x3;
	s4 =	sshrl.u32 s4, $0x3;
	s3 =	sadd.s32 s3, s9  }
0x41: {  	s26 =	smax.u32 s10, $0x1;
	s10 =	simm.s32 $0x1200;
	s15 =	simm.s32 $0xD  }
0x42: {  	s18 =	simm.s32 $0x8;
	[smem:$0x7EC] =	sst s20;
	s12 =	sshrl.u32 s12, $0x3  }
0x43: {  	[smem:$0x7F0] =	sst s11;
	s19 =	sadd.s32 s2, s13;
	s1 =	sadd.s32 s1, s23  }
0x44: {  	s24 =	sadd.s32 s2, s4;
	s3 =	sshrl.u32 s3, $0x3;
	s23 =	sadd.s32 s8, s7  }
0x45: {  	s4 =	simm.s32 $0x2400;
	s11 =	simm.s32 $0x3600;
	[smem:$0x7F1] =	sst s19  }
0x46: {  	s13 =	simm.s32 $0x6;
	s30 =	sadd.s32 s2, s12;
	[smem:$0x7F3] =	sst s1  }
0x47: {  	s12 =	sadd.s32 s31, s9;
	[smem:$0x7F4] =	sst s24;
	s25 =	sadd.s32 s2, s3  }
0x48: {  	s1 =	sadd.s32 $0x17E800, s8;
	s3 =	simm.s32 $0x5A00;
	s19 =	simm.s32 $0x7  }
0x49: {  	s24 =	simm.s32 $0xB;
	[smem:$0x7EF] =	sst s30;
	s12 =	sshrl.u32 s12, $0x3  }
0x4a: {  	[smem:$0x7F5] =	sst s25;
	s30 =	simm.s32 $0x6C00;
	s1 =	smov.u32 @p0 s8  }
0x4b: {  	s25 =	simm.s32 $0xA;
	s8 =	simm.s32 $0x5;
	s20 =	sadd.s32 s2, s12  }
0x4c: {  	[smem:$0x7F6] =	sst s30;
	s31 =	sshrl.u32 s1, $0x3;
	s2 =	sadd.s32 $0xFFFFFFFF, s26  }
0x4d: {  	s12 =	simm.s32 $0x4800;
	s0 =	sadd.s32 s17, s31;
	p3 =	sne.s32 s2, $0x0  }
.Ltmp0:
0x4e: {  	[smem:$0x7F9] =	sst s0;
	s0 =	smov.u32 s5;
	(pc) =	sbr.rel @!p3 .LBB2_5-.Ltmp0, $4  }
0x4f: {  	s1 =	smov.u32 s23;
	[smem:$0x7F2] =	sst s20;
	s0 =	smov.u32 @p0 s22  }
0x50: {  	s1 =	smov.u32 @p0 s5;
	[smem:$0x7FA] =	sst s0;
	s0 =	smov.u32 s22  }
0x51: {  	s26 =	simm.s32 $0x3;
	[smem:$0x7FB] =	sst s1;
	s0 =	smov.u32 @p0 s23  }
0x52: {  	s17 =	simm.s32 $0x9;
	s20 =	simm.s32 $0xC;
	[smem:$0x7FC] =	sst s0  }
0x53: {  	s1 =	rddreg [dreg:$0x7]  }
0x54: {  	[smem:$0x7E2] =	sst s2  }
0x55: {  	s13 =	rddreg [dreg:$0x8]  }
0x56: {  	s20 =	rddreg [dreg:$0x9]  }
0x57: {  	[tilespmem:s4], [sflag:$0x7] =	stream.linear.gather [hbm4b:s1+s14], $0x1200, $0x38;
	[tilespmem:$0x1FC80] =	vst v63  }
0x58: {  	[smem:$0x7D6] =	sst s22;
	s0 =	sshrl.u32 s22, $0x3  }
0x59: {  	[tilespmem:s14], [sflag:$0x8] =	stream.linear.gather [hbm4b:s13+s14], $0x1200, $0x38;
	[tilespmem:$0x1FC80] =	vst v63  }
0x5a: {  	[smem:$0x7D7] =	sst s0  }
0x5b: {  	[tilespmem:s10], [sflag:$0x9] =	stream.linear.gather [hbm4b:s20+s14], $0x1200, $0x38;
	[tilespmem:$0x1FC80] =	vst v63  }
0x5c: {  	[spmem:s0], [sflag:s16] =	dma.local [hbm:s21], $0xFF0  }
0x5d: {  	_ =	swait.ge [sflag:s15], $0xFF0  }
0x5e: {  	s24 =	sshrl.u32 s5, $0x3;
	[sflag:s15] =	ssyncset.done $0x0;
	[smem:$0x7D8] =	sst s5  }
0x5f: {  	[smem:$0x7D9] =	sst s24;
	[sflag:s15] =	ssyncadd.s32 $0xFFFFF010  }
0x60: {  	[spmem:s24], [sflag:s16] =	dma.local [hbm:s21], $0xFF0  }
0x61: {  	_ =	swait.ge [sflag:s15], $0xFF0  }
0x62: {  	s25 =	sshrl.u32 s23, $0x3;
	[sflag:s15] =	ssyncset.done $0x0;
	[smem:$0x7DA] =	sst s23  }
0x63: {  	[smem:$0x7DB] =	sst s25;
	[sflag:s15] =	ssyncadd.s32 $0xFFFFF010  }
0x64: {  	[spmem:s25], [sflag:s16] =	dma.local [hbm:s21], $0xFF0  }
0x65: {  	_ =	swait.ge [sflag:s15], $0xFF0  }
0x66: {  	s28 =	sld [smem:$0x7F6]  }
0x67: {  	[sflag:s15] =	ssyncset.done $0x0  }
0x68: {  	s26 =	rddreg [dreg:$0x6];
	[sflag:s15] =	ssyncadd.s32 $0xFFFFF010  }
0x69: {  	[tilespmem:s28], [sflag:$0xD] =	stream.linear.gather [hbm4b:s26+s14], $0x1200, $0x38;
	[tilespmem:$0x1FC80] =	vst v63  }
0x6a: {  	_ =	swait.ge [sflag:s15], $0x1200  }
0x6b: {  	[sflag:s15] =	ssyncset.done $0x0  }
0x6c: {  	[sflag:s15] =	ssyncadd.s32 $0xFFFFEE00  }
0x6d: {  	[bflag:$0x0] =	sbarrier.arrive $0xFFFF  }
0x6e: {  	s30 =	rddreg [dreg:$0xa]  }
0x6f: {  	[tilespmem:s3], [sflag:$0xA] =	stream.linear.gather [hbm4b:s30+s14], $0x1200, $0x38;
	[tilespmem:$0x1FC80] =	vst v63  }
0x70: {  	s31 =	rddreg [dreg:$0xb]  }
0x71: {  	[tilespmem:s11], [sflag:$0xB] =	stream.linear.gather [hbm4b:s31+s14], $0x1200, $0x38;
	[tilespmem:$0x1FC80] =	vst v63  }
0x72: {  	s0 =	rddreg [dreg:$0xc]  }
0x73: {  	[tilespmem:s12], [sflag:$0xC] =	stream.linear.gather [hbm4b:s0+s14], $0x1200, $0x38;
	[tilespmem:$0x1FC80] =	vst v63  }
0x74: {  	_ =	swait.ge [sflag:s19], $0x1200  }
0x75: {  	[sflag:s19] =	ssyncset.done $0x0  }
0x76: {  	[sflag:s19] =	ssyncadd.s32 $0xFFFFEE00  }
0x77: {  	_ =	swait.ge [sflag:s18], $0x1200  }
0x78: {  	[sflag:s18] =	ssyncset.done $0x0  }
0x79: {  	[sflag:s18] =	ssyncadd.s32 $0xFFFFEE00  }
0x7a: {  	_ =	swait.ge [sflag:s17], $0x1200  }
0x7b: {  	s5 =	simm.s32 @p1 $0x2400;
	[sflag:s17] =	ssyncset.done $0x0  }
0x7c: {  	s23 =	simm.s32 @p1 $0x1200;
	s0 =	simm.s32 @p1 $0x0;
	[sflag:s17] =	ssyncadd.s32 $0xFFFFEE00  }
0x7d: {  	[spmem:s6] =	stream.indirect.scatter.add.f32 @p1 [tilespmem:s0], [sflag:$0x2], $0x1, s5, s23, $0xb8;
	[tilespmem:$0x1FC80] =	vst v63  }
0x7e: {  	_ = 	snop  }
0x7f: {  	[spmem:s7] =	stream.indirect.scatter.add.f32 @p1 [tilespmem:s23], [sflag:$0x3], $0x1, s5, s23, $0xb8;
	[tilespmem:$0x1FC80] =	vst v63  }
0x80: {  	s13 =	simm.s32 @!p1 $0x1200;
	s10 =	simm.s32 @!p1 $0x2400;
	s28 =	simm.s32 @!p1 $0x6C00  }
0x81: {  	[spmem:s29] =	stream.indirect.scatter.add.f32 @!p1 [tilespmem:s28], [sflag:$0x1], $0x1, s10, s13, $0xb8;
	[tilespmem:$0x1FC80] =	vst v63  }
0x82: {  	s0 =	simm.s32 @!p1 $0x0  }
0x83: {  	[spmem:s6] =	stream.indirect.scatter.add.f32 @!p1 [tilespmem:s0], [sflag:$0x2], $0x1, s10, s13, $0xb8;
	[tilespmem:$0x1FC80] =	vst v63  }
0x84: {  	s30 =	simm.s32 @!p1 $0x1  }
0x85: {  	[spmem:s7] =	stream.indirect.scatter.add.f32 @!p1 [tilespmem:s13], [sflag:$0x3], $0x1, s10, s13, $0xb8;
	[tilespmem:$0x1FC80] =	vst v63  }
0x86: {  	_ =	swait.ge @!p1 [sflag:s30], $0x1200  }
0x87: {  	[sflag:s30] =	ssyncset.done @!p1 $0x0  }
0x88: {  	s31 =	simm.s32 $0x2;
	[sflag:s30] =	ssyncadd.s32 @!p1 $0xFFFFEE00  }
0x89: {  	_ =	swait.ge [sflag:s31], $0x1200  }
0x8a: {  	[sflag:s31] =	ssyncset.done $0x0  }
0x8b: {  	s2 =	simm.s32 $0x3;
	[sflag:s31] =	ssyncadd.s32 $0xFFFFEE00  }
0x8c: {  	_ =	swait.ge [sflag:s2], $0x1200  }
0x8d: {  	[sflag:s2] =	ssyncset.done $0x0  }
0x8e: {  	s3 =	simm.s32 $0x2400;
	s15 =	rddreg [dreg:$0xd];
	[sflag:s2] =	ssyncadd.s32 $0xFFFFEE00  }
0x8f: {  	[tilespmem:s3], [sflag:$0x7] =	stream.linear.gather [hbm4b:s15+s14], $0x1200, $0x38;
	[tilespmem:$0x1FC80] =	vst v63  }
0x90: {  	s22 =	rddreg [dreg:$0xe]  }
0x91: {  	[tilespmem:s14], [sflag:$0x8] =	stream.linear.gather [hbm4b:s22+s14], $0x1200, $0x38;
	[tilespmem:$0x1FC80] =	vst v63  }
0x92: {  	s25 =	simm.s32 $0xA;
	s12 =	simm.s32 $0x1200;
	s26 =	rddreg [dreg:$0xf]  }
0x93: {  	[tilespmem:s12], [sflag:$0x9] =	stream.linear.gather [hbm4b:s26+s14], $0x1200, $0x38;
	[tilespmem:$0x1FC80] =	vst v63  }
0x94: {  	_ =	swait.ge [sflag:s25], $0x1200  }
0x95: {  	[sflag:s25] =	ssyncset.done $0x0  }
0x96: {  	s11 =	simm.s32 $0xB;
	[sflag:s25] =	ssyncadd.s32 $0xFFFFEE00  }
0x97: {  	_ =	swait.ge [sflag:s11], $0x1200  }
0x98: {  	[sflag:s11] =	ssyncset.done $0x0  }
0x99: {  	s24 =	simm.s32 $0xC;
	[sflag:s11] =	ssyncadd.s32 $0xFFFFEE00  }
0x9a: {  	_ =	swait.ge [sflag:s24], $0x1200  }
0x9b: {  	[sflag:s24] =	ssyncset.done $0x0  }
0x9c: {  	s1 =	simm.s32 @p1 $0x5A00;
	s0 =	simm.s32 @p1 $0x3600;
	[sflag:s24] =	ssyncadd.s32 $0xFFFFEE00  }
0x9d: {  	[spmem:s6] =	stream.indirect.scatter.add.f32 @p1 [tilespmem:s0], [sflag:$0x5], $0x1, s1, s23, $0xb8;
	[tilespmem:$0x1FC80] =	vst v63  }
0x9e: {  	s22 =	simm.s32 @p1 $0x4800  }
0x9f: {  	[spmem:s7] =	stream.indirect.scatter.add.f32 @p1 [tilespmem:s22], [sflag:$0x6], $0x1, s1, s23, $0xb8;
	[tilespmem:$0x1FC80] =	vst v63  }
0xa0: {  	s0 =	simm.s32 @!p1 $0x5A00  }
0xa1: {  	[spmem:s29] =	stream.indirect.scatter.add.f32 @!p1 [tilespmem:s28], [sflag:$0x4], $0x1, s0, s13, $0xb8;
	[tilespmem:$0x1FC80] =	vst v63  }
0xa2: {  	s26 =	simm.s32 @!p1 $0x3600;
	[smem:$0x7DC] =	sst s21  }
0xa3: {  	[spmem:s6] =	stream.indirect.scatter.add.f32 @!p1 [tilespmem:s26], [sflag:$0x5], $0x1, s0, s13, $0xb8;
	[tilespmem:$0x1FC80] =	vst v63  }
0xa4: {  	s12 =	simm.s32 @!p1 $0x4800;
	s3 =	rddreg [dreg:$0x4];
	s7 =	simm.s32 @!p1 $0x4  }
0xa5: {  	[spmem:s3] =	stream.indirect.scatter.add.f32 @!p1 [tilespmem:s12], [sflag:$0x6], $0x1, s0, s13, $0xb8;
	[tilespmem:$0x1FC80] =	vst v63  }
0xa6: {  	_ =	swait.ge @!p1 [sflag:s7], $0x1200  }
0xa7: {  	[sflag:s7] =	ssyncset.done @!p1 $0x0  }
0xa8: {  	s17 =	simm.s32 $0x5;
	[sflag:s7] =	ssyncadd.s32 @!p1 $0xFFFFEE00  }
0xa9: {  	_ =	swait.ge [sflag:s17], $0x1200  }
0xaa: {  	[sflag:s17] =	ssyncset.done $0x0  }
0xab: {  	s8 =	simm.s32 $0x6;
	[sflag:s17] =	ssyncadd.s32 $0xFFFFEE00  }
0xac: {  	_ =	swait.ge [sflag:s8], $0x1200  }
0xad: {  	[sflag:s8] =	ssyncset.done $0x0  }
0xae: {  	s9 =	simm.s32 $0x5A00;
	s4 =	rddreg [dreg:$0x10];
	[sflag:s8] =	ssyncadd.s32 $0xFFFFEE00  }
0xaf: {  	[tilespmem:s9], [sflag:$0xA] =	stream.linear.gather [hbm4b:s4+s14], $0x1200, $0x38;
	[tilespmem:$0x1FC80] =	vst v63  }
0xb0: {  	s6 =	rddreg [dreg:$0x11];
	s9 =	simm.s32 $0x3600  }
0xb1: {  	[tilespmem:s9], [sflag:$0xB] =	stream.linear.gather [hbm4b:s6+s14], $0x1200, $0x38;
	[tilespmem:$0x1FC80] =	vst v63  }
0xb2: {  	s20 =	simm.s32 $0x7;
	s21 =	simm.s32 $0x4800;
	s3 =	rddreg [dreg:$0x12]  }
0xb3: {  	[tilespmem:s21], [sflag:$0xC] =	stream.linear.gather [hbm4b:s3+s14], $0x1200, $0x38;
	[tilespmem:$0x1FC80] =	vst v63  }
0xb4: {  	_ =	swait.ge [sflag:s20], $0x1200  }
0xb5: {  	[sflag:s20] =	ssyncset.done $0x0  }
0xb6: {  	s19 =	simm.s32 $0x8;
	[sflag:s20] =	ssyncadd.s32 $0xFFFFEE00  }
0xb7: {  	_ =	swait.ge [sflag:s19], $0x1200  }
0xb8: {  	[sflag:s19] =	ssyncset.done $0x0  }
0xb9: {  	s18 =	simm.s32 $0x9;
	[sflag:s19] =	ssyncadd.s32 $0xFFFFEE00  }
0xba: {  	_ =	swait.ge [sflag:s18], $0x1200  }
0xbb: {  	[sflag:s18] =	ssyncset.done $0x0  }
0xbc: {  	[sflag:s18] =	ssyncadd.s32 $0xFFFFEE00  }
0xbd: {  	s6 =	simm.s32 @p1 $0x0;
	s3 =	rddreg [dreg:$0x3]  }
0xbe: {  	[spmem:s3] =	stream.indirect.scatter.add.f32 @p1 [tilespmem:s6], [sflag:$0x2], $0x1, s5, s23, $0xb8;
	[tilespmem:$0x1FC80] =	vst v63  }
0xbf: {  	s3 =	rddreg [dreg:$0x4]  }
0xc0: {  	[spmem:s3] =	stream.indirect.scatter.add.f32 @p1 [tilespmem:s23], [sflag:$0x3], $0x1, s5, s23, $0xb8;
	[tilespmem:$0x1FC80] =	vst v63  }
0xc1: {  	_ = 	snop  }
0xc2: {  	[spmem:s29] =	stream.indirect.scatter.add.f32 @!p1 [tilespmem:s28], [sflag:$0x1], $0x1, s10, s13, $0xb8;
	[tilespmem:$0x1FC80] =	vst v63  }
0xc3: {  	s4 =	simm.s32 @!p1 $0x0;
	s3 =	rddreg [dreg:$0x3]  }
0xc4: {  	[spmem:s3] =	stream.indirect.scatter.add.f32 @!p1 [tilespmem:s4], [sflag:$0x2], $0x1, s10, s13, $0xb8;
	[tilespmem:$0x1FC80] =	vst v63  }
0xc5: {  	s3 =	rddreg [dreg:$0x4]  }
0xc6: {  	[spmem:s3] =	stream.indirect.scatter.add.f32 @!p1 [tilespmem:s13], [sflag:$0x3], $0x1, s10, s13, $0xb8;
	[tilespmem:$0x1FC80] =	vst v63  }
0xc7: {  	_ =	swait.ge @!p1 [sflag:s30], $0x1200  }
0xc8: {  	[sflag:s30] =	ssyncset.done @!p1 $0x0  }
0xc9: {  	[sflag:s30] =	ssyncadd.s32 @!p1 $0xFFFFEE00  }
0xca: {  	_ =	swait.ge [sflag:s31], $0x1200  }
0xcb: {  	[sflag:s31] =	ssyncset.done $0x0  }
0xcc: {  	[sflag:s31] =	ssyncadd.s32 $0xFFFFEE00  }
0xcd: {  	_ =	swait.ge [sflag:s2], $0x1200  }
0xce: {  	[sflag:s2] =	ssyncset.done $0x0  }
0xcf: {  	s9 =	simm.s32 $0x2400;
	s4 =	rddreg [dreg:$0x13];
	[sflag:s2] =	ssyncadd.s32 $0xFFFFEE00  }
0xd0: {  	[tilespmem:s9], [sflag:$0x7] =	stream.linear.gather [hbm4b:s4+s14], $0x1200, $0x38;
	[tilespmem:$0x1FC80] =	vst v63  }
0xd1: {  	s21 =	rddreg [dreg:$0x14]  }
0xd2: {  	[tilespmem:s14], [sflag:$0x8] =	stream.linear.gather [hbm4b:s21+s14], $0x1200, $0x38;
	[tilespmem:$0x1FC80] =	vst v63  }
0xd3: {  	s3 =	rddreg [dreg:$0x15];
	s21 =	simm.s32 $0x1200  }
0xd4: {  	[tilespmem:s21], [sflag:$0x9] =	stream.linear.gather [hbm4b:s3+s14], $0x1200, $0x38;
	[tilespmem:$0x1FC80] =	vst v63  }
0xd5: {  	_ =	swait.ge [sflag:s25], $0x1200  }
0xd6: {  	[sflag:s25] =	ssyncset.done $0x0  }
0xd7: {  	[sflag:s25] =	ssyncadd.s32 $0xFFFFEE00  }
0xd8: {  	_ =	swait.ge [sflag:s11], $0x1200  }
0xd9: {  	[sflag:s11] =	ssyncset.done $0x0  }
0xda: {  	[sflag:s11] =	ssyncadd.s32 $0xFFFFEE00  }
0xdb: {  	_ =	swait.ge [sflag:s24], $0x1200  }
0xdc: {  	[sflag:s24] =	ssyncset.done $0x0  }
0xdd: {  	[sflag:s24] =	ssyncadd.s32 $0xFFFFEE00  }
0xde: {  	s15 =	simm.s32 @p1 $0x3600;
	s3 =	rddreg [dreg:$0x3]  }
0xdf: {  	[spmem:s3] =	stream.indirect.scatter.add.f32 @p1 [tilespmem:s15], [sflag:$0x5], $0x1, s1, s23, $0xb8;
	[tilespmem:$0x1FC80] =	vst v63  }
0xe0: {  	s3 =	rddreg [dreg:$0x4]  }
0xe1: {  	[spmem:s3] =	stream.indirect.scatter.add.f32 @p1 [tilespmem:s22], [sflag:$0x6], $0x1, s1, s23, $0xb8;
	[tilespmem:$0x1FC80] =	vst v63  }
0xe2: {  	_ = 	snop  }
0xe3: {  	[spmem:s29] =	stream.indirect.scatter.add.f32 @!p1 [tilespmem:s28], [sflag:$0x4], $0x1, s0, s13, $0xb8;
	[tilespmem:$0x1FC80] =	vst v63  }
0xe4: {  	s3 =	rddreg [dreg:$0x3]  }
0xe5: {  	[spmem:s3] =	stream.indirect.scatter.add.f32 @!p1 [tilespmem:s26], [sflag:$0x5], $0x1, s0, s13, $0xb8;
	[tilespmem:$0x1FC80] =	vst v63  }
0xe6: {  	s3 =	rddreg [dreg:$0x4]  }
0xe7: {  	[spmem:s3] =	stream.indirect.scatter.add.f32 @!p1 [tilespmem:s12], [sflag:$0x6], $0x1, s0, s13, $0xb8;
	[tilespmem:$0x1FC80] =	vst v63  }
0xe8: {  	_ =	swait.ge @!p1 [sflag:s7], $0x1200  }
0xe9: {  	[sflag:s7] =	ssyncset.done @!p1 $0x0  }
0xea: {  	[sflag:s7] =	ssyncadd.s32 @!p1 $0xFFFFEE00  }
0xeb: {  	_ =	swait.ge [sflag:s17], $0x1200  }
0xec: {  	[sflag:s17] =	ssyncset.done $0x0  }
0xed: {  	[sflag:s17] =	ssyncadd.s32 $0xFFFFEE00  }
0xee: {  	_ =	swait.ge [sflag:s8], $0x1200  }
0xef: {  	[sflag:s8] =	ssyncset.done $0x0  }
0xf0: {  	s15 =	simm.s32 $0x5A00;
	s3 =	rddreg [dreg:$0x16];
	[sflag:s8] =	ssyncadd.s32 $0xFFFFEE00  }
0xf1: {  	[tilespmem:s15], [sflag:$0xA] =	stream.linear.gather [hbm4b:s3+s14], $0x1200, $0x38;
	[tilespmem:$0x1FC80] =	vst v63  }
0xf2: {  	s4 =	rddreg [dreg:$0x17];
	s15 =	simm.s32 $0x3600  }
0xf3: {  	[tilespmem:s15], [sflag:$0xB] =	stream.linear.gather [hbm4b:s4+s14], $0x1200, $0x38;
	[tilespmem:$0x1FC80] =	vst v63  }
0xf4: {  	s3 =	rddreg [dreg:$0x18];
	s15 =	simm.s32 $0x4800  }
0xf5: {  	[tilespmem:s15], [sflag:$0xC] =	stream.linear.gather [hbm4b:s3+s14], $0x1200, $0x38;
	[tilespmem:$0x1FC80] =	vst v63  }
0xf6: {  	_ =	swait.ge [sflag:s20], $0x1200  }
0xf7: {  	[sflag:s20] =	ssyncset.done $0x0  }
0xf8: {  	[sflag:s20] =	ssyncadd.s32 $0xFFFFEE00  }
0xf9: {  	_ =	swait.ge [sflag:s19], $0x1200  }
0xfa: {  	[sflag:s19] =	ssyncset.done $0x0  }
0xfb: {  	[sflag:s19] =	ssyncadd.s32 $0xFFFFEE00  }
0xfc: {  	_ =	swait.ge [sflag:s18], $0x1200  }
0xfd: {  	[sflag:s18] =	ssyncset.done $0x0  }
0xfe: {  	[sflag:s18] =	ssyncadd.s32 $0xFFFFEE00  }
0xff: {  	s3 =	rddreg [dreg:$0x3]  }
0x100: {  	[spmem:s3] =	stream.indirect.scatter.add.f32 @p1 [tilespmem:s6], [sflag:$0x2], $0x1, s5, s23, $0xb8;
	[tilespmem:$0x1FC80] =	vst v63  }
0x101: {  	s3 =	rddreg [dreg:$0x4]  }
0x102: {  	[spmem:s3] =	stream.indirect.scatter.add.f32 @p1 [tilespmem:s23], [sflag:$0x3], $0x1, s5, s23, $0xb8;
	[tilespmem:$0x1FC80] =	vst v63  }
0x103: {  	_ = 	snop  }
0x104: {  	[spmem:s29] =	stream.indirect.scatter.add.f32 @!p1 [tilespmem:s28], [sflag:$0x1], $0x1, s10, s13, $0xb8;
	[tilespmem:$0x1FC80] =	vst v63  }
0x105: {  	s4 =	simm.s32 @!p1 $0x0;
	s3 =	rddreg [dreg:$0x3]  }
0x106: {  	[spmem:s3] =	stream.indirect.scatter.add.f32 @!p1 [tilespmem:s4], [sflag:$0x2], $0x1, s10, s13, $0xb8;
	[tilespmem:$0x1FC80] =	vst v63  }
0x107: {  	s3 =	rddreg [dreg:$0x4]  }
0x108: {  	[spmem:s3] =	stream.indirect.scatter.add.f32 @!p1 [tilespmem:s13], [sflag:$0x3], $0x1, s10, s13, $0xb8;
	[tilespmem:$0x1FC80] =	vst v63  }
0x109: {  	_ =	swait.ge @!p1 [sflag:s30], $0x1200  }
0x10a: {  	[sflag:s30] =	ssyncset.done @!p1 $0x0  }
0x10b: {  	[sflag:s30] =	ssyncadd.s32 @!p1 $0xFFFFEE00  }
0x10c: {  	_ =	swait.ge [sflag:s31], $0x1200  }
0x10d: {  	[sflag:s31] =	ssyncset.done $0x0  }
0x10e: {  	[sflag:s31] =	ssyncadd.s32 $0xFFFFEE00  }
0x10f: {  	_ =	swait.ge [sflag:s2], $0x1200  }
0x110: {  	[sflag:s2] =	ssyncset.done $0x0  }
0x111: {  	s6 =	rddreg [dreg:$0x19];
	[sflag:s2] =	ssyncadd.s32 $0xFFFFEE00  }
0x112: {  	[tilespmem:s9], [sflag:$0x7] =	stream.linear.gather [hbm4b:s6+s14], $0x1200, $0x38;
	[tilespmem:$0x1FC80] =	vst v63  }
0x113: {  	s15 =	rddreg [dreg:$0x1a]  }
0x114: {  	[tilespmem:s14], [sflag:$0x8] =	stream.linear.gather [hbm4b:s15+s14], $0x1200, $0x38;
	[tilespmem:$0x1FC80] =	vst v63  }
0x115: {  	s6 =	rddreg [dreg:$0x1b]  }
0x116: {  	[tilespmem:s21], [sflag:$0x9] =	stream.linear.gather [hbm4b:s6+s14], $0x1200, $0x38;
	[tilespmem:$0x1FC80] =	vst v63  }
0x117: {  	_ =	swait.ge [sflag:s25], $0x1200  }
0x118: {  	[sflag:s25] =	ssyncset.done $0x0  }
0x119: {  	[sflag:s25] =	ssyncadd.s32 $0xFFFFEE00  }
0x11a: {  	_ =	swait.ge [sflag:s11], $0x1200  }
0x11b: {  	[sflag:s11] =	ssyncset.done $0x0  }
0x11c: {  	[sflag:s11] =	ssyncadd.s32 $0xFFFFEE00  }
0x11d: {  	_ =	swait.ge [sflag:s24], $0x1200  }
0x11e: {  	[sflag:s24] =	ssyncset.done $0x0  }
0x11f: {  	[sflag:s24] =	ssyncadd.s32 $0xFFFFEE00  }
0x120: {  	s4 =	simm.s32 @p1 $0x3600;
	s3 =	rddreg [dreg:$0x3]  }
0x121: {  	[spmem:s3] =	stream.indirect.scatter.add.f32 @p1 [tilespmem:s4], [sflag:$0x5], $0x1, s1, s23, $0xb8;
	[tilespmem:$0x1FC80] =	vst v63  }
0x122: {  	s3 =	rddreg [dreg:$0x4]  }
0x123: {  	[spmem:s3] =	stream.indirect.scatter.add.f32 @p1 [tilespmem:s22], [sflag:$0x6], $0x1, s1, s23, $0xb8;
	[tilespmem:$0x1FC80] =	vst v63  }
0x124: {  	_ = 	snop  }
0x125: {  	[spmem:s29] =	stream.indirect.scatter.add.f32 @!p1 [tilespmem:s28], [sflag:$0x4], $0x1, s0, s13, $0xb8;
	[tilespmem:$0x1FC80] =	vst v63  }
0x126: {  	s1 =	rddreg [dreg:$0x3]  }
0x127: {  	[spmem:s1] =	stream.indirect.scatter.add.f32 @!p1 [tilespmem:s26], [sflag:$0x5], $0x1, s0, s13, $0xb8;
	[tilespmem:$0x1FC80] =	vst v63  }
0x128: {  	s1 =	rddreg [dreg:$0x4]  }
0x129: {  	[spmem:s1] =	stream.indirect.scatter.add.f32 @!p1 [tilespmem:s12], [sflag:$0x6], $0x1, s0, s13, $0xb8;
	[tilespmem:$0x1FC80] =	vst v63  }
0x12a: {  	s6 =	rddreg [dreg:$0x3];
	_ =	swait.ge @!p1 [sflag:s7], $0x1200  }
0x12b: {  	[sflag:s7] =	ssyncset.done @!p1 $0x0  }
0x12c: {  	[sflag:s7] =	ssyncadd.s32 @!p1 $0xFFFFEE00  }
0x12d: {  	s7 =	rddreg [dreg:$0x4];
	_ =	swait.ge [sflag:s17], $0x1200  }
0x12e: {  	[sflag:s17] =	ssyncset.done $0x0  }
0x12f: {  	[sflag:s17] =	ssyncadd.s32 $0xFFFFEE00  }
0x130: {  	_ =	swait.ge [sflag:s8], $0x1200  }
0x131: {  	[sflag:s8] =	ssyncset.done $0x0  }
0x132: {  	s1 =	simm.s32 $0x5A00;
	s12 =	rddreg [dreg:$0x1c];
	[sflag:s8] =	ssyncadd.s32 $0xFFFFEE00  }
0x133: {  	[tilespmem:s1], [sflag:$0xA] =	stream.linear.gather [hbm4b:s12+s14], $0x1200, $0x38;
	[tilespmem:$0x1FC80] =	vst v63  }
0x134: {  	s0 =	simm.s32 $0x3600;
	s22 =	rddreg [dreg:$0x1d]  }
0x135: {  	[tilespmem:s0], [sflag:$0xB] =	stream.linear.gather [hbm4b:s22+s14], $0x1200, $0x38;
	[tilespmem:$0x1FC80] =	vst v63  }
0x136: {  	s26 =	rddreg [dreg:$0x1e];
	s12 =	simm.s32 $0x4800  }
0x137: {  	[tilespmem:s12], [sflag:$0xC] =	stream.linear.gather [hbm4b:s26+s14], $0x1200, $0x38;
	[tilespmem:$0x1FC80] =	vst v63  }
0x138: {  	_ =	swait.ge [sflag:s20], $0x1200  }
0x139: {  	[sflag:s20] =	ssyncset.done $0x0  }
0x13a: {  	[sflag:s20] =	ssyncadd.s32 $0xFFFFEE00  }
0x13b: {  	_ =	swait.ge [sflag:s19], $0x1200  }
0x13c: {  	[sflag:s19] =	ssyncset.done $0x0  }
0x13d: {  	[sflag:s19] =	ssyncadd.s32 $0xFFFFEE00  }
0x13e: {  	_ =	swait.ge [sflag:s18], $0x1200  }
0x13f: {  	[sflag:s18] =	ssyncset.done $0x0  }
0x140: {  	s3 =	simm.s32 @p1 $0x0;
	[sflag:s18] =	ssyncadd.s32 $0xFFFFEE00  }
0x141: {  	[spmem:s6] =	stream.indirect.scatter.add.f32 @p1 [tilespmem:s3], [sflag:$0x2], $0x1, s5, s23, $0xb8;
	[tilespmem:$0x1FC80] =	vst v63  }
0x142: {  	_ = 	snop  }
0x143: {  	[spmem:s7] =	stream.indirect.scatter.add.f32 @p1 [tilespmem:s23], [sflag:$0x3], $0x1, s5, s23, $0xb8;
	[tilespmem:$0x1FC80] =	vst v63  }
0x144: {  	_ = 	snop  }
0x145: {  	[spmem:s29] =	stream.indirect.scatter.add.f32 @!p1 [tilespmem:s28], [sflag:$0x1], $0x1, s10, s13, $0xb8;
	[tilespmem:$0x1FC80] =	vst v63  }
0x146: {  	s3 =	simm.s32 @!p1 $0x0  }
0x147: {  	[spmem:s6] =	stream.indirect.scatter.add.f32 @!p1 [tilespmem:s3], [sflag:$0x2], $0x1, s10, s13, $0xb8;
	[tilespmem:$0x1FC80] =	vst v63  }
0x148: {  	_ = 	snop  }
0x149: {  	[spmem:s7] =	stream.indirect.scatter.add.f32 @!p1 [tilespmem:s13], [sflag:$0x3], $0x1, s10, s13, $0xb8;
	[tilespmem:$0x1FC80] =	vst v63  }
0x14a: {  	_ =	swait.ge @!p1 [sflag:s30], $0x1200  }
0x14b: {  	[sflag:s30] =	ssyncset.done @!p1 $0x0  }
0x14c: {  	[sflag:s30] =	ssyncadd.s32 @!p1 $0xFFFFEE00  }
0x14d: {  	_ =	swait.ge [sflag:s31], $0x1200  }
0x14e: {  	[sflag:s31] =	ssyncset.done $0x0  }
0x14f: {  	[sflag:s31] =	ssyncadd.s32 $0xFFFFEE00  }
0x150: {  	_ =	swait.ge [sflag:s2], $0x1200  }
0x151: {  	s22 =	rddreg [dreg:$0x1f];
	[sflag:s2] =	ssyncset.done $0x0  }
0x152: {  	s9 =	simm.s32 $0x2400;
	s23 =	sld [smem:$0x7E5];
	[sflag:s2] =	ssyncadd.s32 $0xFFFFEE00  }
0x153: {  	[tilespmem:s9], [sflag:$0x7] =	stream.linear.gather [hbm4b:s22+s14], $0x1200, $0x38;
	[tilespmem:$0x1FC80] =	vst v63  }
0x154: {  	s26 =	sld [smem:$0x7E6]  }
0x155: {  	[tilespmem:s14], [sflag:$0x8] =	stream.linear.gather [hbm4b:s23+s14], $0x1200, $0x38;
	[tilespmem:$0x1FC80] =	vst v63  }
0x156: {  	_ = 	snop  }
0x157: {  	[tilespmem:s21], [sflag:$0x9] =	stream.linear.gather [hbm4b:s26+s14], $0x1200, $0x38;
	[tilespmem:$0x1FC80] =	vst v63  }
0x158: {  	_ =	swait.ge [sflag:s25], $0x1200  }
0x159: {  	[sflag:s25] =	ssyncset.done $0x0  }
0x15a: {  	[sflag:s25] =	ssyncadd.s32 $0xFFFFEE00  }
0x15b: {  	_ =	swait.ge [sflag:s11], $0x1200  }
0x15c: {  	[sflag:s11] =	ssyncset.done $0x0  }
0x15d: {  	[sflag:s11] =	ssyncadd.s32 $0xFFFFEE00  }
0x15e: {  	_ =	swait.ge [sflag:s24], $0x1200  }
0x15f: {  	s4 =	simm.s32 @p0 $0x3600;
	[sflag:s24] =	ssyncset.done $0x0  }
0x160: {  	s5 =	simm.s32 @p0 $0x1200;
	s9 =	simm.s32 @p0 $0x5A00;
	[sflag:s24] =	ssyncadd.s32 $0xFFFFEE00  }
0x161: {  	[spmem:s6] =	stream.indirect.scatter.add.f32 @p0 [tilespmem:s4], [sflag:$0x5], $0x1, s9, s5, $0xb8;
	[tilespmem:$0x1FC80] =	vst v63  }
0x162: {  	s3 =	simm.s32 @p0 $0x4800  }
0x163: {  	[spmem:s7] =	stream.indirect.scatter.add.f32 @p0 [tilespmem:s3], [sflag:$0x6], $0x1, s9, s5, $0xb8;
	[tilespmem:$0x1FC80] =	vst v63  }
0x164: {  	s13 =	simm.s32 @!p0 $0x1200;
	s10 =	simm.s32 @!p0 $0x6C00;
	s23 =	simm.s32 @!p0 $0x5A00  }
0x165: {  	[spmem:s29] =	stream.indirect.scatter.add.f32 @!p0 [tilespmem:s10], [sflag:$0x4], $0x1, s23, s13, $0xb8;
	[tilespmem:$0x1FC80] =	vst v63  }
0x166: {  	s3 =	simm.s32 @!p0 $0x3600  }
0x167: {  	[spmem:s6] =	stream.indirect.scatter.add.f32 @!p0 [tilespmem:s3], [sflag:$0x5], $0x1, s23, s13, $0xb8;
	[tilespmem:$0x1FC80] =	vst v63  }
0x168: {  	s26 =	simm.s32 @!p0 $0x4;
	s3 =	simm.s32 @!p0 $0x4800  }
0x169: {  	[spmem:s7] =	stream.indirect.scatter.add.f32 @!p0 [tilespmem:s3], [sflag:$0x6], $0x1, s23, s13, $0xb8;
	[tilespmem:$0x1FC80] =	vst v63  }
0x16a: {  	_ =	swait.ge @!p0 [sflag:s26], $0x1200  }
0x16b: {  	[sflag:s26] =	ssyncset.done @!p0 $0x0  }
0x16c: {  	[sflag:s26] =	ssyncadd.s32 @!p0 $0xFFFFEE00  }
0x16d: {  	_ =	swait.ge [sflag:s17], $0x1200  }
0x16e: {  	[sflag:s17] =	ssyncset.done $0x0  }
0x16f: {  	[sflag:s17] =	ssyncadd.s32 $0xFFFFEE00  }
0x170: {  	_ =	swait.ge [sflag:s8], $0x1200  }
0x171: {  	s28 =	sld [smem:$0x7E7]  }
0x172: {  	[sflag:s8] =	ssyncset.done $0x0  }
0x173: {  	s30 =	sld [smem:$0x7E8];
	[sflag:s8] =	ssyncadd.s32 $0xFFFFEE00  }
0x174: {  	[tilespmem:s1], [sflag:$0xA] =	stream.linear.gather [hbm4b:s28+s14], $0x1200, $0x38;
	[tilespmem:$0x1FC80] =	vst v63  }
0x175: {  	s1 =	sld [smem:$0x7E9]  }
0x176: {  	[tilespmem:s0], [sflag:$0xB] =	stream.linear.gather [hbm4b:s30+s14], $0x1200, $0x38;
	[tilespmem:$0x1FC80] =	vst v63  }
0x177: {  	_ = 	snop  }
0x178: {  	[tilespmem:s12], [sflag:$0xC] =	stream.linear.gather [hbm4b:s1+s14], $0x1200, $0x38;
	[tilespmem:$0x1FC80] =	vst v63  }
0x179: {  	_ =	swait.ge [sflag:s20], $0x1200  }
0x17a: {  	[sflag:s20] =	ssyncset.done $0x0  }
0x17b: {  	[sflag:s20] =	ssyncadd.s32 $0xFFFFEE00  }
0x17c: {  	_ =	swait.ge [sflag:s19], $0x1200  }
0x17d: {  	[sflag:s19] =	ssyncset.done $0x0  }
0x17e: {  	[sflag:s19] =	ssyncadd.s32 $0xFFFFEE00  }
0x17f: {  	_ =	swait.ge [sflag:s18], $0x1200  }
0x180: {  	[sflag:s18] =	ssyncset.done $0x0  }
0x181: {  	s3 =	simm.s32 @p0 $0x2400;
	s0 =	simm.s32 @p0 $0x0;
	[sflag:s18] =	ssyncadd.s32 $0xFFFFEE00  }
0x182: {  	[spmem:s6] =	stream.indirect.scatter.add.f32 @p0 [tilespmem:s0], [sflag:$0x2], $0x1, s3, s5, $0xb8;
	[tilespmem:$0x1FC80] =	vst v63  }
0x183: {  	_ = 	snop  }
0x184: {  	[spmem:s7] =	stream.indirect.scatter.add.f32 @p0 [tilespmem:s5], [sflag:$0x3], $0x1, s3, s5, $0xb8;
	[tilespmem:$0x1FC80] =	vst v63  }
0x185: {  	s1 =	simm.s32 @!p0 $0x2400  }
0x186: {  	[spmem:s29] =	stream.indirect.scatter.add.f32 @!p0 [tilespmem:s10], [sflag:$0x1], $0x1, s1, s13, $0xb8;
	[tilespmem:$0x1FC80] =	vst v63  }
0x187: {  	s28 =	simm.s32 @!p0 $0x0  }
0x188: {  	[spmem:s6] =	stream.indirect.scatter.add.f32 @!p0 [tilespmem:s28], [sflag:$0x2], $0x1, s1, s13, $0xb8;
	[tilespmem:$0x1FC80] =	vst v63  }
0x189: {  	s0 =	simm.s32 @!p0 $0x1  }
0x18a: {  	[spmem:s7] =	stream.indirect.scatter.add.f32 @!p0 [tilespmem:s13], [sflag:$0x3], $0x1, s1, s13, $0xb8;
	[tilespmem:$0x1FC80] =	vst v63  }
0x18b: {  	_ =	swait.ge @!p0 [sflag:s0], $0x1200  }
0x18c: {  	[sflag:s0] =	ssyncset.done @!p0 $0x0  }
0x18d: {  	[sflag:s0] =	ssyncadd.s32 @!p0 $0xFFFFEE00  }
0x18e: {  	_ =	swait.ge [sflag:s31], $0x1200  }
0x18f: {  	[sflag:s31] =	ssyncset.done $0x0  }
0x190: {  	[sflag:s31] =	ssyncadd.s32 $0xFFFFEE00  }
0x191: {  	_ =	swait.ge [sflag:s2], $0x1200  }
0x192: {  	s22 =	sld [smem:$0x7EA]  }
0x193: {  	[sflag:s2] =	ssyncset.done $0x0  }
0x194: {  	s12 =	simm.s32 $0x2400;
	s30 =	sld [smem:$0x7EB];
	[sflag:s2] =	ssyncadd.s32 $0xFFFFEE00  }
0x195: {  	[tilespmem:s12], [sflag:$0x7] =	stream.linear.gather [hbm4b:s22+s14], $0x1200, $0x38;
	[tilespmem:$0x1FC80] =	vst v63  }
0x196: {  	s22 =	sld [smem:$0x7EC]  }
0x197: {  	[tilespmem:s14], [sflag:$0x8] =	stream.linear.gather [hbm4b:s30+s14], $0x1200, $0x38;
	[tilespmem:$0x1FC80] =	vst v63  }
0x198: {  	s12 =	simm.s32 $0x1200  }
0x199: {  	[tilespmem:s12], [sflag:$0x9] =	stream.linear.gather [hbm4b:s22+s14], $0x1200, $0x38;
	[tilespmem:$0x1FC80] =	vst v63  }
0x19a: {  	_ =	swait.ge [sflag:s25], $0x1200  }
0x19b: {  	[sflag:s25] =	ssyncset.done $0x0  }
0x19c: {  	[sflag:s25] =	ssyncadd.s32 $0xFFFFEE00  }
0x19d: {  	_ =	swait.ge [sflag:s11], $0x1200  }
0x19e: {  	[sflag:s11] =	ssyncset.done $0x0  }
0x19f: {  	[sflag:s11] =	ssyncadd.s32 $0xFFFFEE00  }
0x1a0: {  	_ =	swait.ge [sflag:s24], $0x1200  }
0x1a1: {  	[sflag:s24] =	ssyncset.done $0x0  }
0x1a2: {  	s4 =	simm.s32 @p0 $0x3600;
	[sflag:s24] =	ssyncadd.s32 $0xFFFFEE00  }
0x1a3: {  	[spmem:s6] =	stream.indirect.scatter.add.f32 @p0 [tilespmem:s4], [sflag:$0x5], $0x1, s9, s5, $0xb8;
	[tilespmem:$0x1FC80] =	vst v63  }
0x1a4: {  	s4 =	simm.s32 @p0 $0x4800  }
0x1a5: {  	[spmem:s7] =	stream.indirect.scatter.add.f32 @p0 [tilespmem:s4], [sflag:$0x6], $0x1, s9, s5, $0xb8;
	[tilespmem:$0x1FC80] =	vst v63  }
0x1a6: {  	_ = 	snop  }
0x1a7: {  	[spmem:s29] =	stream.indirect.scatter.add.f32 @!p0 [tilespmem:s10], [sflag:$0x4], $0x1, s23, s13, $0xb8;
	[tilespmem:$0x1FC80] =	vst v63  }
0x1a8: {  	s4 =	simm.s32 @!p0 $0x3600  }
0x1a9: {  	[spmem:s6] =	stream.indirect.scatter.add.f32 @!p0 [tilespmem:s4], [sflag:$0x5], $0x1, s23, s13, $0xb8;
	[tilespmem:$0x1FC80] =	vst v63  }
0x1aa: {  	s12 =	simm.s32 @!p0 $0x4800  }
0x1ab: {  	[spmem:s7] =	stream.indirect.scatter.add.f32 @!p0 [tilespmem:s12], [sflag:$0x6], $0x1, s23, s13, $0xb8;
	[tilespmem:$0x1FC80] =	vst v63  }
0x1ac: {  	_ =	swait.ge @!p0 [sflag:s26], $0x1200  }
0x1ad: {  	[sflag:s26] =	ssyncset.done @!p0 $0x0  }
0x1ae: {  	[sflag:s26] =	ssyncadd.s32 @!p0 $0xFFFFEE00  }
0x1af: {  	_ =	swait.ge [sflag:s17], $0x1200  }
0x1b0: {  	[sflag:s17] =	ssyncset.done $0x0  }
0x1b1: {  	[sflag:s17] =	ssyncadd.s32 $0xFFFFEE00  }
0x1b2: {  	_ =	swait.ge [sflag:s8], $0x1200  }
0x1b3: {  	s4 =	sld [smem:$0x7ED]  }
0x1b4: {  	[sflag:s8] =	ssyncset.done $0x0  }
0x1b5: {  	s21 =	simm.s32 $0x5A00;
	s22 =	sld [smem:$0x7EE];
	[sflag:s8] =	ssyncadd.s32 $0xFFFFEE00  }
0x1b6: {  	[tilespmem:s21], [sflag:$0xA] =	stream.linear.gather [hbm4b:s4+s14], $0x1200, $0x38;
	[tilespmem:$0x1FC80] =	vst v63  }
0x1b7: {  	s4 =	sld [smem:$0x7EF];
	s21 =	simm.s32 $0x3600  }
0x1b8: {  	[tilespmem:s21], [sflag:$0xB] =	stream.linear.gather [hbm4b:s22+s14], $0x1200, $0x38;
	[tilespmem:$0x1FC80] =	vst v63  }
0x1b9: {  	s22 =	simm.s32 $0x4800  }
0x1ba: {  	[tilespmem:s22], [sflag:$0xC] =	stream.linear.gather [hbm4b:s4+s14], $0x1200, $0x38;
	[tilespmem:$0x1FC80] =	vst v63  }
0x1bb: {  	_ =	swait.ge [sflag:s20], $0x1200  }
0x1bc: {  	[sflag:s20] =	ssyncset.done $0x0  }
0x1bd: {  	[sflag:s20] =	ssyncadd.s32 $0xFFFFEE00  }
0x1be: {  	_ =	swait.ge [sflag:s19], $0x1200  }
0x1bf: {  	[sflag:s19] =	ssyncset.done $0x0  }
0x1c0: {  	[sflag:s19] =	ssyncadd.s32 $0xFFFFEE00  }
0x1c1: {  	_ =	swait.ge [sflag:s18], $0x1200  }
0x1c2: {  	[sflag:s18] =	ssyncset.done $0x0  }
0x1c3: {  	s4 =	simm.s32 @p0 $0x0;
	[sflag:s18] =	ssyncadd.s32 $0xFFFFEE00  }
0x1c4: {  	[spmem:s6] =	stream.indirect.scatter.add.f32 @p0 [tilespmem:s4], [sflag:$0x2], $0x1, s3, s5, $0xb8;
	[tilespmem:$0x1FC80] =	vst v63  }
0x1c5: {  	_ = 	snop  }
0x1c6: {  	[spmem:s7] =	stream.indirect.scatter.add.f32 @p0 [tilespmem:s5], [sflag:$0x3], $0x1, s3, s5, $0xb8;
	[tilespmem:$0x1FC80] =	vst v63  }
0x1c7: {  	_ = 	snop  }
0x1c8: {  	[spmem:s29] =	stream.indirect.scatter.add.f32 @!p0 [tilespmem:s10], [sflag:$0x1], $0x1, s1, s13, $0xb8;
	[tilespmem:$0x1FC80] =	vst v63  }
0x1c9: {  	_ = 	snop  }
0x1ca: {  	[spmem:s6] =	stream.indirect.scatter.add.f32 @!p0 [tilespmem:s28], [sflag:$0x2], $0x1, s1, s13, $0xb8;
	[tilespmem:$0x1FC80] =	vst v63  }
0x1cb: {  	_ = 	snop  }
0x1cc: {  	[spmem:s7] =	stream.indirect.scatter.add.f32 @!p0 [tilespmem:s13], [sflag:$0x3], $0x1, s1, s13, $0xb8;
	[tilespmem:$0x1FC80] =	vst v63  }
0x1cd: {  	_ =	swait.ge @!p0 [sflag:s0], $0x1200  }
0x1ce: {  	[sflag:s0] =	ssyncset.done @!p0 $0x0  }
0x1cf: {  	[sflag:s0] =	ssyncadd.s32 @!p0 $0xFFFFEE00  }
0x1d0: {  	_ =	swait.ge [sflag:s31], $0x1200  }
0x1d1: {  	[sflag:s31] =	ssyncset.done $0x0  }
0x1d2: {  	[sflag:s31] =	ssyncadd.s32 $0xFFFFEE00  }
0x1d3: {  	_ =	swait.ge [sflag:s2], $0x1200  }
0x1d4: {  	s28 =	sld [smem:$0x7F0]  }
0x1d5: {  	[sflag:s2] =	ssyncset.done $0x0  }
0x1d6: {  	s3 =	simm.s32 $0x2400;
	s31 =	sld [smem:$0x7F1];
	[sflag:s2] =	ssyncadd.s32 $0xFFFFEE00  }
0x1d7: {  	[tilespmem:s3], [sflag:$0x7] =	stream.linear.gather [hbm4b:s28+s14], $0x1200, $0x38;
	[tilespmem:$0x1FC80] =	vst v63  }
0x1d8: {  	s28 =	sld [smem:$0x7F2]  }
0x1d9: {  	[tilespmem:s14], [sflag:$0x8] =	stream.linear.gather [hbm4b:s31+s14], $0x1200, $0x38;
	[tilespmem:$0x1FC80] =	vst v63  }
0x1da: {  	s31 =	simm.s32 $0x1200  }
0x1db: {  	[tilespmem:s31], [sflag:$0x9] =	stream.linear.gather [hbm4b:s28+s14], $0x1200, $0x38;
	[tilespmem:$0x1FC80] =	vst v63  }
0x1dc: {  	_ =	swait.ge [sflag:s25], $0x1200  }
0x1dd: {  	[sflag:s25] =	ssyncset.done $0x0  }
0x1de: {  	[sflag:s25] =	ssyncadd.s32 $0xFFFFEE00  }
0x1df: {  	_ =	swait.ge [sflag:s11], $0x1200  }
0x1e0: {  	[sflag:s11] =	ssyncset.done $0x0  }
0x1e1: {  	[sflag:s11] =	ssyncadd.s32 $0xFFFFEE00  }
0x1e2: {  	_ =	swait.ge [sflag:s24], $0x1200  }
0x1e3: {  	[sflag:s24] =	ssyncset.done $0x0  }
0x1e4: {  	s2 =	simm.s32 @p0 $0x3600;
	[sflag:s24] =	ssyncadd.s32 $0xFFFFEE00  }
0x1e5: {  	[spmem:s6] =	stream.indirect.scatter.add.f32 @p0 [tilespmem:s2], [sflag:$0x5], $0x1, s9, s5, $0xb8;
	[tilespmem:$0x1FC80] =	vst v63  }
0x1e6: {  	s2 =	simm.s32 @p0 $0x4800  }
0x1e7: {  	[spmem:s7] =	stream.indirect.scatter.add.f32 @p0 [tilespmem:s2], [sflag:$0x6], $0x1, s9, s5, $0xb8;
	[tilespmem:$0x1FC80] =	vst v63  }
0x1e8: {  	_ = 	snop  }
0x1e9: {  	[spmem:s29] =	stream.indirect.scatter.add.f32 @!p0 [tilespmem:s10], [sflag:$0x4], $0x1, s23, s13, $0xb8;
	[tilespmem:$0x1FC80] =	vst v63  }
0x1ea: {  	s2 =	simm.s32 @!p0 $0x3600  }
0x1eb: {  	[spmem:s6] =	stream.indirect.scatter.add.f32 @!p0 [tilespmem:s2], [sflag:$0x5], $0x1, s23, s13, $0xb8;
	[tilespmem:$0x1FC80] =	vst v63  }
0x1ec: {  	_ = 	snop  }
0x1ed: {  	[spmem:s7] =	stream.indirect.scatter.add.f32 @!p0 [tilespmem:s12], [sflag:$0x6], $0x1, s23, s13, $0xb8;
	[tilespmem:$0x1FC80] =	vst v63  }
0x1ee: {  	_ =	swait.ge @!p0 [sflag:s26], $0x1200  }
0x1ef: {  	[sflag:s26] =	ssyncset.done @!p0 $0x0  }
0x1f0: {  	[sflag:s26] =	ssyncadd.s32 @!p0 $0xFFFFEE00  }
0x1f1: {  	_ =	swait.ge [sflag:s17], $0x1200  }
0x1f2: {  	[sflag:s17] =	ssyncset.done $0x0  }
0x1f3: {  	[sflag:s17] =	ssyncadd.s32 $0xFFFFEE00  }
0x1f4: {  	_ =	swait.ge [sflag:s8], $0x1200  }
0x1f5: {  	s2 =	sld [smem:$0x7F3]  }
0x1f6: {  	[sflag:s8] =	ssyncset.done $0x0  }
0x1f7: {  	s26 =	simm.s32 $0x5A00;
	s30 =	sld [smem:$0x7F4];
	[sflag:s8] =	ssyncadd.s32 $0xFFFFEE00  }
0x1f8: {  	[tilespmem:s26], [sflag:$0xA] =	stream.linear.gather [hbm4b:s2+s14], $0x1200, $0x38;
	[tilespmem:$0x1FC80] =	vst v63  }
0x1f9: {  	s2 =	sld [smem:$0x7F5]  }
0x1fa: {  	[tilespmem:s21], [sflag:$0xB] =	stream.linear.gather [hbm4b:s30+s14], $0x1200, $0x38;
	[tilespmem:$0x1FC80] =	vst v63  }
0x1fb: {  	_ = 	snop  }
0x1fc: {  	[tilespmem:s22], [sflag:$0xC] =	stream.linear.gather [hbm4b:s2+s14], $0x1200, $0x38;
	[tilespmem:$0x1FC80] =	vst v63  }
0x1fd: {  	_ =	swait.ge [sflag:s20], $0x1200  }
0x1fe: {  	[sflag:s20] =	ssyncset.done $0x0  }
0x1ff: {  	[sflag:s20] =	ssyncadd.s32 $0xFFFFEE00  }
0x200: {  	_ =	swait.ge [sflag:s19], $0x1200  }
0x201: {  	[sflag:s19] =	ssyncset.done $0x0  }
0x202: {  	[sflag:s19] =	ssyncadd.s32 $0xFFFFEE00  }
0x203: {  	_ =	swait.ge [sflag:s18], $0x1200  }
0x204: {  	[sflag:s18] =	ssyncset.done $0x0  }
0x205: {  	[sflag:s18] =	ssyncadd.s32 $0xFFFFEE00  }
0x206: {  	[spmem:s29] =	stream.indirect.scatter.add.f32 @!p0 [tilespmem:s10], [sflag:$0x1], $0x1, s1, s13, $0xb8;
	[tilespmem:$0x1FC80] =	vst v63  }
0x207: {  	s19 =	simm.s32 $0x1200;
	s18 =	simm.s32 $0x2400  }
0x208: {  	[spmem:s6] =	stream.indirect.scatter.add.f32 [tilespmem:s14], [sflag:$0x2], $0x1, s18, s19, $0xb8;
	[tilespmem:$0x1FC80] =	vst v63  }
0x209: {  	_ = 	snop  }
0x20a: {  	[spmem:s7] =	stream.indirect.scatter.add.f32 [tilespmem:s19], [sflag:$0x3], $0x1, s18, s19, $0xb8;
	[tilespmem:$0x1FC80] =	vst v63  }
0x20b: {  	_ =	swait.ge [sflag:s25], $0x1200  }
0x20c: {  	[sflag:s25] =	ssyncset.done $0x0  }
0x20d: {  	[sflag:s25] =	ssyncadd.s32 $0xFFFFEE00  }
0x20e: {  	_ =	swait.ge [sflag:s11], $0x1200  }
0x20f: {  	[sflag:s11] =	ssyncset.done $0x0  }
0x210: {  	[sflag:s11] =	ssyncadd.s32 $0xFFFFEE00  }
0x211: {  	_ =	swait.ge [sflag:s24], $0x1200  }
0x212: {  	[sflag:s24] =	ssyncset.done $0x0  }
0x213: {  	s3 =	simm.s32 @p0 $0x3600;
	[sflag:s24] =	ssyncadd.s32 $0xFFFFEE00  }
0x214: {  	[spmem:s6] =	stream.indirect.scatter.add.f32 @p0 [tilespmem:s3], [sflag:$0x5], $0x1, s9, s5, $0xb8;
	[tilespmem:$0x1FC80] =	vst v63  }
0x215: {  	s28 =	simm.s32 @p0 $0x4800  }
0x216: {  	[spmem:s7] =	stream.indirect.scatter.add.f32 @p0 [tilespmem:s28], [sflag:$0x6], $0x1, s9, s5, $0xb8;
	[tilespmem:$0x1FC80] =	vst v63  }
0x217: {  	_ = 	snop  }
0x218: {  	[spmem:s29] =	stream.indirect.scatter.add.f32 @!p0 [tilespmem:s10], [sflag:$0x4], $0x1, s23, s13, $0xb8;
	[tilespmem:$0x1FC80] =	vst v63  }
0x219: {  	s31 =	simm.s32 @!p0 $0x3600  }
0x21a: {  	[spmem:s6] =	stream.indirect.scatter.add.f32 @!p0 [tilespmem:s31], [sflag:$0x5], $0x1, s23, s13, $0xb8;
	[tilespmem:$0x1FC80] =	vst v63  }
0x21b: {  	s12 =	simm.s32 @!p0 $0x4800  }
0x21c: {  	[spmem:s7] =	stream.indirect.scatter.add.f32 @!p0 [tilespmem:s12], [sflag:$0x6], $0x1, s23, s13, $0xb8;
	[tilespmem:$0x1FC80] =	vst v63  }
0x21d: {  	_ =	swait.ge @!p0 [sflag:s0], $0x1200  }
0x21e: {  	[sflag:s0] =	ssyncset.done @!p0 $0x0  }
0x21f: {  	[sflag:s0] =	ssyncadd.s32 @!p0 $0xFFFFEE00;
	s0 =	simm.s32 @!p0 $0x2  }
0x220: {  	_ =	swait.ge @!p0 [sflag:s0], $0x1200  }
0x221: {  	s1 =	simm.s32 @!p0 $0x3;
	[sflag:s0] =	ssyncset.done @!p0 $0x0  }
0x222: {  	s1 =	simm.s32 @p0 $0x2;
	[sflag:s0] =	ssyncadd.s32 @!p0 $0xFFFFEE00  }
0x223: {  	_ =	swait.ge [sflag:s1], $0x1200  }
0x224: {  	s0 =	simm.s32 @!p0 $0x4;
	[sflag:s1] =	ssyncset.done $0x0  }
0x225: {  	s0 =	simm.s32 @p0 $0x3;
	[smem:$0x7DD] =	sst s1;
	[sflag:s1] =	ssyncadd.s32 $0xFFFFEE00  }
0x226: {  	_ =	swait.ge [sflag:s0], $0x1200  }
0x227: {  	[sflag:s0] =	ssyncset.done $0x0  }
0x228: {  	[smem:$0x7DE] =	sst s0;
	[sflag:s0] =	ssyncadd.s32 $0xFFFFEE00  }
0x229: {  	_ =	swait.ge [sflag:s17], $0x1200  }
0x22a: {  	[sflag:s17] =	ssyncset.done $0x0  }
0x22b: {  	[sflag:s17] =	ssyncadd.s32 $0xFFFFEE00  }
0x22c: {  	_ =	swait.ge [sflag:s8], $0x1200  }
0x22d: {  	[sflag:s8] =	ssyncset.done $0x0  }
0x22e: {  	[sflag:s8] =	ssyncadd.s32 $0xFFFFEE00  }
0x22f: {  	[bflag:$0x0] =	sbarrier.arrive $0xFFFF  }
0x230: {  	s21 =	sld [smem:$0x7FA];
	_ =	sdelay $0x1  }
0x231: {  	s20 =	sld [smem:$0x7F9]  }
0x232: {  	s1 =	sshrl.u32 s21, $0x3  }
0x233: {  	s15 =	simm.s32 $0xD;
	[smem:$0x7DF] =	sst s1  }
0x234: {  	[hbm:s20], [sflag:s16] =	dma.local [spmem:s1], $0xFF0  }
0x235: {  	s22 =	sld [smem:$0x7F7];
	_ =	swait.ge [sflag:s15], $0xFF0  }
0x236: {  	s0 =	simm.s32 @!p0 $0x1FE000;
	s28 =	sld [smem:$0x7FB]  }
0x237: {  	s0 =	simm.s32 @p0 $0x7F800;
	s25 =	sld [smem:$0x7F8]  }
0x238: {  	s23 =	sadd.s32 s0, s22  }
0x239: {  	s24 =	sshrl.u32 s23, $0x3;
	s2 =	sshrl.u32 s28, $0x3  }
0x23a: {  	[sflag:s15] =	ssyncset.done $0x0;
	s26 =	sadd.s32 s25, s24;
	[smem:$0x7E1] =	sst s2  }
0x23b: {  	[sflag:s15] =	ssyncadd.s32 $0xFFFFF010;
	[smem:$0x7E0] =	sst s26  }
0x23c: {  	[hbm:s26], [sflag:s16] =	dma.local [spmem:s2], $0xFF0  }
0x23d: {  	_ =	swait.ge [sflag:s15], $0xFF0  }
0x23e: {  	s29 =	sld [smem:$0x7E2]  }
0x23f: {  	s0 =	simm.s32 @!p0 $0x27D800  }
0x240: {  	s0 =	simm.s32 @p0 $0xFF000  }
0x241: {  	s3 =	sadd.s32 s0, s22;
	s31 =	sld [smem:$0x7FC];
	s2 =	sadd.s32 $0xFFFFFFFF, s29  }
0x242: {  	s30 =	sshrl.u32 s3, $0x3;
	p3 =	sne.s32 s2, $0x0  }
.Ltmp1:
0x243: {  	s1 =	sadd.s32 s25, s30;
	(pc) =	sbr.rel @!p3 .LBB2_6-.Ltmp1, $4  }
0x244: {  	[sflag:s15] =	ssyncset.done $0x0;
	[smem:$0x7E3] =	sst s1;
	s0 =	sshrl.u32 s31, $0x3  }
0x245: {  	[sflag:s15] =	ssyncadd.s32 $0xFFFFF010;
	[smem:$0x7E4] =	sst s0  }
0x246: {  	[hbm:s1], [sflag:s16] =	dma.local [spmem:s0], $0xFF0  }
0x247: {  	p2 =	por $0x1, $0x1;
	_ =	swait.ge [sflag:s15], $0xFF0  }
0x248: {  	s24 =	simm.s32 $0x7;
	s20 =	simm.s32 $0x8  }
0x249: {  	s19 =	simm.s32 $0x9;
	s22 =	simm.s32 $0xA;
	s11 =	simm.s32 $0xB  }
0x24a: {  	s25 =	simm.s32 $0xC;
	s18 =	simm.s32 $0x5;
	s17 =	simm.s32 $0x6  }
.LBB2_3:
0x24b: {  	s4 =	rddreg [dreg:$0x7]  }
0x24c: {  	s30 =	rddreg [dreg:$0x8]  }
0x24d: {  	[sflag:s15] =	ssyncset.done $0x0;
	s3 =	rddreg [dreg:$0x9]  }
0x24e: {  	s0 =	simm.s32 $0x2400;
	s8 =	sld [smem:$0x7D7];
	[sflag:s15] =	ssyncadd.s32 $0xFFFFF010  }
0x24f: {  	[tilespmem:s0], [sflag:$0x7] =	stream.linear.gather [hbm4b:s4+s14], $0x1200, $0x38;
	[tilespmem:$0x1FC80] =	vst v63  }
0x250: {  	s2 =	sadd.s32 $0xFFFFFFFF, s2;
	s1 =	sld [smem:$0x7DC]  }
0x251: {  	[tilespmem:s14], [sflag:$0x8] =	stream.linear.gather [hbm4b:s30+s14], $0x1200, $0x38;
	[tilespmem:$0x1FC80] =	vst v63  }
0x252: {  	s5 =	simm.s32 $0x1200;
	[smem:$0x7D5] =	sst s2  }
0x253: {  	[tilespmem:s5], [sflag:$0x9] =	stream.linear.gather [hbm4b:s3+s14], $0x1200, $0x38;
	[tilespmem:$0x1FC80] =	vst v63  }
0x254: {  	[spmem:s8], [sflag:s16] =	dma.local [hbm:s1], $0xFF0  }
0x255: {  	_ =	swait.ge [sflag:s15], $0xFF0  }
0x256: {  	s10 =	sld [smem:$0x7D9]  }
0x257: {  	[sflag:s15] =	ssyncset.done $0x0  }
0x258: {  	[sflag:s15] =	ssyncadd.s32 $0xFFFFF010  }
0x259: {  	[spmem:s10], [sflag:s16] =	dma.local [hbm:s1], $0xFF0  }
0x25a: {  	_ =	swait.ge [sflag:s15], $0xFF0  }
0x25b: {  	s12 =	sld [smem:$0x7DB]  }
0x25c: {  	[sflag:s15] =	ssyncset.done $0x0  }
0x25d: {  	[sflag:s15] =	ssyncadd.s32 $0xFFFFF010  }
0x25e: {  	[spmem:s12], [sflag:s16] =	dma.local [hbm:s1], $0xFF0  }
0x25f: {  	_ =	swait.ge [sflag:s15], $0xFF0  }
0x260: {  	s16 =	sld [smem:$0x7F6]  }
0x261: {  	[sflag:s15] =	ssyncset.done $0x0  }
0x262: {  	s13 =	rddreg [dreg:$0x6];
	[sflag:s15] =	ssyncadd.s32 $0xFFFFF010  }
0x263: {  	[tilespmem:s16], [sflag:$0xD] =	stream.linear.gather [hbm4b:s13+s14], $0x1200, $0x38;
	[tilespmem:$0x1FC80] =	vst v63  }
0x264: {  	_ =	swait.ge [sflag:s15], $0x1200  }
0x265: {  	[sflag:s15] =	ssyncset.done $0x0  }
0x266: {  	[sflag:s15] =	ssyncadd.s32 $0xFFFFEE00  }
0x267: {  	[bflag:$0x0] =	sbarrier.arrive $0xFFFF  }
0x268: {  	s28 =	simm.s32 $0x5A00;
	s21 =	rddreg [dreg:$0xa]  }
0x269: {  	[tilespmem:s28], [sflag:$0xA] =	stream.linear.gather [hbm4b:s21+s14], $0x1200, $0x38;
	[tilespmem:$0x1FC80] =	vst v63  }
0x26a: {  	s29 =	simm.s32 $0x3600;
	s23 =	rddreg [dreg:$0xb]  }
0x26b: {  	[tilespmem:s29], [sflag:$0xB] =	stream.linear.gather [hbm4b:s23+s14], $0x1200, $0x38;
	[tilespmem:$0x1FC80] =	vst v63  }
0x26c: {  	s30 =	simm.s32 $0x4800;
	s26 =	rddreg [dreg:$0xc]  }
0x26d: {  	[tilespmem:s30], [sflag:$0xC] =	stream.linear.gather [hbm4b:s26+s14], $0x1200, $0x38;
	[tilespmem:$0x1FC80] =	vst v63  }
0x26e: {  	_ =	swait.ge [sflag:s24], $0x1200  }
0x26f: {  	[sflag:s24] =	ssyncset.done $0x0  }
0x270: {  	[sflag:s24] =	ssyncadd.s32 $0xFFFFEE00  }
0x271: {  	_ =	swait.ge [sflag:s20], $0x1200  }
0x272: {  	[sflag:s20] =	ssyncset.done $0x0  }
0x273: {  	[sflag:s20] =	ssyncadd.s32 $0xFFFFEE00  }
0x274: {  	_ =	swait.ge [sflag:s19], $0x1200  }
0x275: {  	s0 =	simm.s32 @p1 $0x0;
	[sflag:s19] =	ssyncset.done $0x0  }
0x276: {  	s5 =	simm.s32 @p1 $0x2400;
	s29 =	simm.s32 @p1 $0x1200;
	[sflag:s19] =	ssyncadd.s32 $0xFFFFEE00  }
0x277: {  	[spmem:s6] =	stream.indirect.scatter.add.f32 @p1 [tilespmem:s0], [sflag:$0x2], $0x1, s5, s29, $0xb8;
	[tilespmem:$0x1FC80] =	vst v63  }
0x278: {  	s10 =	simm.s32 @!p1 $0x2400  }
0x279: {  	[spmem:s7] =	stream.indirect.scatter.add.f32 @p1 [tilespmem:s29], [sflag:$0x3], $0x1, s5, s29, $0xb8;
	[tilespmem:$0x1FC80] =	vst v63  }
0x27a: {  	s13 =	simm.s32 @!p1 $0x1200;
	s21 =	simm.s32 @!p1 $0x6C00;
	s28 =	rddreg [dreg:$0x2]  }
0x27b: {  	[spmem:s28] =	stream.indirect.scatter.add.f32 @!p1 [tilespmem:s21], [sflag:$0x1], $0x1, s10, s13, $0xb8;
	[tilespmem:$0x1FC80] =	vst v63  }
0x27c: {  	s0 =	simm.s32 @!p1 $0x0  }
0x27d: {  	[spmem:s6] =	stream.indirect.scatter.add.f32 @!p1 [tilespmem:s0], [sflag:$0x2], $0x1, s10, s13, $0xb8;
	[tilespmem:$0x1FC80] =	vst v63  }
0x27e: {  	s23 =	simm.s32 @!p1 $0x1  }
0x27f: {  	[spmem:s7] =	stream.indirect.scatter.add.f32 @!p1 [tilespmem:s13], [sflag:$0x3], $0x1, s10, s13, $0xb8;
	[tilespmem:$0x1FC80] =	vst v63  }
0x280: {  	_ =	swait.ge @!p1 [sflag:s23], $0x1200  }
0x281: {  	[sflag:s23] =	ssyncset.done @!p1 $0x0  }
0x282: {  	s0 =	simm.s32 $0x2;
	[sflag:s23] =	ssyncadd.s32 @!p1 $0xFFFFEE00  }
0x283: {  	_ =	swait.ge [sflag:s0], $0x1200  }
0x284: {  	[sflag:s0] =	ssyncset.done $0x0  }
0x285: {  	p3 =	sne.s32 s2, $0x0;
	s2 =	simm.s32 $0x3;
	[sflag:s0] =	ssyncadd.s32 $0xFFFFEE00  }
0x286: {  	_ =	swait.ge [sflag:s2], $0x1200  }
0x287: {  	[sflag:s2] =	ssyncset.done $0x0  }
0x288: {  	s9 =	simm.s32 $0x2400;
	s31 =	rddreg [dreg:$0xd];
	[sflag:s2] =	ssyncadd.s32 $0xFFFFEE00  }
0x289: {  	[tilespmem:s9], [sflag:$0x7] =	stream.linear.gather [hbm4b:s31+s14], $0x1200, $0x38;
	[tilespmem:$0x1FC80] =	vst v63  }
0x28a: {  	s12 =	rddreg [dreg:$0xe]  }
0x28b: {  	[tilespmem:s14], [sflag:$0x8] =	stream.linear.gather [hbm4b:s12+s14], $0x1200, $0x38;
	[tilespmem:$0x1FC80] =	vst v63  }
0x28c: {  	s3 =	simm.s32 $0x1200;
	s15 =	rddreg [dreg:$0xf]  }
0x28d: {  	[tilespmem:s3], [sflag:$0x9] =	stream.linear.gather [hbm4b:s15+s14], $0x1200, $0x38;
	[tilespmem:$0x1FC80] =	vst v63  }
0x28e: {  	_ =	swait.ge [sflag:s22], $0x1200  }
0x28f: {  	[sflag:s22] =	ssyncset.done $0x0  }
0x290: {  	[sflag:s22] =	ssyncadd.s32 $0xFFFFEE00  }
0x291: {  	_ =	swait.ge [sflag:s11], $0x1200  }
0x292: {  	[sflag:s11] =	ssyncset.done $0x0  }
0x293: {  	[sflag:s11] =	ssyncadd.s32 $0xFFFFEE00  }
0x294: {  	_ =	swait.ge [sflag:s25], $0x1200  }
0x295: {  	[sflag:s25] =	ssyncset.done $0x0  }
0x296: {  	s9 =	simm.s32 @p1 $0x5A00;
	s15 =	simm.s32 @p1 $0x3600;
	[sflag:s25] =	ssyncadd.s32 $0xFFFFEE00  }
0x297: {  	[spmem:s6] =	stream.indirect.scatter.add.f32 @p1 [tilespmem:s15], [sflag:$0x5], $0x1, s9, s29, $0xb8;
	[tilespmem:$0x1FC80] =	vst v63  }
0x298: {  	s31 =	simm.s32 @p1 $0x4800  }
0x299: {  	[spmem:s7] =	stream.indirect.scatter.add.f32 @p1 [tilespmem:s31], [sflag:$0x6], $0x1, s9, s29, $0xb8;
	[tilespmem:$0x1FC80] =	vst v63  }
0x29a: {  	s26 =	simm.s32 @!p1 $0x5A00  }
0x29b: {  	[spmem:s28] =	stream.indirect.scatter.add.f32 @!p1 [tilespmem:s21], [sflag:$0x4], $0x1, s26, s13, $0xb8;
	[tilespmem:$0x1FC80] =	vst v63  }
0x29c: {  	s12 =	simm.s32 @!p1 $0x3600  }
0x29d: {  	[spmem:s6] =	stream.indirect.scatter.add.f32 @!p1 [tilespmem:s12], [sflag:$0x5], $0x1, s26, s13, $0xb8;
	[tilespmem:$0x1FC80] =	vst v63  }
0x29e: {  	s3 =	simm.s32 @!p1 $0x4800  }
0x29f: {  	[spmem:s7] =	stream.indirect.scatter.add.f32 @!p1 [tilespmem:s3], [sflag:$0x6], $0x1, s26, s13, $0xb8;
	[tilespmem:$0x1FC80] =	vst v63  }
0x2a0: {  	s7 =	simm.s32 @!p1 $0x4  }
0x2a1: {  	_ =	swait.ge @!p1 [sflag:s7], $0x1200  }
0x2a2: {  	[sflag:s7] =	ssyncset.done @!p1 $0x0  }
0x2a3: {  	[sflag:s7] =	ssyncadd.s32 @!p1 $0xFFFFEE00  }
0x2a4: {  	_ =	swait.ge [sflag:s18], $0x1200  }
0x2a5: {  	[sflag:s18] =	ssyncset.done $0x0  }
0x2a6: {  	[sflag:s18] =	ssyncadd.s32 $0xFFFFEE00  }
0x2a7: {  	_ =	swait.ge [sflag:s17], $0x1200  }
0x2a8: {  	[sflag:s17] =	ssyncset.done $0x0  }
0x2a9: {  	s6 =	simm.s32 $0x5A00;
	s16 =	rddreg [dreg:$0x10];
	[sflag:s17] =	ssyncadd.s32 $0xFFFFEE00  }
0x2aa: {  	[tilespmem:s6], [sflag:$0xA] =	stream.linear.gather [hbm4b:s16+s14], $0x1200, $0x38;
	[tilespmem:$0x1FC80] =	vst v63  }
0x2ab: {  	s1 =	simm.s32 $0x3600;
	s3 =	rddreg [dreg:$0x11]  }
0x2ac: {  	[tilespmem:s1], [sflag:$0xB] =	stream.linear.gather [hbm4b:s3+s14], $0x1200, $0x38;
	[tilespmem:$0x1FC80] =	vst v63  }
0x2ad: {  	s30 =	rddreg [dreg:$0x12];
	s3 =	simm.s32 $0x4800  }
0x2ae: {  	[tilespmem:s3], [sflag:$0xC] =	stream.linear.gather [hbm4b:s30+s14], $0x1200, $0x38;
	[tilespmem:$0x1FC80] =	vst v63  }
0x2af: {  	_ =	swait.ge [sflag:s24], $0x1200  }
0x2b0: {  	[sflag:s24] =	ssyncset.done $0x0  }
0x2b1: {  	[sflag:s24] =	ssyncadd.s32 $0xFFFFEE00  }
0x2b2: {  	_ =	swait.ge [sflag:s20], $0x1200  }
0x2b3: {  	[sflag:s20] =	ssyncset.done $0x0  }
0x2b4: {  	[sflag:s20] =	ssyncadd.s32 $0xFFFFEE00  }
0x2b5: {  	_ =	swait.ge [sflag:s19], $0x1200  }
0x2b6: {  	[sflag:s19] =	ssyncset.done $0x0  }
0x2b7: {  	[sflag:s19] =	ssyncadd.s32 $0xFFFFEE00  }
0x2b8: {  	s1 =	simm.s32 @p1 $0x0;
	s4 =	rddreg [dreg:$0x3]  }
0x2b9: {  	[spmem:s4] =	stream.indirect.scatter.add.f32 @p1 [tilespmem:s1], [sflag:$0x2], $0x1, s5, s29, $0xb8;
	[tilespmem:$0x1FC80] =	vst v63  }
0x2ba: {  	s4 =	rddreg [dreg:$0x4]  }
0x2bb: {  	[spmem:s4] =	stream.indirect.scatter.add.f32 @p1 [tilespmem:s29], [sflag:$0x3], $0x1, s5, s29, $0xb8;
	[tilespmem:$0x1FC80] =	vst v63  }
0x2bc: {  	_ = 	snop  }
0x2bd: {  	[spmem:s28] =	stream.indirect.scatter.add.f32 @!p1 [tilespmem:s21], [sflag:$0x1], $0x1, s10, s13, $0xb8;
	[tilespmem:$0x1FC80] =	vst v63  }
0x2be: {  	s8 =	simm.s32 @!p1 $0x0;
	s4 =	rddreg [dreg:$0x3]  }
0x2bf: {  	[spmem:s4] =	stream.indirect.scatter.add.f32 @!p1 [tilespmem:s8], [sflag:$0x2], $0x1, s10, s13, $0xb8;
	[tilespmem:$0x1FC80] =	vst v63  }
0x2c0: {  	s4 =	rddreg [dreg:$0x4]  }
0x2c1: {  	[spmem:s4] =	stream.indirect.scatter.add.f32 @!p1 [tilespmem:s13], [sflag:$0x3], $0x1, s10, s13, $0xb8;
	[tilespmem:$0x1FC80] =	vst v63  }
0x2c2: {  	_ =	swait.ge @!p1 [sflag:s23], $0x1200  }
0x2c3: {  	[sflag:s23] =	ssyncset.done @!p1 $0x0  }
0x2c4: {  	[sflag:s23] =	ssyncadd.s32 @!p1 $0xFFFFEE00  }
0x2c5: {  	_ =	swait.ge [sflag:s0], $0x1200  }
0x2c6: {  	[sflag:s0] =	ssyncset.done $0x0  }
0x2c7: {  	[sflag:s0] =	ssyncadd.s32 $0xFFFFEE00  }
0x2c8: {  	_ =	swait.ge [sflag:s2], $0x1200  }
0x2c9: {  	[sflag:s2] =	ssyncset.done $0x0  }
0x2ca: {  	s8 =	simm.s32 $0x2400;
	s4 =	rddreg [dreg:$0x13];
	[sflag:s2] =	ssyncadd.s32 $0xFFFFEE00  }
0x2cb: {  	[tilespmem:s8], [sflag:$0x7] =	stream.linear.gather [hbm4b:s4+s14], $0x1200, $0x38;
	[tilespmem:$0x1FC80] =	vst v63  }
0x2cc: {  	s16 =	rddreg [dreg:$0x14]  }
0x2cd: {  	[tilespmem:s14], [sflag:$0x8] =	stream.linear.gather [hbm4b:s16+s14], $0x1200, $0x38;
	[tilespmem:$0x1FC80] =	vst v63  }
0x2ce: {  	s30 =	rddreg [dreg:$0x15];
	s16 =	simm.s32 $0x1200  }
0x2cf: {  	[tilespmem:s16], [sflag:$0x9] =	stream.linear.gather [hbm4b:s30+s14], $0x1200, $0x38;
	[tilespmem:$0x1FC80] =	vst v63  }
0x2d0: {  	_ =	swait.ge [sflag:s22], $0x1200  }
0x2d1: {  	[sflag:s22] =	ssyncset.done $0x0  }
0x2d2: {  	[sflag:s22] =	ssyncadd.s32 $0xFFFFEE00  }
0x2d3: {  	_ =	swait.ge [sflag:s11], $0x1200  }
0x2d4: {  	[sflag:s11] =	ssyncset.done $0x0  }
0x2d5: {  	[sflag:s11] =	ssyncadd.s32 $0xFFFFEE00  }
0x2d6: {  	_ =	swait.ge [sflag:s25], $0x1200  }
0x2d7: {  	[sflag:s25] =	ssyncset.done $0x0  }
0x2d8: {  	[sflag:s25] =	ssyncadd.s32 $0xFFFFEE00  }
0x2d9: {  	s4 =	rddreg [dreg:$0x3]  }
0x2da: {  	[spmem:s4] =	stream.indirect.scatter.add.f32 @p1 [tilespmem:s15], [sflag:$0x5], $0x1, s9, s29, $0xb8;
	[tilespmem:$0x1FC80] =	vst v63  }
0x2db: {  	s4 =	rddreg [dreg:$0x4]  }
0x2dc: {  	[spmem:s4] =	stream.indirect.scatter.add.f32 @p1 [tilespmem:s31], [sflag:$0x6], $0x1, s9, s29, $0xb8;
	[tilespmem:$0x1FC80] =	vst v63  }
0x2dd: {  	_ = 	snop  }
0x2de: {  	[spmem:s28] =	stream.indirect.scatter.add.f32 @!p1 [tilespmem:s21], [sflag:$0x4], $0x1, s26, s13, $0xb8;
	[tilespmem:$0x1FC80] =	vst v63  }
0x2df: {  	s4 =	rddreg [dreg:$0x3]  }
0x2e0: {  	[spmem:s4] =	stream.indirect.scatter.add.f32 @!p1 [tilespmem:s12], [sflag:$0x5], $0x1, s26, s13, $0xb8;
	[tilespmem:$0x1FC80] =	vst v63  }
0x2e1: {  	s8 =	simm.s32 @!p1 $0x4800;
	s4 =	rddreg [dreg:$0x4]  }
0x2e2: {  	[spmem:s4] =	stream.indirect.scatter.add.f32 @!p1 [tilespmem:s8], [sflag:$0x6], $0x1, s26, s13, $0xb8;
	[tilespmem:$0x1FC80] =	vst v63  }
0x2e3: {  	_ =	swait.ge @!p1 [sflag:s7], $0x1200  }
0x2e4: {  	[sflag:s7] =	ssyncset.done @!p1 $0x0  }
0x2e5: {  	[sflag:s7] =	ssyncadd.s32 @!p1 $0xFFFFEE00  }
0x2e6: {  	_ =	swait.ge [sflag:s18], $0x1200  }
0x2e7: {  	[sflag:s18] =	ssyncset.done $0x0  }
0x2e8: {  	[sflag:s18] =	ssyncadd.s32 $0xFFFFEE00  }
0x2e9: {  	_ =	swait.ge [sflag:s17], $0x1200  }
0x2ea: {  	[sflag:s17] =	ssyncset.done $0x0  }
0x2eb: {  	s4 =	rddreg [dreg:$0x16];
	[sflag:s17] =	ssyncadd.s32 $0xFFFFEE00  }
0x2ec: {  	[tilespmem:s6], [sflag:$0xA] =	stream.linear.gather [hbm4b:s4+s14], $0x1200, $0x38;
	[tilespmem:$0x1FC80] =	vst v63  }
0x2ed: {  	s16 =	rddreg [dreg:$0x17];
	s6 =	simm.s32 $0x3600  }
0x2ee: {  	[tilespmem:s6], [sflag:$0xB] =	stream.linear.gather [hbm4b:s16+s14], $0x1200, $0x38;
	[tilespmem:$0x1FC80] =	vst v63  }
0x2ef: {  	s30 =	rddreg [dreg:$0x18]  }
0x2f0: {  	[tilespmem:s3], [sflag:$0xC] =	stream.linear.gather [hbm4b:s30+s14], $0x1200, $0x38;
	[tilespmem:$0x1FC80] =	vst v63  }
0x2f1: {  	_ =	swait.ge [sflag:s24], $0x1200  }
0x2f2: {  	[sflag:s24] =	ssyncset.done $0x0  }
0x2f3: {  	[sflag:s24] =	ssyncadd.s32 $0xFFFFEE00  }
0x2f4: {  	_ =	swait.ge [sflag:s20], $0x1200  }
0x2f5: {  	[sflag:s20] =	ssyncset.done $0x0  }
0x2f6: {  	[sflag:s20] =	ssyncadd.s32 $0xFFFFEE00  }
0x2f7: {  	_ =	swait.ge [sflag:s19], $0x1200  }
0x2f8: {  	[sflag:s19] =	ssyncset.done $0x0  }
0x2f9: {  	[sflag:s19] =	ssyncadd.s32 $0xFFFFEE00  }
0x2fa: {  	s4 =	rddreg [dreg:$0x3]  }
0x2fb: {  	[spmem:s4] =	stream.indirect.scatter.add.f32 @p1 [tilespmem:s1], [sflag:$0x2], $0x1, s5, s29, $0xb8;
	[tilespmem:$0x1FC80] =	vst v63  }
0x2fc: {  	s4 =	rddreg [dreg:$0x4]  }
0x2fd: {  	[spmem:s4] =	stream.indirect.scatter.add.f32 @p1 [tilespmem:s29], [sflag:$0x3], $0x1, s5, s29, $0xb8;
	[tilespmem:$0x1FC80] =	vst v63  }
0x2fe: {  	_ = 	snop  }
0x2ff: {  	[spmem:s28] =	stream.indirect.scatter.add.f32 @!p1 [tilespmem:s21], [sflag:$0x1], $0x1, s10, s13, $0xb8;
	[tilespmem:$0x1FC80] =	vst v63  }
0x300: {  	s1 =	simm.s32 @!p1 $0x0;
	s4 =	rddreg [dreg:$0x3]  }
0x301: {  	[spmem:s4] =	stream.indirect.scatter.add.f32 @!p1 [tilespmem:s1], [sflag:$0x2], $0x1, s10, s13, $0xb8;
	[tilespmem:$0x1FC80] =	vst v63  }
0x302: {  	s4 =	rddreg [dreg:$0x4]  }
0x303: {  	[spmem:s4] =	stream.indirect.scatter.add.f32 @!p1 [tilespmem:s13], [sflag:$0x3], $0x1, s10, s13, $0xb8;
	[tilespmem:$0x1FC80] =	vst v63  }
0x304: {  	_ =	swait.ge @!p1 [sflag:s23], $0x1200  }
0x305: {  	[sflag:s23] =	ssyncset.done @!p1 $0x0  }
0x306: {  	[sflag:s23] =	ssyncadd.s32 @!p1 $0xFFFFEE00  }
0x307: {  	_ =	swait.ge [sflag:s0], $0x1200  }
0x308: {  	[sflag:s0] =	ssyncset.done $0x0  }
0x309: {  	[sflag:s0] =	ssyncadd.s32 $0xFFFFEE00  }
0x30a: {  	_ =	swait.ge [sflag:s2], $0x1200  }
0x30b: {  	[sflag:s2] =	ssyncset.done $0x0  }
0x30c: {  	s6 =	simm.s32 $0x2400;
	s1 =	rddreg [dreg:$0x19];
	[sflag:s2] =	ssyncadd.s32 $0xFFFFEE00  }
0x30d: {  	[tilespmem:s6], [sflag:$0x7] =	stream.linear.gather [hbm4b:s1+s14], $0x1200, $0x38;
	[tilespmem:$0x1FC80] =	vst v63  }
0x30e: {  	s16 =	rddreg [dreg:$0x1a]  }
0x30f: {  	[tilespmem:s14], [sflag:$0x8] =	stream.linear.gather [hbm4b:s16+s14], $0x1200, $0x38;
	[tilespmem:$0x1FC80] =	vst v63  }
0x310: {  	s30 =	rddreg [dreg:$0x1b];
	s6 =	simm.s32 $0x1200  }
0x311: {  	[tilespmem:s6], [sflag:$0x9] =	stream.linear.gather [hbm4b:s30+s14], $0x1200, $0x38;
	[tilespmem:$0x1FC80] =	vst v63  }
0x312: {  	_ =	swait.ge [sflag:s22], $0x1200  }
0x313: {  	[sflag:s22] =	ssyncset.done $0x0  }
0x314: {  	[sflag:s22] =	ssyncadd.s32 $0xFFFFEE00  }
0x315: {  	_ =	swait.ge [sflag:s11], $0x1200  }
0x316: {  	[sflag:s11] =	ssyncset.done $0x0  }
0x317: {  	[sflag:s11] =	ssyncadd.s32 $0xFFFFEE00  }
0x318: {  	_ =	swait.ge [sflag:s25], $0x1200  }
0x319: {  	[sflag:s25] =	ssyncset.done $0x0  }
0x31a: {  	[sflag:s25] =	ssyncadd.s32 $0xFFFFEE00  }
0x31b: {  	s4 =	rddreg [dreg:$0x3]  }
0x31c: {  	[spmem:s4] =	stream.indirect.scatter.add.f32 @p1 [tilespmem:s15], [sflag:$0x5], $0x1, s9, s29, $0xb8;
	[tilespmem:$0x1FC80] =	vst v63  }
0x31d: {  	s4 =	rddreg [dreg:$0x4]  }
0x31e: {  	[spmem:s4] =	stream.indirect.scatter.add.f32 @p1 [tilespmem:s31], [sflag:$0x6], $0x1, s9, s29, $0xb8;
	[tilespmem:$0x1FC80] =	vst v63  }
0x31f: {  	_ = 	snop  }
0x320: {  	[spmem:s28] =	stream.indirect.scatter.add.f32 @!p1 [tilespmem:s21], [sflag:$0x4], $0x1, s26, s13, $0xb8;
	[tilespmem:$0x1FC80] =	vst v63  }
0x321: {  	s4 =	rddreg [dreg:$0x3]  }
0x322: {  	[spmem:s4] =	stream.indirect.scatter.add.f32 @!p1 [tilespmem:s12], [sflag:$0x5], $0x1, s26, s13, $0xb8;
	[tilespmem:$0x1FC80] =	vst v63  }
0x323: {  	s1 =	rddreg [dreg:$0x4]  }
0x324: {  	[spmem:s1] =	stream.indirect.scatter.add.f32 @!p1 [tilespmem:s8], [sflag:$0x6], $0x1, s26, s13, $0xb8;
	[tilespmem:$0x1FC80] =	vst v63  }
0x325: {  	s6 =	rddreg [dreg:$0x3];
	_ =	swait.ge @!p1 [sflag:s7], $0x1200  }
0x326: {  	[sflag:s7] =	ssyncset.done @!p1 $0x0  }
0x327: {  	[sflag:s7] =	ssyncadd.s32 @!p1 $0xFFFFEE00  }
0x328: {  	s7 =	rddreg [dreg:$0x4];
	_ =	swait.ge [sflag:s18], $0x1200  }
0x329: {  	[sflag:s18] =	ssyncset.done $0x0  }
0x32a: {  	[sflag:s18] =	ssyncadd.s32 $0xFFFFEE00  }
0x32b: {  	_ =	swait.ge [sflag:s17], $0x1200  }
0x32c: {  	[sflag:s17] =	ssyncset.done $0x0  }
0x32d: {  	s9 =	simm.s32 $0x5A00;
	s16 =	rddreg [dreg:$0x1c];
	[sflag:s17] =	ssyncadd.s32 $0xFFFFEE00  }
0x32e: {  	[tilespmem:s9], [sflag:$0xA] =	stream.linear.gather [hbm4b:s16+s14], $0x1200, $0x38;
	[tilespmem:$0x1FC80] =	vst v63  }
0x32f: {  	s1 =	simm.s32 $0x3600;
	s26 =	rddreg [dreg:$0x1d]  }
0x330: {  	[tilespmem:s1], [sflag:$0xB] =	stream.linear.gather [hbm4b:s26+s14], $0x1200, $0x38;
	[tilespmem:$0x1FC80] =	vst v63  }
0x331: {  	s3 =	simm.s32 $0x4800;
	s8 =	rddreg [dreg:$0x1e]  }
0x332: {  	[tilespmem:s3], [sflag:$0xC] =	stream.linear.gather [hbm4b:s8+s14], $0x1200, $0x38;
	[tilespmem:$0x1FC80] =	vst v63  }
0x333: {  	_ =	swait.ge [sflag:s24], $0x1200  }
0x334: {  	[sflag:s24] =	ssyncset.done $0x0  }
0x335: {  	[sflag:s24] =	ssyncadd.s32 $0xFFFFEE00  }
0x336: {  	_ =	swait.ge [sflag:s20], $0x1200  }
0x337: {  	[sflag:s20] =	ssyncset.done $0x0  }
0x338: {  	[sflag:s20] =	ssyncadd.s32 $0xFFFFEE00  }
0x339: {  	_ =	swait.ge [sflag:s19], $0x1200  }
0x33a: {  	[sflag:s19] =	ssyncset.done $0x0  }
0x33b: {  	s4 =	simm.s32 @p1 $0x0;
	[sflag:s19] =	ssyncadd.s32 $0xFFFFEE00  }
0x33c: {  	[spmem:s6] =	stream.indirect.scatter.add.f32 @p1 [tilespmem:s4], [sflag:$0x2], $0x1, s5, s29, $0xb8;
	[tilespmem:$0x1FC80] =	vst v63  }
0x33d: {  	_ = 	snop  }
0x33e: {  	[spmem:s7] =	stream.indirect.scatter.add.f32 @p1 [tilespmem:s29], [sflag:$0x3], $0x1, s5, s29, $0xb8;
	[tilespmem:$0x1FC80] =	vst v63  }
0x33f: {  	_ = 	snop  }
0x340: {  	[spmem:s28] =	stream.indirect.scatter.add.f32 @!p1 [tilespmem:s21], [sflag:$0x1], $0x1, s10, s13, $0xb8;
	[tilespmem:$0x1FC80] =	vst v63  }
0x341: {  	s4 =	simm.s32 @!p1 $0x0  }
0x342: {  	[spmem:s6] =	stream.indirect.scatter.add.f32 @!p1 [tilespmem:s4], [sflag:$0x2], $0x1, s10, s13, $0xb8;
	[tilespmem:$0x1FC80] =	vst v63  }
0x343: {  	_ = 	snop  }
0x344: {  	[spmem:s7] =	stream.indirect.scatter.add.f32 @!p1 [tilespmem:s13], [sflag:$0x3], $0x1, s10, s13, $0xb8;
	[tilespmem:$0x1FC80] =	vst v63  }
0x345: {  	_ =	swait.ge @!p1 [sflag:s23], $0x1200  }
0x346: {  	[sflag:s23] =	ssyncset.done @!p1 $0x0  }
0x347: {  	[sflag:s23] =	ssyncadd.s32 @!p1 $0xFFFFEE00  }
0x348: {  	_ =	swait.ge [sflag:s0], $0x1200  }
0x349: {  	[sflag:s0] =	ssyncset.done $0x0  }
0x34a: {  	[sflag:s0] =	ssyncadd.s32 $0xFFFFEE00  }
0x34b: {  	_ =	swait.ge [sflag:s2], $0x1200  }
0x34c: {  	[sflag:s2] =	ssyncset.done $0x0;
	s10 =	rddreg [dreg:$0x1f]  }
0x34d: {  	s21 =	simm.s32 $0x2400;
	s12 =	sld [smem:$0x7E5];
	[sflag:s2] =	ssyncadd.s32 $0xFFFFEE00  }
0x34e: {  	[tilespmem:s21], [sflag:$0x7] =	stream.linear.gather [hbm4b:s10+s14], $0x1200, $0x38;
	[tilespmem:$0x1FC80] =	vst v63  }
0x34f: {  	s13 =	sld [smem:$0x7E6]  }
0x350: {  	[tilespmem:s14], [sflag:$0x8] =	stream.linear.gather [hbm4b:s12+s14], $0x1200, $0x38;
	[tilespmem:$0x1FC80] =	vst v63  }
0x351: {  	s12 =	simm.s32 $0x1200  }
0x352: {  	[tilespmem:s12], [sflag:$0x9] =	stream.linear.gather [hbm4b:s13+s14], $0x1200, $0x38;
	[tilespmem:$0x1FC80] =	vst v63  }
0x353: {  	_ =	swait.ge [sflag:s22], $0x1200  }
0x354: {  	[sflag:s22] =	ssyncset.done $0x0  }
0x355: {  	[sflag:s22] =	ssyncadd.s32 $0xFFFFEE00  }
0x356: {  	_ =	swait.ge [sflag:s11], $0x1200  }
0x357: {  	[sflag:s11] =	ssyncset.done $0x0  }
0x358: {  	[sflag:s11] =	ssyncadd.s32 $0xFFFFEE00  }
0x359: {  	_ =	swait.ge [sflag:s25], $0x1200  }
0x35a: {  	s9 =	simm.s32 @p0 $0x5A00;
	[sflag:s25] =	ssyncset.done $0x0  }
0x35b: {  	s5 =	simm.s32 @p0 $0x1200;
	s4 =	simm.s32 @p0 $0x3600;
	[sflag:s25] =	ssyncadd.s32 $0xFFFFEE00  }
0x35c: {  	[spmem:s6] =	stream.indirect.scatter.add.f32 @p0 [tilespmem:s4], [sflag:$0x5], $0x1, s9, s5, $0xb8;
	[tilespmem:$0x1FC80] =	vst v63  }
0x35d: {  	s4 =	simm.s32 @p0 $0x4800  }
0x35e: {  	[spmem:s7] =	stream.indirect.scatter.add.f32 @p0 [tilespmem:s4], [sflag:$0x6], $0x1, s9, s5, $0xb8;
	[tilespmem:$0x1FC80] =	vst v63  }
0x35f: {  	s8 =	simm.s32 @!p0 $0x1200;
	s23 =	simm.s32 @!p0 $0x5A00;
	s10 =	simm.s32 @!p0 $0x6C00  }
0x360: {  	[spmem:s28] =	stream.indirect.scatter.add.f32 @!p0 [tilespmem:s10], [sflag:$0x4], $0x1, s23, s8, $0xb8;
	[tilespmem:$0x1FC80] =	vst v63  }
0x361: {  	s4 =	simm.s32 @!p0 $0x3600  }
0x362: {  	[spmem:s6] =	stream.indirect.scatter.add.f32 @!p0 [tilespmem:s4], [sflag:$0x5], $0x1, s23, s8, $0xb8;
	[tilespmem:$0x1FC80] =	vst v63  }
0x363: {  	s26 =	simm.s32 @!p0 $0x4;
	s4 =	simm.s32 @!p0 $0x4800  }
0x364: {  	[spmem:s7] =	stream.indirect.scatter.add.f32 @!p0 [tilespmem:s4], [sflag:$0x6], $0x1, s23, s8, $0xb8;
	[tilespmem:$0x1FC80] =	vst v63  }
0x365: {  	_ =	swait.ge @!p0 [sflag:s26], $0x1200  }
0x366: {  	[sflag:s26] =	ssyncset.done @!p0 $0x0  }
0x367: {  	[sflag:s26] =	ssyncadd.s32 @!p0 $0xFFFFEE00  }
0x368: {  	_ =	swait.ge [sflag:s18], $0x1200  }
0x369: {  	[sflag:s18] =	ssyncset.done $0x0  }
0x36a: {  	[sflag:s18] =	ssyncadd.s32 $0xFFFFEE00  }
0x36b: {  	_ =	swait.ge [sflag:s17], $0x1200  }
0x36c: {  	s16 =	sld [smem:$0x7E7]  }
0x36d: {  	[sflag:s17] =	ssyncset.done $0x0  }
0x36e: {  	s31 =	simm.s32 $0x5A00;
	s13 =	sld [smem:$0x7E8];
	[sflag:s17] =	ssyncadd.s32 $0xFFFFEE00  }
0x36f: {  	[tilespmem:s31], [sflag:$0xA] =	stream.linear.gather [hbm4b:s16+s14], $0x1200, $0x38;
	[tilespmem:$0x1FC80] =	vst v63  }
0x370: {  	s29 =	sld [smem:$0x7E9]  }
0x371: {  	[tilespmem:s1], [sflag:$0xB] =	stream.linear.gather [hbm4b:s13+s14], $0x1200, $0x38;
	[tilespmem:$0x1FC80] =	vst v63  }
0x372: {  	s3 =	simm.s32 $0x4800  }
0x373: {  	[tilespmem:s3], [sflag:$0xC] =	stream.linear.gather [hbm4b:s29+s14], $0x1200, $0x38;
	[tilespmem:$0x1FC80] =	vst v63  }
0x374: {  	_ =	swait.ge [sflag:s24], $0x1200  }
0x375: {  	[sflag:s24] =	ssyncset.done $0x0  }
0x376: {  	[sflag:s24] =	ssyncadd.s32 $0xFFFFEE00  }
0x377: {  	_ =	swait.ge [sflag:s20], $0x1200  }
0x378: {  	[sflag:s20] =	ssyncset.done $0x0  }
0x379: {  	[sflag:s20] =	ssyncadd.s32 $0xFFFFEE00  }
0x37a: {  	_ =	swait.ge [sflag:s19], $0x1200  }
0x37b: {  	[sflag:s19] =	ssyncset.done $0x0  }
0x37c: {  	s13 =	simm.s32 @p0 $0x0;
	s29 =	simm.s32 @p0 $0x2400;
	[sflag:s19] =	ssyncadd.s32 $0xFFFFEE00  }
0x37d: {  	[spmem:s6] =	stream.indirect.scatter.add.f32 @p0 [tilespmem:s13], [sflag:$0x2], $0x1, s29, s5, $0xb8;
	[tilespmem:$0x1FC80] =	vst v63  }
0x37e: {  	_ = 	snop  }
0x37f: {  	[spmem:s7] =	stream.indirect.scatter.add.f32 @p0 [tilespmem:s5], [sflag:$0x3], $0x1, s29, s5, $0xb8;
	[tilespmem:$0x1FC80] =	vst v63  }
0x380: {  	s3 =	simm.s32 @!p0 $0x2400  }
0x381: {  	[spmem:s28] =	stream.indirect.scatter.add.f32 @!p0 [tilespmem:s10], [sflag:$0x1], $0x1, s3, s8, $0xb8;
	[tilespmem:$0x1FC80] =	vst v63  }
0x382: {  	s1 =	simm.s32 @!p0 $0x0  }
0x383: {  	[spmem:s6] =	stream.indirect.scatter.add.f32 @!p0 [tilespmem:s1], [sflag:$0x2], $0x1, s3, s8, $0xb8;
	[tilespmem:$0x1FC80] =	vst v63  }
0x384: {  	s31 =	simm.s32 @!p0 $0x1  }
0x385: {  	[spmem:s7] =	stream.indirect.scatter.add.f32 @!p0 [tilespmem:s8], [sflag:$0x3], $0x1, s3, s8, $0xb8;
	[tilespmem:$0x1FC80] =	vst v63  }
0x386: {  	_ =	swait.ge @!p0 [sflag:s31], $0x1200  }
0x387: {  	[sflag:s31] =	ssyncset.done @!p0 $0x0  }
0x388: {  	[sflag:s31] =	ssyncadd.s32 @!p0 $0xFFFFEE00  }
0x389: {  	_ =	swait.ge [sflag:s0], $0x1200  }
0x38a: {  	[sflag:s0] =	ssyncset.done $0x0  }
0x38b: {  	[sflag:s0] =	ssyncadd.s32 $0xFFFFEE00  }
0x38c: {  	_ =	swait.ge [sflag:s2], $0x1200  }
0x38d: {  	s4 =	sld [smem:$0x7EA]  }
0x38e: {  	[sflag:s2] =	ssyncset.done $0x0  }
0x38f: {  	s16 =	sld [smem:$0x7EB];
	[sflag:s2] =	ssyncadd.s32 $0xFFFFEE00  }
0x390: {  	[tilespmem:s21], [sflag:$0x7] =	stream.linear.gather [hbm4b:s4+s14], $0x1200, $0x38;
	[tilespmem:$0x1FC80] =	vst v63  }
0x391: {  	s1 =	sld [smem:$0x7EC]  }
0x392: {  	[tilespmem:s14], [sflag:$0x8] =	stream.linear.gather [hbm4b:s16+s14], $0x1200, $0x38;
	[tilespmem:$0x1FC80] =	vst v63  }
0x393: {  	_ = 	snop  }
0x394: {  	[tilespmem:s12], [sflag:$0x9] =	stream.linear.gather [hbm4b:s1+s14], $0x1200, $0x38;
	[tilespmem:$0x1FC80] =	vst v63  }
0x395: {  	_ =	swait.ge [sflag:s22], $0x1200  }
0x396: {  	[sflag:s22] =	ssyncset.done $0x0  }
0x397: {  	[sflag:s22] =	ssyncadd.s32 $0xFFFFEE00  }
0x398: {  	_ =	swait.ge [sflag:s11], $0x1200  }
0x399: {  	[sflag:s11] =	ssyncset.done $0x0  }
0x39a: {  	[sflag:s11] =	ssyncadd.s32 $0xFFFFEE00  }
0x39b: {  	_ =	swait.ge [sflag:s25], $0x1200  }
0x39c: {  	[sflag:s25] =	ssyncset.done $0x0  }
0x39d: {  	s4 =	simm.s32 @p0 $0x3600;
	[sflag:s25] =	ssyncadd.s32 $0xFFFFEE00  }
0x39e: {  	[spmem:s6] =	stream.indirect.scatter.add.f32 @p0 [tilespmem:s4], [sflag:$0x5], $0x1, s9, s5, $0xb8;
	[tilespmem:$0x1FC80] =	vst v63  }
0x39f: {  	s1 =	simm.s32 @p0 $0x4800  }
0x3a0: {  	[spmem:s7] =	stream.indirect.scatter.add.f32 @p0 [tilespmem:s1], [sflag:$0x6], $0x1, s9, s5, $0xb8;
	[tilespmem:$0x1FC80] =	vst v63  }
0x3a1: {  	_ = 	snop  }
0x3a2: {  	[spmem:s28] =	stream.indirect.scatter.add.f32 @!p0 [tilespmem:s10], [sflag:$0x4], $0x1, s23, s8, $0xb8;
	[tilespmem:$0x1FC80] =	vst v63  }
0x3a3: {  	s12 =	smov.u32 s28;
	s28 =	simm.s32 @!p0 $0x3600  }
0x3a4: {  	[spmem:s6] =	stream.indirect.scatter.add.f32 @!p0 [tilespmem:s28], [sflag:$0x5], $0x1, s23, s8, $0xb8;
	[tilespmem:$0x1FC80] =	vst v63  }
0x3a5: {  	s21 =	simm.s32 @!p0 $0x4800  }
0x3a6: {  	[spmem:s7] =	stream.indirect.scatter.add.f32 @!p0 [tilespmem:s21], [sflag:$0x6], $0x1, s23, s8, $0xb8;
	[tilespmem:$0x1FC80] =	vst v63  }
0x3a7: {  	_ =	swait.ge @!p0 [sflag:s26], $0x1200  }
0x3a8: {  	[sflag:s26] =	ssyncset.done @!p0 $0x0  }
0x3a9: {  	[sflag:s26] =	ssyncadd.s32 @!p0 $0xFFFFEE00  }
0x3aa: {  	_ =	swait.ge [sflag:s18], $0x1200  }
0x3ab: {  	[sflag:s18] =	ssyncset.done $0x0  }
0x3ac: {  	[sflag:s18] =	ssyncadd.s32 $0xFFFFEE00  }
0x3ad: {  	_ =	swait.ge [sflag:s17], $0x1200  }
0x3ae: {  	s4 =	sld [smem:$0x7ED]  }
0x3af: {  	[sflag:s17] =	ssyncset.done $0x0  }
0x3b0: {  	s1 =	simm.s32 $0x5A00;
	s16 =	sld [smem:$0x7EE];
	[sflag:s17] =	ssyncadd.s32 $0xFFFFEE00  }
0x3b1: {  	[tilespmem:s1], [sflag:$0xA] =	stream.linear.gather [hbm4b:s4+s14], $0x1200, $0x38;
	[tilespmem:$0x1FC80] =	vst v63  }
0x3b2: {  	s30 =	sld [smem:$0x7EF];
	s1 =	simm.s32 $0x3600  }
0x3b3: {  	[tilespmem:s1], [sflag:$0xB] =	stream.linear.gather [hbm4b:s16+s14], $0x1200, $0x38;
	[tilespmem:$0x1FC80] =	vst v63  }
0x3b4: {  	s1 =	simm.s32 $0x4800  }
0x3b5: {  	[tilespmem:s1], [sflag:$0xC] =	stream.linear.gather [hbm4b:s30+s14], $0x1200, $0x38;
	[tilespmem:$0x1FC80] =	vst v63  }
0x3b6: {  	_ =	swait.ge [sflag:s24], $0x1200  }
0x3b7: {  	[sflag:s24] =	ssyncset.done $0x0  }
0x3b8: {  	[sflag:s24] =	ssyncadd.s32 $0xFFFFEE00  }
0x3b9: {  	_ =	swait.ge [sflag:s20], $0x1200  }
0x3ba: {  	[sflag:s20] =	ssyncset.done $0x0  }
0x3bb: {  	[sflag:s20] =	ssyncadd.s32 $0xFFFFEE00  }
0x3bc: {  	_ =	swait.ge [sflag:s19], $0x1200  }
0x3bd: {  	[sflag:s19] =	ssyncset.done $0x0  }
0x3be: {  	[sflag:s19] =	ssyncadd.s32 $0xFFFFEE00  }
0x3bf: {  	[spmem:s6] =	stream.indirect.scatter.add.f32 @p0 [tilespmem:s13], [sflag:$0x2], $0x1, s29, s5, $0xb8;
	[tilespmem:$0x1FC80] =	vst v63  }
0x3c0: {  	_ = 	snop  }
0x3c1: {  	[spmem:s7] =	stream.indirect.scatter.add.f32 @p0 [tilespmem:s5], [sflag:$0x3], $0x1, s29, s5, $0xb8;
	[tilespmem:$0x1FC80] =	vst v63  }
0x3c2: {  	_ = 	snop  }
0x3c3: {  	[spmem:s12] =	stream.indirect.scatter.add.f32 @!p0 [tilespmem:s10], [sflag:$0x1], $0x1, s3, s8, $0xb8;
	[tilespmem:$0x1FC80] =	vst v63  }
0x3c4: {  	s4 =	simm.s32 @!p0 $0x0  }
0x3c5: {  	[spmem:s6] =	stream.indirect.scatter.add.f32 @!p0 [tilespmem:s4], [sflag:$0x2], $0x1, s3, s8, $0xb8;
	[tilespmem:$0x1FC80] =	vst v63  }
0x3c6: {  	_ = 	snop  }
0x3c7: {  	[spmem:s7] =	stream.indirect.scatter.add.f32 @!p0 [tilespmem:s8], [sflag:$0x3], $0x1, s3, s8, $0xb8;
	[tilespmem:$0x1FC80] =	vst v63  }
0x3c8: {  	_ =	swait.ge @!p0 [sflag:s31], $0x1200  }
0x3c9: {  	[sflag:s31] =	ssyncset.done @!p0 $0x0  }
0x3ca: {  	[sflag:s31] =	ssyncadd.s32 @!p0 $0xFFFFEE00  }
0x3cb: {  	_ =	swait.ge [sflag:s0], $0x1200  }
0x3cc: {  	[sflag:s0] =	ssyncset.done $0x0  }
0x3cd: {  	[sflag:s0] =	ssyncadd.s32 $0xFFFFEE00  }
0x3ce: {  	_ =	swait.ge [sflag:s2], $0x1200  }
0x3cf: {  	s0 =	sld [smem:$0x7F0]  }
0x3d0: {  	[sflag:s2] =	ssyncset.done $0x0  }
0x3d1: {  	s29 =	simm.s32 $0x2400;
	s16 =	sld [smem:$0x7F1];
	[sflag:s2] =	ssyncadd.s32 $0xFFFFEE00  }
0x3d2: {  	[tilespmem:s29], [sflag:$0x7] =	stream.linear.gather [hbm4b:s0+s14], $0x1200, $0x38;
	[tilespmem:$0x1FC80] =	vst v63  }
0x3d3: {  	s13 =	sld [smem:$0x7F2]  }
0x3d4: {  	[tilespmem:s14], [sflag:$0x8] =	stream.linear.gather [hbm4b:s16+s14], $0x1200, $0x38;
	[tilespmem:$0x1FC80] =	vst v63  }
0x3d5: {  	s4 =	simm.s32 $0x1200  }
0x3d6: {  	[tilespmem:s4], [sflag:$0x9] =	stream.linear.gather [hbm4b:s13+s14], $0x1200, $0x38;
	[tilespmem:$0x1FC80] =	vst v63  }
0x3d7: {  	s2 =	sld [smem:$0x7D5];
	_ =	swait.ge [sflag:s22], $0x1200  }
0x3d8: {  	[sflag:s22] =	ssyncset.done $0x0  }
0x3d9: {  	[sflag:s22] =	ssyncadd.s32 $0xFFFFEE00  }
0x3da: {  	_ =	swait.ge [sflag:s11], $0x1200  }
0x3db: {  	[sflag:s11] =	ssyncset.done $0x0  }
0x3dc: {  	[sflag:s11] =	ssyncadd.s32 $0xFFFFEE00  }
0x3dd: {  	_ =	swait.ge [sflag:s25], $0x1200  }
0x3de: {  	[sflag:s25] =	ssyncset.done $0x0  }
0x3df: {  	s0 =	simm.s32 @p0 $0x3600;
	[sflag:s25] =	ssyncadd.s32 $0xFFFFEE00  }
0x3e0: {  	[spmem:s6] =	stream.indirect.scatter.add.f32 @p0 [tilespmem:s0], [sflag:$0x5], $0x1, s9, s5, $0xb8;
	[tilespmem:$0x1FC80] =	vst v63  }
0x3e1: {  	s0 =	simm.s32 @p0 $0x4800  }
0x3e2: {  	[spmem:s7] =	stream.indirect.scatter.add.f32 @p0 [tilespmem:s0], [sflag:$0x6], $0x1, s9, s5, $0xb8;
	[tilespmem:$0x1FC80] =	vst v63  }
0x3e3: {  	_ = 	snop  }
0x3e4: {  	[spmem:s12] =	stream.indirect.scatter.add.f32 @!p0 [tilespmem:s10], [sflag:$0x4], $0x1, s23, s8, $0xb8;
	[tilespmem:$0x1FC80] =	vst v63  }
0x3e5: {  	_ = 	snop  }
0x3e6: {  	[spmem:s6] =	stream.indirect.scatter.add.f32 @!p0 [tilespmem:s28], [sflag:$0x5], $0x1, s23, s8, $0xb8;
	[tilespmem:$0x1FC80] =	vst v63  }
0x3e7: {  	_ = 	snop  }
0x3e8: {  	[spmem:s7] =	stream.indirect.scatter.add.f32 @!p0 [tilespmem:s21], [sflag:$0x6], $0x1, s23, s8, $0xb8;
	[tilespmem:$0x1FC80] =	vst v63  }
0x3e9: {  	_ =	swait.ge @!p0 [sflag:s26], $0x1200  }
0x3ea: {  	[sflag:s26] =	ssyncset.done @!p0 $0x0  }
0x3eb: {  	[sflag:s26] =	ssyncadd.s32 @!p0 $0xFFFFEE00  }
0x3ec: {  	_ =	swait.ge [sflag:s18], $0x1200  }
0x3ed: {  	[sflag:s18] =	ssyncset.done $0x0  }
0x3ee: {  	[sflag:s18] =	ssyncadd.s32 $0xFFFFEE00  }
0x3ef: {  	_ =	swait.ge [sflag:s17], $0x1200  }
0x3f0: {  	s0 =	smov.u32 s12;
	s12 =	sld [smem:$0x7F3]  }
0x3f1: {  	[sflag:s17] =	ssyncset.done $0x0  }
0x3f2: {  	s21 =	simm.s32 $0x5A00;
	s16 =	sld [smem:$0x7F4];
	[sflag:s17] =	ssyncadd.s32 $0xFFFFEE00  }
0x3f3: {  	[tilespmem:s21], [sflag:$0xA] =	stream.linear.gather [hbm4b:s12+s14], $0x1200, $0x38;
	[tilespmem:$0x1FC80] =	vst v63  }
0x3f4: {  	s26 =	simm.s32 $0x3600;
	s30 =	sld [smem:$0x7F5]  }
0x3f5: {  	[tilespmem:s26], [sflag:$0xB] =	stream.linear.gather [hbm4b:s16+s14], $0x1200, $0x38;
	[tilespmem:$0x1FC80] =	vst v63  }
0x3f6: {  	_ = 	snop  }
0x3f7: {  	[tilespmem:s1], [sflag:$0xC] =	stream.linear.gather [hbm4b:s30+s14], $0x1200, $0x38;
	[tilespmem:$0x1FC80] =	vst v63  }
0x3f8: {  	s16 =	sld [smem:$0x7FD];
	_ =	swait.ge [sflag:s24], $0x1200  }
0x3f9: {  	[sflag:s24] =	ssyncset.done $0x0  }
0x3fa: {  	[sflag:s24] =	ssyncadd.s32 $0xFFFFEE00  }
0x3fb: {  	_ =	swait.ge [sflag:s20], $0x1200  }
0x3fc: {  	[sflag:s20] =	ssyncset.done $0x0  }
0x3fd: {  	[sflag:s20] =	ssyncadd.s32 $0xFFFFEE00  }
0x3fe: {  	_ =	swait.ge [sflag:s19], $0x1200  }
0x3ff: {  	[sflag:s19] =	ssyncset.done $0x0  }
0x400: {  	[sflag:s19] =	ssyncadd.s32 $0xFFFFEE00  }
0x401: {  	[spmem:s0] =	stream.indirect.scatter.add.f32 @!p0 [tilespmem:s10], [sflag:$0x1], $0x1, s3, s8, $0xb8;
	[tilespmem:$0x1FC80] =	vst v63  }
0x402: {  	s12 =	simm.s32 $0x1200;
	s3 =	simm.s32 $0x2400  }
0x403: {  	[spmem:s6] =	stream.indirect.scatter.add.f32 [tilespmem:s14], [sflag:$0x2], $0x1, s3, s12, $0xb8;
	[tilespmem:$0x1FC80] =	vst v63  }
0x404: {  	_ = 	snop  }
0x405: {  	[spmem:s7] =	stream.indirect.scatter.add.f32 [tilespmem:s12], [sflag:$0x3], $0x1, s3, s12, $0xb8;
	[tilespmem:$0x1FC80] =	vst v63  }
0x406: {  	_ =	swait.ge [sflag:s22], $0x1200  }
0x407: {  	[sflag:s22] =	ssyncset.done $0x0  }
0x408: {  	[sflag:s22] =	ssyncadd.s32 $0xFFFFEE00  }
0x409: {  	_ =	swait.ge [sflag:s11], $0x1200  }
0x40a: {  	[sflag:s11] =	ssyncset.done $0x0  }
0x40b: {  	[sflag:s11] =	ssyncadd.s32 $0xFFFFEE00  }
0x40c: {  	_ =	swait.ge [sflag:s25], $0x1200  }
0x40d: {  	[sflag:s25] =	ssyncset.done $0x0  }
0x40e: {  	s29 =	simm.s32 @p0 $0x3600;
	[sflag:s25] =	ssyncadd.s32 $0xFFFFEE00  }
0x40f: {  	[spmem:s6] =	stream.indirect.scatter.add.f32 @p0 [tilespmem:s29], [sflag:$0x5], $0x1, s9, s5, $0xb8;
	[tilespmem:$0x1FC80] =	vst v63  }
0x410: {  	s4 =	smov.u32 s0;
	s0 =	simm.s32 @p0 $0x4800  }
0x411: {  	[spmem:s7] =	stream.indirect.scatter.add.f32 @p0 [tilespmem:s0], [sflag:$0x6], $0x1, s9, s5, $0xb8;
	[tilespmem:$0x1FC80] =	vst v63  }
0x412: {  	_ = 	snop  }
0x413: {  	[spmem:s4] =	stream.indirect.scatter.add.f32 @!p0 [tilespmem:s10], [sflag:$0x4], $0x1, s23, s8, $0xb8;
	[tilespmem:$0x1FC80] =	vst v63  }
0x414: {  	s28 =	simm.s32 @!p0 $0x3600  }
0x415: {  	[spmem:s6] =	stream.indirect.scatter.add.f32 @!p0 [tilespmem:s28], [sflag:$0x5], $0x1, s23, s8, $0xb8;
	[tilespmem:$0x1FC80] =	vst v63  }
0x416: {  	s13 =	simm.s32 @!p0 $0x4800  }
0x417: {  	[spmem:s7] =	stream.indirect.scatter.add.f32 @!p0 [tilespmem:s13], [sflag:$0x6], $0x1, s23, s8, $0xb8;
	[tilespmem:$0x1FC80] =	vst v63  }
0x418: {  	_ =	swait.ge @!p0 [sflag:s31], $0x1200  }
0x419: {  	[sflag:s31] =	ssyncset.done @!p0 $0x0  }
0x41a: {  	s0 =	simm.s32 @!p0 $0x2;
	[sflag:s31] =	ssyncadd.s32 @!p0 $0xFFFFEE00  }
0x41b: {  	_ =	swait.ge @!p0 [sflag:s0], $0x1200  }
0x41c: {  	s13 =	sld [smem:$0x7DD]  }
0x41d: {  	[sflag:s0] =	ssyncset.done @!p0 $0x0  }
0x41e: {  	[sflag:s0] =	ssyncadd.s32 @!p0 $0xFFFFEE00  }
0x41f: {  	_ =	swait.ge [sflag:s13], $0x1200  }
0x420: {  	s21 =	sld [smem:$0x7DE]  }
0x421: {  	[sflag:s13] =	ssyncset.done $0x0  }
0x422: {  	[sflag:s13] =	ssyncadd.s32 $0xFFFFEE00  }
0x423: {  	_ =	swait.ge [sflag:s21], $0x1200  }
0x424: {  	[sflag:s21] =	ssyncset.done $0x0  }
0x425: {  	[sflag:s21] =	ssyncadd.s32 $0xFFFFEE00  }
0x426: {  	_ =	swait.ge [sflag:s18], $0x1200  }
0x427: {  	[sflag:s18] =	ssyncset.done $0x0  }
0x428: {  	[sflag:s18] =	ssyncadd.s32 $0xFFFFEE00  }
0x429: {  	_ =	swait.ge [sflag:s17], $0x1200  }
0x42a: {  	[sflag:s17] =	ssyncset.done $0x0  }
0x42b: {  	[sflag:s17] =	ssyncadd.s32 $0xFFFFEE00  }
0x42c: {  	[bflag:$0x0] =	sbarrier.arrive $0xFFFF  }
0x42d: {  	s23 =	sld [smem:$0x7F9]  }
0x42e: {  	s26 =	sld [smem:$0x7DF];
	_ =	sdelay $0x1  }
0x42f: {  	s15 =	simm.s32 $0xD  }
0x430: {  	[hbm:s23], [sflag:s16] =	dma.local [spmem:s26], $0xFF0  }
0x431: {  	_ =	swait.ge [sflag:s15], $0xFF0  }
0x432: {  	s28 =	sld [smem:$0x7E0]  }
0x433: {  	s29 =	sld [smem:$0x7E1]  }
0x434: {  	[sflag:s15] =	ssyncset.done $0x0  }
0x435: {  	[sflag:s15] =	ssyncadd.s32 $0xFFFFF010  }
0x436: {  	[hbm:s28], [sflag:s16] =	dma.local [spmem:s29], $0xFF0  }
0x437: {  	_ =	swait.ge [sflag:s15], $0xFF0  }
0x438: {  	s30 =	sld [smem:$0x7E3]  }
.Ltmp2:
0x439: {  	s31 =	sld [smem:$0x7E4];
	(pc) =	sbr.rel @p3 .LBB2_3-.Ltmp2, $4  }
0x43a: {  	[sflag:s15] =	ssyncset.done $0x0  }
0x43b: {  	[sflag:s15] =	ssyncadd.s32 $0xFFFFF010  }
0x43c: {  	[hbm:s30], [sflag:s16] =	dma.local [spmem:s31], $0xFF0  }
0x43d: {  	_ =	swait.ge [sflag:s15], $0xFF0  }
0x43e: {  	s21 =	sld [smem:$0x7DC]  }
0x43f: {  	s5 =	sld [smem:$0x7D8]  }
0x440: {  	s4 =	simm.s32 $0x2400;
	s10 =	simm.s32 $0x1200;
	s22 =	sld [smem:$0x7D6]  }
0x441: {  	s3 =	simm.s32 $0x5A00;
	s11 =	simm.s32 $0x3600;
	s23 =	sld [smem:$0x7DA]  }
0x442: {  	s12 =	simm.s32 $0x4800;
	s29 =	rddreg [dreg:$0x2];
	s26 =	simm.s32 $0x3  }
0x443: {  	s28 =	simm.s32 $0x2;
	s13 =	simm.s32 $0x6;
	s8 =	simm.s32 $0x5  }
0x444: {  	s17 =	simm.s32 $0x9;
	s18 =	simm.s32 $0x8;
	s19 =	simm.s32 $0x7  }
0x445: {  	s20 =	simm.s32 $0xC;
	s24 =	simm.s32 $0xB;
	s25 =	simm.s32 $0xA  }
.LBB2_5:
0x446: {  	[sflag:s15] =	ssyncset.done @p2 $0x0  }
0x447: {  	s0 =	rddreg [dreg:$0x7];
	[sflag:s15] =	ssyncadd.s32 @p2 $0xFFFFF010  }
0x448: {  	[tilespmem:s4], [sflag:$0x7] =	stream.linear.gather [hbm4b:s0+s14], $0x1200, $0x38;
	[tilespmem:$0x1FC80] =	vst v63  }
0x449: {  	s1 =	rddreg [dreg:$0x8]  }
0x44a: {  	[tilespmem:s14], [sflag:$0x8] =	stream.linear.gather [hbm4b:s1+s14], $0x1200, $0x38;
	[tilespmem:$0x1FC80] =	vst v63  }
0x44b: {  	s31 =	rddreg [dreg:$0x9];
	s2 =	sshrl.u32 s22, $0x3  }
0x44c: {  	[tilespmem:s10], [sflag:$0x9] =	stream.linear.gather [hbm4b:s31+s14], $0x1200, $0x38;
	[tilespmem:$0x1FC80] =	vst v63  }
0x44d: {  	[spmem:s2], [sflag:s16] =	dma.local [hbm:s21], $0xFF0  }
0x44e: {  	_ =	swait.ge [sflag:s15], $0xFF0  }
0x44f: {  	[sflag:s15] =	ssyncset.done $0x0  }
0x450: {  	s4 =	sshrl.u32 s5, $0x3;
	[sflag:s15] =	ssyncadd.s32 $0xFFFFF010  }
0x451: {  	[spmem:s4], [sflag:s16] =	dma.local [hbm:s21], $0xFF0  }
0x452: {  	_ =	swait.ge [sflag:s15], $0xFF0  }
0x453: {  	[sflag:s15] =	ssyncset.done $0x0  }
0x454: {  	s5 =	sshrl.u32 s23, $0x3;
	[sflag:s15] =	ssyncadd.s32 $0xFFFFF010  }
0x455: {  	[spmem:s5], [sflag:s16] =	dma.local [hbm:s21], $0xFF0  }
0x456: {  	_ =	swait.ge [sflag:s15], $0xFF0  }
0x457: {  	s10 =	sld [smem:$0x7F6]  }
0x458: {  	[sflag:s15] =	ssyncset.done $0x0  }
0x459: {  	s9 =	rddreg [dreg:$0x6];
	[sflag:s15] =	ssyncadd.s32 $0xFFFFF010  }
0x45a: {  	[tilespmem:s10], [sflag:$0xD] =	stream.linear.gather [hbm4b:s9+s14], $0x1200, $0x38;
	[tilespmem:$0x1FC80] =	vst v63  }
0x45b: {  	_ =	swait.ge [sflag:s15], $0x1200  }
0x45c: {  	[sflag:s15] =	ssyncset.done $0x0  }
0x45d: {  	[sflag:s15] =	ssyncadd.s32 $0xFFFFEE00  }
0x45e: {  	[bflag:$0x0] =	sbarrier.arrive $0xFFFF  }
0x45f: {  	s16 =	rddreg [dreg:$0xa]  }
0x460: {  	[tilespmem:s3], [sflag:$0xA] =	stream.linear.gather [hbm4b:s16+s14], $0x1200, $0x38;
	[tilespmem:$0x1FC80] =	vst v63  }
0x461: {  	s21 =	rddreg [dreg:$0xb]  }
0x462: {  	[tilespmem:s11], [sflag:$0xB] =	stream.linear.gather [hbm4b:s21+s14], $0x1200, $0x38;
	[tilespmem:$0x1FC80] =	vst v63  }
0x463: {  	s22 =	rddreg [dreg:$0xc]  }
0x464: {  	[tilespmem:s12], [sflag:$0xC] =	stream.linear.gather [hbm4b:s22+s14], $0x1200, $0x38;
	[tilespmem:$0x1FC80] =	vst v63  }
0x465: {  	_ =	swait.ge [sflag:s19], $0x1200  }
0x466: {  	[sflag:s19] =	ssyncset.done $0x0  }
0x467: {  	[sflag:s19] =	ssyncadd.s32 $0xFFFFEE00  }
0x468: {  	_ =	swait.ge [sflag:s18], $0x1200  }
0x469: {  	[sflag:s18] =	ssyncset.done $0x0  }
0x46a: {  	[sflag:s18] =	ssyncadd.s32 $0xFFFFEE00  }
0x46b: {  	_ =	swait.ge [sflag:s17], $0x1200  }
0x46c: {  	s0 =	simm.s32 @p1 $0x0;
	[sflag:s17] =	ssyncset.done $0x0  }
0x46d: {  	s1 =	simm.s32 @p1 $0x1200;
	s2 =	simm.s32 @p1 $0x2400;
	[sflag:s17] =	ssyncadd.s32 $0xFFFFEE00  }
0x46e: {  	[spmem:s6] =	stream.indirect.scatter.add.f32 @p1 [tilespmem:s0], [sflag:$0x2], $0x1, s2, s1, $0xb8;
	[tilespmem:$0x1FC80] =	vst v63  }
0x46f: {  	_ = 	snop  }
0x470: {  	[spmem:s7] =	stream.indirect.scatter.add.f32 @p1 [tilespmem:s1], [sflag:$0x3], $0x1, s2, s1, $0xb8;
	[tilespmem:$0x1FC80] =	vst v63  }
0x471: {  	s4 =	simm.s32 @!p1 $0x2400;
	s10 =	simm.s32 @!p1 $0x6C00;
	s3 =	simm.s32 @!p1 $0x1200  }
0x472: {  	[spmem:s29] =	stream.indirect.scatter.add.f32 @!p1 [tilespmem:s10], [sflag:$0x1], $0x1, s4, s3, $0xb8;
	[tilespmem:$0x1FC80] =	vst v63  }
0x473: {  	s0 =	simm.s32 @!p1 $0x0  }
0x474: {  	[spmem:s6] =	stream.indirect.scatter.add.f32 @!p1 [tilespmem:s0], [sflag:$0x2], $0x1, s4, s3, $0xb8;
	[tilespmem:$0x1FC80] =	vst v63  }
0x475: {  	s11 =	simm.s32 @!p1 $0x1  }
0x476: {  	[spmem:s7] =	stream.indirect.scatter.add.f32 @!p1 [tilespmem:s3], [sflag:$0x3], $0x1, s4, s3, $0xb8;
	[tilespmem:$0x1FC80] =	vst v63  }
0x477: {  	_ =	swait.ge @!p1 [sflag:s11], $0x1200  }
0x478: {  	[sflag:s11] =	ssyncset.done @!p1 $0x0  }
0x479: {  	[sflag:s11] =	ssyncadd.s32 @!p1 $0xFFFFEE00  }
0x47a: {  	_ =	swait.ge [sflag:s28], $0x1200  }
0x47b: {  	[sflag:s28] =	ssyncset.done $0x0  }
0x47c: {  	[sflag:s28] =	ssyncadd.s32 $0xFFFFEE00  }
0x47d: {  	_ =	swait.ge [sflag:s26], $0x1200  }
0x47e: {  	[sflag:s26] =	ssyncset.done $0x0  }
0x47f: {  	s9 =	simm.s32 $0x2400;
	s30 =	rddreg [dreg:$0xd];
	[sflag:s26] =	ssyncadd.s32 $0xFFFFEE00  }
0x480: {  	[tilespmem:s9], [sflag:$0x7] =	stream.linear.gather [hbm4b:s30+s14], $0x1200, $0x38;
	[tilespmem:$0x1FC80] =	vst v63  }
0x481: {  	s31 =	rddreg [dreg:$0xe]  }
0x482: {  	[tilespmem:s14], [sflag:$0x8] =	stream.linear.gather [hbm4b:s31+s14], $0x1200, $0x38;
	[tilespmem:$0x1FC80] =	vst v63  }
0x483: {  	s23 =	simm.s32 $0x1200;
	s9 =	rddreg [dreg:$0xf]  }
0x484: {  	[tilespmem:s23], [sflag:$0x9] =	stream.linear.gather [hbm4b:s9+s14], $0x1200, $0x38;
	[tilespmem:$0x1FC80] =	vst v63  }
0x485: {  	_ =	swait.ge [sflag:s25], $0x1200  }
0x486: {  	[sflag:s25] =	ssyncset.done $0x0  }
0x487: {  	[sflag:s25] =	ssyncadd.s32 $0xFFFFEE00  }
0x488: {  	_ =	swait.ge [sflag:s24], $0x1200  }
0x489: {  	[sflag:s24] =	ssyncset.done $0x0  }
0x48a: {  	[sflag:s24] =	ssyncadd.s32 $0xFFFFEE00  }
0x48b: {  	_ =	swait.ge [sflag:s20], $0x1200  }
0x48c: {  	[sflag:s20] =	ssyncset.done $0x0  }
0x48d: {  	s0 =	simm.s32 @p1 $0x3600;
	s9 =	simm.s32 @p1 $0x5A00;
	[sflag:s20] =	ssyncadd.s32 $0xFFFFEE00  }
0x48e: {  	[spmem:s6] =	stream.indirect.scatter.add.f32 @p1 [tilespmem:s0], [sflag:$0x5], $0x1, s9, s1, $0xb8;
	[tilespmem:$0x1FC80] =	vst v63  }
0x48f: {  	s0 =	simm.s32 @p1 $0x4800  }
0x490: {  	[spmem:s7] =	stream.indirect.scatter.add.f32 @p1 [tilespmem:s0], [sflag:$0x6], $0x1, s9, s1, $0xb8;
	[tilespmem:$0x1FC80] =	vst v63  }
0x491: {  	s21 =	simm.s32 @!p1 $0x5A00  }
0x492: {  	[spmem:s29] =	stream.indirect.scatter.add.f32 @!p1 [tilespmem:s10], [sflag:$0x4], $0x1, s21, s3, $0xb8;
	[tilespmem:$0x1FC80] =	vst v63  }
0x493: {  	s23 =	simm.s32 @!p1 $0x3600  }
0x494: {  	[spmem:s6] =	stream.indirect.scatter.add.f32 @!p1 [tilespmem:s23], [sflag:$0x5], $0x1, s21, s3, $0xb8;
	[tilespmem:$0x1FC80] =	vst v63  }
0x495: {  	s5 =	smov.u32 s29;
	s30 =	simm.s32 @!p1 $0x4800;
	s29 =	simm.s32 @!p1 $0x4  }
0x496: {  	[spmem:s7] =	stream.indirect.scatter.add.f32 @!p1 [tilespmem:s30], [sflag:$0x6], $0x1, s21, s3, $0xb8;
	[tilespmem:$0x1FC80] =	vst v63  }
0x497: {  	_ =	swait.ge @!p1 [sflag:s29], $0x1200  }
0x498: {  	[sflag:s29] =	ssyncset.done @!p1 $0x0  }
0x499: {  	[sflag:s29] =	ssyncadd.s32 @!p1 $0xFFFFEE00  }
0x49a: {  	_ =	swait.ge [sflag:s8], $0x1200  }
0x49b: {  	[sflag:s8] =	ssyncset.done $0x0  }
0x49c: {  	[sflag:s8] =	ssyncadd.s32 $0xFFFFEE00  }
0x49d: {  	_ =	swait.ge [sflag:s13], $0x1200;
	s13 =	simm.s32 $0x6  }
0x49e: {  	[sflag:s13] =	ssyncset.done $0x0  }
0x49f: {  	s16 =	simm.s32 $0x5A00;
	s31 =	rddreg [dreg:$0x10];
	[sflag:s13] =	ssyncadd.s32 $0xFFFFEE00  }
0x4a0: {  	[tilespmem:s16], [sflag:$0xA] =	stream.linear.gather [hbm4b:s31+s14], $0x1200, $0x38;
	[tilespmem:$0x1FC80] =	vst v63  }
0x4a1: {  	s12 =	simm.s32 $0x3600;
	s0 =	rddreg [dreg:$0x11]  }
0x4a2: {  	[tilespmem:s12], [sflag:$0xB] =	stream.linear.gather [hbm4b:s0+s14], $0x1200, $0x38;
	[tilespmem:$0x1FC80] =	vst v63  }
0x4a3: {  	s31 =	rddreg [dreg:$0x12];
	s16 =	simm.s32 $0x4800  }
0x4a4: {  	[tilespmem:s16], [sflag:$0xC] =	stream.linear.gather [hbm4b:s31+s14], $0x1200, $0x38;
	[tilespmem:$0x1FC80] =	vst v63  }
0x4a5: {  	_ =	swait.ge [sflag:s19], $0x1200  }
0x4a6: {  	[sflag:s19] =	ssyncset.done $0x0  }
0x4a7: {  	[sflag:s19] =	ssyncadd.s32 $0xFFFFEE00  }
0x4a8: {  	_ =	swait.ge [sflag:s18], $0x1200  }
0x4a9: {  	[sflag:s18] =	ssyncset.done $0x0  }
0x4aa: {  	[sflag:s18] =	ssyncadd.s32 $0xFFFFEE00  }
0x4ab: {  	_ =	swait.ge [sflag:s17], $0x1200  }
0x4ac: {  	[sflag:s17] =	ssyncset.done $0x0  }
0x4ad: {  	s16 =	simm.s32 @p1 $0x0;
	[sflag:s17] =	ssyncadd.s32 $0xFFFFEE00  }
0x4ae: {  	[spmem:s6] =	stream.indirect.scatter.add.f32 @p1 [tilespmem:s16], [sflag:$0x2], $0x1, s2, s1, $0xb8;
	[tilespmem:$0x1FC80] =	vst v63  }
0x4af: {  	_ = 	snop  }
0x4b0: {  	[spmem:s7] =	stream.indirect.scatter.add.f32 @p1 [tilespmem:s1], [sflag:$0x3], $0x1, s2, s1, $0xb8;
	[tilespmem:$0x1FC80] =	vst v63  }
0x4b1: {  	_ = 	snop  }
0x4b2: {  	[spmem:s5] =	stream.indirect.scatter.add.f32 @!p1 [tilespmem:s10], [sflag:$0x1], $0x1, s4, s3, $0xb8;
	[tilespmem:$0x1FC80] =	vst v63  }
0x4b3: {  	s0 =	simm.s32 @!p1 $0x0  }
0x4b4: {  	[spmem:s6] =	stream.indirect.scatter.add.f32 @!p1 [tilespmem:s0], [sflag:$0x2], $0x1, s4, s3, $0xb8;
	[tilespmem:$0x1FC80] =	vst v63  }
0x4b5: {  	_ = 	snop  }
0x4b6: {  	[spmem:s7] =	stream.indirect.scatter.add.f32 @!p1 [tilespmem:s3], [sflag:$0x3], $0x1, s4, s3, $0xb8;
	[tilespmem:$0x1FC80] =	vst v63  }
0x4b7: {  	_ =	swait.ge @!p1 [sflag:s11], $0x1200  }
0x4b8: {  	[sflag:s11] =	ssyncset.done @!p1 $0x0  }
0x4b9: {  	[sflag:s11] =	ssyncadd.s32 @!p1 $0xFFFFEE00  }
0x4ba: {  	_ =	swait.ge [sflag:s28], $0x1200  }
0x4bb: {  	[sflag:s28] =	ssyncset.done $0x0  }
0x4bc: {  	[sflag:s28] =	ssyncadd.s32 $0xFFFFEE00  }
0x4bd: {  	_ =	swait.ge [sflag:s26], $0x1200  }
0x4be: {  	[sflag:s26] =	ssyncset.done $0x0  }
0x4bf: {  	s12 =	simm.s32 $0x2400;
	s0 =	rddreg [dreg:$0x13];
	[sflag:s26] =	ssyncadd.s32 $0xFFFFEE00  }
0x4c0: {  	[tilespmem:s12], [sflag:$0x7] =	stream.linear.gather [hbm4b:s0+s14], $0x1200, $0x38;
	[tilespmem:$0x1FC80] =	vst v63  }
0x4c1: {  	s31 =	rddreg [dreg:$0x14]  }
0x4c2: {  	[tilespmem:s14], [sflag:$0x8] =	stream.linear.gather [hbm4b:s31+s14], $0x1200, $0x38;
	[tilespmem:$0x1FC80] =	vst v63  }
0x4c3: {  	s0 =	rddreg [dreg:$0x15];
	s31 =	simm.s32 $0x1200  }
0x4c4: {  	[tilespmem:s31], [sflag:$0x9] =	stream.linear.gather [hbm4b:s0+s14], $0x1200, $0x38;
	[tilespmem:$0x1FC80] =	vst v63  }
0x4c5: {  	_ =	swait.ge [sflag:s25], $0x1200  }
0x4c6: {  	[sflag:s25] =	ssyncset.done $0x0  }
0x4c7: {  	[sflag:s25] =	ssyncadd.s32 $0xFFFFEE00  }
0x4c8: {  	_ =	swait.ge [sflag:s24], $0x1200  }
0x4c9: {  	[sflag:s24] =	ssyncset.done $0x0  }
0x4ca: {  	[sflag:s24] =	ssyncadd.s32 $0xFFFFEE00  }
0x4cb: {  	_ =	swait.ge [sflag:s20], $0x1200  }
0x4cc: {  	[sflag:s20] =	ssyncset.done $0x0  }
0x4cd: {  	s0 =	simm.s32 @p1 $0x3600;
	[sflag:s20] =	ssyncadd.s32 $0xFFFFEE00  }
0x4ce: {  	[spmem:s6] =	stream.indirect.scatter.add.f32 @p1 [tilespmem:s0], [sflag:$0x5], $0x1, s9, s1, $0xb8;
	[tilespmem:$0x1FC80] =	vst v63  }
0x4cf: {  	s22 =	simm.s32 @p1 $0x4800  }
0x4d0: {  	[spmem:s7] =	stream.indirect.scatter.add.f32 @p1 [tilespmem:s22], [sflag:$0x6], $0x1, s9, s1, $0xb8;
	[tilespmem:$0x1FC80] =	vst v63  }
0x4d1: {  	_ = 	snop  }
0x4d2: {  	[spmem:s5] =	stream.indirect.scatter.add.f32 @!p1 [tilespmem:s10], [sflag:$0x4], $0x1, s21, s3, $0xb8;
	[tilespmem:$0x1FC80] =	vst v63  }
0x4d3: {  	_ = 	snop  }
0x4d4: {  	[spmem:s6] =	stream.indirect.scatter.add.f32 @!p1 [tilespmem:s23], [sflag:$0x5], $0x1, s21, s3, $0xb8;
	[tilespmem:$0x1FC80] =	vst v63  }
0x4d5: {  	_ = 	snop  }
0x4d6: {  	[spmem:s7] =	stream.indirect.scatter.add.f32 @!p1 [tilespmem:s30], [sflag:$0x6], $0x1, s21, s3, $0xb8;
	[tilespmem:$0x1FC80] =	vst v63  }
0x4d7: {  	_ =	swait.ge @!p1 [sflag:s29], $0x1200  }
0x4d8: {  	[sflag:s29] =	ssyncset.done @!p1 $0x0  }
0x4d9: {  	[sflag:s29] =	ssyncadd.s32 @!p1 $0xFFFFEE00  }
0x4da: {  	_ =	swait.ge [sflag:s8], $0x1200  }
0x4db: {  	[sflag:s8] =	ssyncset.done $0x0  }
0x4dc: {  	[sflag:s8] =	ssyncadd.s32 $0xFFFFEE00  }
0x4dd: {  	_ =	swait.ge [sflag:s13], $0x1200  }
0x4de: {  	[sflag:s13] =	ssyncset.done $0x0  }
0x4df: {  	s22 =	simm.s32 $0x5A00;
	s0 =	rddreg [dreg:$0x16];
	[sflag:s13] =	ssyncadd.s32 $0xFFFFEE00  }
0x4e0: {  	[tilespmem:s22], [sflag:$0xA] =	stream.linear.gather [hbm4b:s0+s14], $0x1200, $0x38;
	[tilespmem:$0x1FC80] =	vst v63  }
0x4e1: {  	s31 =	rddreg [dreg:$0x17];
	s22 =	simm.s32 $0x3600  }
0x4e2: {  	[tilespmem:s22], [sflag:$0xB] =	stream.linear.gather [hbm4b:s31+s14], $0x1200, $0x38;
	[tilespmem:$0x1FC80] =	vst v63  }
0x4e3: {  	s0 =	rddreg [dreg:$0x18];
	s31 =	simm.s32 $0x4800  }
0x4e4: {  	[tilespmem:s31], [sflag:$0xC] =	stream.linear.gather [hbm4b:s0+s14], $0x1200, $0x38;
	[tilespmem:$0x1FC80] =	vst v63  }
0x4e5: {  	_ =	swait.ge [sflag:s19], $0x1200  }
0x4e6: {  	[sflag:s19] =	ssyncset.done $0x0  }
0x4e7: {  	[sflag:s19] =	ssyncadd.s32 $0xFFFFEE00  }
0x4e8: {  	_ =	swait.ge [sflag:s18], $0x1200  }
0x4e9: {  	[sflag:s18] =	ssyncset.done $0x0  }
0x4ea: {  	[sflag:s18] =	ssyncadd.s32 $0xFFFFEE00  }
0x4eb: {  	_ =	swait.ge [sflag:s17], $0x1200  }
0x4ec: {  	[sflag:s17] =	ssyncset.done $0x0  }
0x4ed: {  	[sflag:s17] =	ssyncadd.s32 $0xFFFFEE00  }
0x4ee: {  	[spmem:s6] =	stream.indirect.scatter.add.f32 @p1 [tilespmem:s16], [sflag:$0x2], $0x1, s2, s1, $0xb8;
	[tilespmem:$0x1FC80] =	vst v63  }
0x4ef: {  	_ = 	snop  }
0x4f0: {  	[spmem:s7] =	stream.indirect.scatter.add.f32 @p1 [tilespmem:s1], [sflag:$0x3], $0x1, s2, s1, $0xb8;
	[tilespmem:$0x1FC80] =	vst v63  }
0x4f1: {  	_ = 	snop  }
0x4f2: {  	[spmem:s5] =	stream.indirect.scatter.add.f32 @!p1 [tilespmem:s10], [sflag:$0x1], $0x1, s4, s3, $0xb8;
	[tilespmem:$0x1FC80] =	vst v63  }
0x4f3: {  	s0 =	simm.s32 @!p1 $0x0  }
0x4f4: {  	[spmem:s6] =	stream.indirect.scatter.add.f32 @!p1 [tilespmem:s0], [sflag:$0x2], $0x1, s4, s3, $0xb8;
	[tilespmem:$0x1FC80] =	vst v63  }
0x4f5: {  	_ = 	snop  }
0x4f6: {  	[spmem:s7] =	stream.indirect.scatter.add.f32 @!p1 [tilespmem:s3], [sflag:$0x3], $0x1, s4, s3, $0xb8;
	[tilespmem:$0x1FC80] =	vst v63  }
0x4f7: {  	_ =	swait.ge @!p1 [sflag:s11], $0x1200  }
0x4f8: {  	[sflag:s11] =	ssyncset.done @!p1 $0x0  }
0x4f9: {  	[sflag:s11] =	ssyncadd.s32 @!p1 $0xFFFFEE00  }
0x4fa: {  	_ =	swait.ge [sflag:s28], $0x1200  }
0x4fb: {  	[sflag:s28] =	ssyncset.done $0x0  }
0x4fc: {  	[sflag:s28] =	ssyncadd.s32 $0xFFFFEE00  }
0x4fd: {  	_ =	swait.ge [sflag:s26], $0x1200  }
0x4fe: {  	[sflag:s26] =	ssyncset.done $0x0  }
0x4ff: {  	s22 =	rddreg [dreg:$0x19];
	[sflag:s26] =	ssyncadd.s32 $0xFFFFEE00  }
0x500: {  	[tilespmem:s12], [sflag:$0x7] =	stream.linear.gather [hbm4b:s22+s14], $0x1200, $0x38;
	[tilespmem:$0x1FC80] =	vst v63  }
0x501: {  	s31 =	rddreg [dreg:$0x1a]  }
0x502: {  	[tilespmem:s14], [sflag:$0x8] =	stream.linear.gather [hbm4b:s31+s14], $0x1200, $0x38;
	[tilespmem:$0x1FC80] =	vst v63  }
0x503: {  	s22 =	rddreg [dreg:$0x1b];
	s31 =	simm.s32 $0x1200  }
0x504: {  	[tilespmem:s31], [sflag:$0x9] =	stream.linear.gather [hbm4b:s22+s14], $0x1200, $0x38;
	[tilespmem:$0x1FC80] =	vst v63  }
0x505: {  	_ =	swait.ge [sflag:s25], $0x1200  }
0x506: {  	[sflag:s25] =	ssyncset.done $0x0  }
0x507: {  	[sflag:s25] =	ssyncadd.s32 $0xFFFFEE00  }
0x508: {  	_ =	swait.ge [sflag:s24], $0x1200  }
0x509: {  	[sflag:s24] =	ssyncset.done $0x0  }
0x50a: {  	[sflag:s24] =	ssyncadd.s32 $0xFFFFEE00  }
0x50b: {  	_ =	swait.ge [sflag:s20], $0x1200  }
0x50c: {  	[sflag:s20] =	ssyncset.done $0x0  }
0x50d: {  	s0 =	simm.s32 @p1 $0x3600;
	[sflag:s20] =	ssyncadd.s32 $0xFFFFEE00  }
0x50e: {  	[spmem:s6] =	stream.indirect.scatter.add.f32 @p1 [tilespmem:s0], [sflag:$0x5], $0x1, s9, s1, $0xb8;
	[tilespmem:$0x1FC80] =	vst v63  }
0x50f: {  	s0 =	simm.s32 @p1 $0x4800  }
0x510: {  	[spmem:s7] =	stream.indirect.scatter.add.f32 @p1 [tilespmem:s0], [sflag:$0x6], $0x1, s9, s1, $0xb8;
	[tilespmem:$0x1FC80] =	vst v63  }
0x511: {  	_ = 	snop  }
0x512: {  	[spmem:s5] =	stream.indirect.scatter.add.f32 @!p1 [tilespmem:s10], [sflag:$0x4], $0x1, s21, s3, $0xb8;
	[tilespmem:$0x1FC80] =	vst v63  }
0x513: {  	_ = 	snop  }
0x514: {  	[spmem:s6] =	stream.indirect.scatter.add.f32 @!p1 [tilespmem:s23], [sflag:$0x5], $0x1, s21, s3, $0xb8;
	[tilespmem:$0x1FC80] =	vst v63  }
0x515: {  	_ = 	snop  }
0x516: {  	[spmem:s7] =	stream.indirect.scatter.add.f32 @!p1 [tilespmem:s30], [sflag:$0x6], $0x1, s21, s3, $0xb8;
	[tilespmem:$0x1FC80] =	vst v63  }
0x517: {  	_ =	swait.ge @!p1 [sflag:s29], $0x1200  }
0x518: {  	[sflag:s29] =	ssyncset.done @!p1 $0x0  }
0x519: {  	[sflag:s29] =	ssyncadd.s32 @!p1 $0xFFFFEE00  }
0x51a: {  	_ =	swait.ge [sflag:s8], $0x1200  }
0x51b: {  	[sflag:s8] =	ssyncset.done $0x0  }
0x51c: {  	[sflag:s8] =	ssyncadd.s32 $0xFFFFEE00  }
0x51d: {  	_ =	swait.ge [sflag:s13], $0x1200  }
0x51e: {  	[sflag:s13] =	ssyncset.done $0x0  }
0x51f: {  	s23 =	simm.s32 $0x5A00;
	s9 =	rddreg [dreg:$0x1c];
	[sflag:s13] =	ssyncadd.s32 $0xFFFFEE00  }
0x520: {  	[tilespmem:s23], [sflag:$0xA] =	stream.linear.gather [hbm4b:s9+s14], $0x1200, $0x38;
	[tilespmem:$0x1FC80] =	vst v63  }
0x521: {  	s30 =	simm.s32 $0x3600;
	s21 =	rddreg [dreg:$0x1d]  }
0x522: {  	[tilespmem:s30], [sflag:$0xB] =	stream.linear.gather [hbm4b:s21+s14], $0x1200, $0x38;
	[tilespmem:$0x1FC80] =	vst v63  }
0x523: {  	s29 =	simm.s32 $0x4800;
	s22 =	rddreg [dreg:$0x1e]  }
0x524: {  	[tilespmem:s29], [sflag:$0xC] =	stream.linear.gather [hbm4b:s22+s14], $0x1200, $0x38;
	[tilespmem:$0x1FC80] =	vst v63  }
0x525: {  	_ =	swait.ge [sflag:s19], $0x1200  }
0x526: {  	[sflag:s19] =	ssyncset.done $0x0  }
0x527: {  	[sflag:s19] =	ssyncadd.s32 $0xFFFFEE00  }
0x528: {  	_ =	swait.ge [sflag:s18], $0x1200  }
0x529: {  	[sflag:s18] =	ssyncset.done $0x0  }
0x52a: {  	[sflag:s18] =	ssyncadd.s32 $0xFFFFEE00  }
0x52b: {  	_ =	swait.ge [sflag:s17], $0x1200  }
0x52c: {  	[sflag:s17] =	ssyncset.done $0x0  }
0x52d: {  	s16 =	simm.s32 @p1 $0x0;
	[sflag:s17] =	ssyncadd.s32 $0xFFFFEE00  }
0x52e: {  	[spmem:s6] =	stream.indirect.scatter.add.f32 @p1 [tilespmem:s16], [sflag:$0x2], $0x1, s2, s1, $0xb8;
	[tilespmem:$0x1FC80] =	vst v63  }
0x52f: {  	_ = 	snop  }
0x530: {  	[spmem:s7] =	stream.indirect.scatter.add.f32 @p1 [tilespmem:s1], [sflag:$0x3], $0x1, s2, s1, $0xb8;
	[tilespmem:$0x1FC80] =	vst v63  }
0x531: {  	_ = 	snop  }
0x532: {  	[spmem:s5] =	stream.indirect.scatter.add.f32 @!p1 [tilespmem:s10], [sflag:$0x1], $0x1, s4, s3, $0xb8;
	[tilespmem:$0x1FC80] =	vst v63  }
0x533: {  	s0 =	simm.s32 @!p1 $0x0  }
0x534: {  	[spmem:s6] =	stream.indirect.scatter.add.f32 @!p1 [tilespmem:s0], [sflag:$0x2], $0x1, s4, s3, $0xb8;
	[tilespmem:$0x1FC80] =	vst v63  }
0x535: {  	_ = 	snop  }
0x536: {  	[spmem:s7] =	stream.indirect.scatter.add.f32 @!p1 [tilespmem:s3], [sflag:$0x3], $0x1, s4, s3, $0xb8;
	[tilespmem:$0x1FC80] =	vst v63  }
0x537: {  	_ =	swait.ge @!p1 [sflag:s11], $0x1200  }
0x538: {  	[sflag:s11] =	ssyncset.done @!p1 $0x0  }
0x539: {  	[sflag:s11] =	ssyncadd.s32 @!p1 $0xFFFFEE00  }
0x53a: {  	_ =	swait.ge [sflag:s28], $0x1200  }
0x53b: {  	[sflag:s28] =	ssyncset.done $0x0  }
0x53c: {  	[sflag:s28] =	ssyncadd.s32 $0xFFFFEE00  }
0x53d: {  	_ =	swait.ge [sflag:s26], $0x1200  }
0x53e: {  	s11 =	rddreg [dreg:$0x1f];
	[sflag:s26] =	ssyncset.done $0x0  }
0x53f: {  	s12 =	simm.s32 $0x2400;
	s16 =	sld [smem:$0x7E5];
	[sflag:s26] =	ssyncadd.s32 $0xFFFFEE00  }
0x540: {  	[tilespmem:s12], [sflag:$0x7] =	stream.linear.gather [hbm4b:s11+s14], $0x1200, $0x38;
	[tilespmem:$0x1FC80] =	vst v63  }
0x541: {  	s21 =	sld [smem:$0x7E6]  }
0x542: {  	[tilespmem:s14], [sflag:$0x8] =	stream.linear.gather [hbm4b:s16+s14], $0x1200, $0x38;
	[tilespmem:$0x1FC80] =	vst v63  }
0x543: {  	_ = 	snop  }
0x544: {  	[tilespmem:s31], [sflag:$0x9] =	stream.linear.gather [hbm4b:s21+s14], $0x1200, $0x38;
	[tilespmem:$0x1FC80] =	vst v63  }
0x545: {  	_ =	swait.ge [sflag:s25], $0x1200  }
0x546: {  	[sflag:s25] =	ssyncset.done $0x0  }
0x547: {  	[sflag:s25] =	ssyncadd.s32 $0xFFFFEE00  }
0x548: {  	_ =	swait.ge [sflag:s24], $0x1200  }
0x549: {  	[sflag:s24] =	ssyncset.done $0x0  }
0x54a: {  	[sflag:s24] =	ssyncadd.s32 $0xFFFFEE00  }
0x54b: {  	_ =	swait.ge [sflag:s20], $0x1200  }
0x54c: {  	s2 =	simm.s32 @p0 $0x1200;
	[sflag:s20] =	ssyncset.done $0x0  }
0x54d: {  	s0 =	simm.s32 @p0 $0x3600;
	s3 =	simm.s32 @p0 $0x5A00;
	[sflag:s20] =	ssyncadd.s32 $0xFFFFEE00  }
0x54e: {  	[spmem:s6] =	stream.indirect.scatter.add.f32 @p0 [tilespmem:s0], [sflag:$0x5], $0x1, s3, s2, $0xb8;
	[tilespmem:$0x1FC80] =	vst v63  }
0x54f: {  	s0 =	simm.s32 @p0 $0x4800  }
0x550: {  	[spmem:s7] =	stream.indirect.scatter.add.f32 @p0 [tilespmem:s0], [sflag:$0x6], $0x1, s3, s2, $0xb8;
	[tilespmem:$0x1FC80] =	vst v63  }
0x551: {  	s4 =	simm.s32 @!p0 $0x1200;
	s11 =	simm.s32 @!p0 $0x5A00;
	s12 =	simm.s32 @!p0 $0x6C00  }
0x552: {  	[spmem:s5] =	stream.indirect.scatter.add.f32 @!p0 [tilespmem:s12], [sflag:$0x4], $0x1, s11, s4, $0xb8;
	[tilespmem:$0x1FC80] =	vst v63  }
0x553: {  	s9 =	simm.s32 @!p0 $0x3600  }
0x554: {  	[spmem:s6] =	stream.indirect.scatter.add.f32 @!p0 [tilespmem:s9], [sflag:$0x5], $0x1, s11, s4, $0xb8;
	[tilespmem:$0x1FC80] =	vst v63  }
0x555: {  	s16 =	simm.s32 @!p0 $0x4800;
	s0 =	simm.s32 @!p0 $0x4  }
0x556: {  	[spmem:s7] =	stream.indirect.scatter.add.f32 @!p0 [tilespmem:s16], [sflag:$0x6], $0x1, s11, s4, $0xb8;
	[tilespmem:$0x1FC80] =	vst v63  }
0x557: {  	_ =	swait.ge @!p0 [sflag:s0], $0x1200  }
0x558: {  	[sflag:s0] =	ssyncset.done @!p0 $0x0  }
0x559: {  	[sflag:s0] =	ssyncadd.s32 @!p0 $0xFFFFEE00  }
0x55a: {  	_ =	swait.ge [sflag:s8], $0x1200  }
0x55b: {  	[sflag:s8] =	ssyncset.done $0x0  }
0x55c: {  	[sflag:s8] =	ssyncadd.s32 $0xFFFFEE00  }
0x55d: {  	_ =	swait.ge [sflag:s13], $0x1200  }
0x55e: {  	s22 =	sld [smem:$0x7E7]  }
0x55f: {  	[sflag:s13] =	ssyncset.done $0x0  }
0x560: {  	s31 =	sld [smem:$0x7E8];
	[sflag:s13] =	ssyncadd.s32 $0xFFFFEE00  }
0x561: {  	[tilespmem:s23], [sflag:$0xA] =	stream.linear.gather [hbm4b:s22+s14], $0x1200, $0x38;
	[tilespmem:$0x1FC80] =	vst v63  }
0x562: {  	s1 =	sld [smem:$0x7E9]  }
0x563: {  	[tilespmem:s30], [sflag:$0xB] =	stream.linear.gather [hbm4b:s31+s14], $0x1200, $0x38;
	[tilespmem:$0x1FC80] =	vst v63  }
0x564: {  	_ = 	snop  }
0x565: {  	[tilespmem:s29], [sflag:$0xC] =	stream.linear.gather [hbm4b:s1+s14], $0x1200, $0x38;
	[tilespmem:$0x1FC80] =	vst v63  }
0x566: {  	_ =	swait.ge [sflag:s19], $0x1200  }
0x567: {  	[sflag:s19] =	ssyncset.done $0x0  }
0x568: {  	[sflag:s19] =	ssyncadd.s32 $0xFFFFEE00  }
0x569: {  	_ =	swait.ge [sflag:s18], $0x1200  }
0x56a: {  	[sflag:s18] =	ssyncset.done $0x0  }
0x56b: {  	[sflag:s18] =	ssyncadd.s32 $0xFFFFEE00  }
0x56c: {  	_ =	swait.ge [sflag:s17], $0x1200  }
0x56d: {  	[sflag:s17] =	ssyncset.done $0x0  }
0x56e: {  	s23 =	simm.s32 @p0 $0x2400;
	s29 =	simm.s32 @p0 $0x0;
	[sflag:s17] =	ssyncadd.s32 $0xFFFFEE00  }
0x56f: {  	[spmem:s6] =	stream.indirect.scatter.add.f32 @p0 [tilespmem:s29], [sflag:$0x2], $0x1, s23, s2, $0xb8;
	[tilespmem:$0x1FC80] =	vst v63  }
0x570: {  	_ = 	snop  }
0x571: {  	[spmem:s7] =	stream.indirect.scatter.add.f32 @p0 [tilespmem:s2], [sflag:$0x3], $0x1, s23, s2, $0xb8;
	[tilespmem:$0x1FC80] =	vst v63  }
0x572: {  	s22 =	simm.s32 @!p0 $0x2400  }
0x573: {  	[spmem:s5] =	stream.indirect.scatter.add.f32 @!p0 [tilespmem:s12], [sflag:$0x1], $0x1, s22, s4, $0xb8;
	[tilespmem:$0x1FC80] =	vst v63  }
0x574: {  	s30 =	simm.s32 @!p0 $0x0  }
0x575: {  	[spmem:s6] =	stream.indirect.scatter.add.f32 @!p0 [tilespmem:s30], [sflag:$0x2], $0x1, s22, s4, $0xb8;
	[tilespmem:$0x1FC80] =	vst v63  }
0x576: {  	s21 =	simm.s32 @!p0 $0x1  }
0x577: {  	[spmem:s7] =	stream.indirect.scatter.add.f32 @!p0 [tilespmem:s4], [sflag:$0x3], $0x1, s22, s4, $0xb8;
	[tilespmem:$0x1FC80] =	vst v63  }
0x578: {  	_ =	swait.ge @!p0 [sflag:s21], $0x1200  }
0x579: {  	[sflag:s21] =	ssyncset.done @!p0 $0x0  }
0x57a: {  	[sflag:s21] =	ssyncadd.s32 @!p0 $0xFFFFEE00  }
0x57b: {  	_ =	swait.ge [sflag:s28], $0x1200  }
0x57c: {  	[sflag:s28] =	ssyncset.done $0x0  }
0x57d: {  	[sflag:s28] =	ssyncadd.s32 $0xFFFFEE00  }
0x57e: {  	_ =	swait.ge [sflag:s26], $0x1200  }
0x57f: {  	s31 =	sld [smem:$0x7EA]  }
0x580: {  	[sflag:s26] =	ssyncset.done $0x0  }
0x581: {  	s10 =	simm.s32 $0x2400;
	s1 =	sld [smem:$0x7EB];
	[sflag:s26] =	ssyncadd.s32 $0xFFFFEE00  }
0x582: {  	[tilespmem:s10], [sflag:$0x7] =	stream.linear.gather [hbm4b:s31+s14], $0x1200, $0x38;
	[tilespmem:$0x1FC80] =	vst v63  }
0x583: {  	s31 =	sld [smem:$0x7EC]  }
0x584: {  	[tilespmem:s14], [sflag:$0x8] =	stream.linear.gather [hbm4b:s1+s14], $0x1200, $0x38;
	[tilespmem:$0x1FC80] =	vst v63  }
0x585: {  	s10 =	simm.s32 $0x1200  }
0x586: {  	[tilespmem:s10], [sflag:$0x9] =	stream.linear.gather [hbm4b:s31+s14], $0x1200, $0x38;
	[tilespmem:$0x1FC80] =	vst v63  }
0x587: {  	_ =	swait.ge [sflag:s25], $0x1200  }
0x588: {  	[sflag:s25] =	ssyncset.done $0x0  }
0x589: {  	[sflag:s25] =	ssyncadd.s32 $0xFFFFEE00  }
0x58a: {  	_ =	swait.ge [sflag:s24], $0x1200  }
0x58b: {  	[sflag:s24] =	ssyncset.done $0x0  }
0x58c: {  	[sflag:s24] =	ssyncadd.s32 $0xFFFFEE00  }
0x58d: {  	_ =	swait.ge [sflag:s20], $0x1200  }
0x58e: {  	[sflag:s20] =	ssyncset.done $0x0  }
0x58f: {  	s1 =	simm.s32 @p0 $0x3600;
	[sflag:s20] =	ssyncadd.s32 $0xFFFFEE00  }
0x590: {  	[spmem:s6] =	stream.indirect.scatter.add.f32 @p0 [tilespmem:s1], [sflag:$0x5], $0x1, s3, s2, $0xb8;
	[tilespmem:$0x1FC80] =	vst v63  }
0x591: {  	s1 =	simm.s32 @p0 $0x4800  }
0x592: {  	[spmem:s7] =	stream.indirect.scatter.add.f32 @p0 [tilespmem:s1], [sflag:$0x6], $0x1, s3, s2, $0xb8;
	[tilespmem:$0x1FC80] =	vst v63  }
0x593: {  	_ = 	snop  }
0x594: {  	[spmem:s5] =	stream.indirect.scatter.add.f32 @!p0 [tilespmem:s12], [sflag:$0x4], $0x1, s11, s4, $0xb8;
	[tilespmem:$0x1FC80] =	vst v63  }
0x595: {  	_ = 	snop  }
0x596: {  	[spmem:s6] =	stream.indirect.scatter.add.f32 @!p0 [tilespmem:s9], [sflag:$0x5], $0x1, s11, s4, $0xb8;
	[tilespmem:$0x1FC80] =	vst v63  }
0x597: {  	_ = 	snop  }
0x598: {  	[spmem:s7] =	stream.indirect.scatter.add.f32 @!p0 [tilespmem:s16], [sflag:$0x6], $0x1, s11, s4, $0xb8;
	[tilespmem:$0x1FC80] =	vst v63  }
0x599: {  	_ =	swait.ge @!p0 [sflag:s0], $0x1200  }
0x59a: {  	[sflag:s0] =	ssyncset.done @!p0 $0x0  }
0x59b: {  	[sflag:s0] =	ssyncadd.s32 @!p0 $0xFFFFEE00  }
0x59c: {  	_ =	swait.ge [sflag:s8], $0x1200  }
0x59d: {  	[sflag:s8] =	ssyncset.done $0x0  }
0x59e: {  	[sflag:s8] =	ssyncadd.s32 $0xFFFFEE00  }
0x59f: {  	_ =	swait.ge [sflag:s13], $0x1200  }
0x5a0: {  	s1 =	sld [smem:$0x7ED]  }
0x5a1: {  	[sflag:s13] =	ssyncset.done $0x0  }
0x5a2: {  	s10 =	simm.s32 $0x5A00;
	s31 =	sld [smem:$0x7EE];
	[sflag:s13] =	ssyncadd.s32 $0xFFFFEE00  }
0x5a3: {  	[tilespmem:s10], [sflag:$0xA] =	stream.linear.gather [hbm4b:s1+s14], $0x1200, $0x38;
	[tilespmem:$0x1FC80] =	vst v63  }
0x5a4: {  	s1 =	sld [smem:$0x7EF];
	s10 =	simm.s32 $0x3600  }
0x5a5: {  	[tilespmem:s10], [sflag:$0xB] =	stream.linear.gather [hbm4b:s31+s14], $0x1200, $0x38;
	[tilespmem:$0x1FC80] =	vst v63  }
0x5a6: {  	s31 =	simm.s32 $0x4800  }
0x5a7: {  	[tilespmem:s31], [sflag:$0xC] =	stream.linear.gather [hbm4b:s1+s14], $0x1200, $0x38;
	[tilespmem:$0x1FC80] =	vst v63  }
0x5a8: {  	_ =	swait.ge [sflag:s19], $0x1200  }
0x5a9: {  	[sflag:s19] =	ssyncset.done $0x0  }
0x5aa: {  	[sflag:s19] =	ssyncadd.s32 $0xFFFFEE00  }
0x5ab: {  	_ =	swait.ge [sflag:s18], $0x1200  }
0x5ac: {  	[sflag:s18] =	ssyncset.done $0x0  }
0x5ad: {  	[sflag:s18] =	ssyncadd.s32 $0xFFFFEE00  }
0x5ae: {  	_ =	swait.ge [sflag:s17], $0x1200  }
0x5af: {  	[sflag:s17] =	ssyncset.done $0x0  }
0x5b0: {  	[sflag:s17] =	ssyncadd.s32 $0xFFFFEE00  }
0x5b1: {  	[spmem:s6] =	stream.indirect.scatter.add.f32 @p0 [tilespmem:s29], [sflag:$0x2], $0x1, s23, s2, $0xb8;
	[tilespmem:$0x1FC80] =	vst v63  }
0x5b2: {  	_ = 	snop  }
0x5b3: {  	[spmem:s7] =	stream.indirect.scatter.add.f32 @p0 [tilespmem:s2], [sflag:$0x3], $0x1, s23, s2, $0xb8;
	[tilespmem:$0x1FC80] =	vst v63  }
0x5b4: {  	_ = 	snop  }
0x5b5: {  	[spmem:s5] =	stream.indirect.scatter.add.f32 @!p0 [tilespmem:s12], [sflag:$0x1], $0x1, s22, s4, $0xb8;
	[tilespmem:$0x1FC80] =	vst v63  }
0x5b6: {  	_ = 	snop  }
0x5b7: {  	[spmem:s6] =	stream.indirect.scatter.add.f32 @!p0 [tilespmem:s30], [sflag:$0x2], $0x1, s22, s4, $0xb8;
	[tilespmem:$0x1FC80] =	vst v63  }
0x5b8: {  	_ = 	snop  }
0x5b9: {  	[spmem:s7] =	stream.indirect.scatter.add.f32 @!p0 [tilespmem:s4], [sflag:$0x3], $0x1, s22, s4, $0xb8;
	[tilespmem:$0x1FC80] =	vst v63  }
0x5ba: {  	_ =	swait.ge @!p0 [sflag:s21], $0x1200  }
0x5bb: {  	[sflag:s21] =	ssyncset.done @!p0 $0x0  }
0x5bc: {  	[sflag:s21] =	ssyncadd.s32 @!p0 $0xFFFFEE00  }
0x5bd: {  	_ =	swait.ge [sflag:s28], $0x1200  }
0x5be: {  	[sflag:s28] =	ssyncset.done $0x0  }
0x5bf: {  	[sflag:s28] =	ssyncadd.s32 $0xFFFFEE00  }
0x5c0: {  	_ =	swait.ge [sflag:s26], $0x1200  }
0x5c1: {  	s28 =	sld [smem:$0x7F0]  }
0x5c2: {  	[sflag:s26] =	ssyncset.done $0x0  }
0x5c3: {  	s30 =	simm.s32 $0x2400;
	s29 =	sld [smem:$0x7F1];
	[sflag:s26] =	ssyncadd.s32 $0xFFFFEE00  }
0x5c4: {  	[tilespmem:s30], [sflag:$0x7] =	stream.linear.gather [hbm4b:s28+s14], $0x1200, $0x38;
	[tilespmem:$0x1FC80] =	vst v63  }
0x5c5: {  	s26 =	sld [smem:$0x7F2]  }
0x5c6: {  	[tilespmem:s14], [sflag:$0x8] =	stream.linear.gather [hbm4b:s29+s14], $0x1200, $0x38;
	[tilespmem:$0x1FC80] =	vst v63  }
0x5c7: {  	s28 =	simm.s32 $0x1200  }
0x5c8: {  	[tilespmem:s28], [sflag:$0x9] =	stream.linear.gather [hbm4b:s26+s14], $0x1200, $0x38;
	[tilespmem:$0x1FC80] =	vst v63  }
0x5c9: {  	_ =	swait.ge [sflag:s25], $0x1200  }
0x5ca: {  	[sflag:s25] =	ssyncset.done $0x0  }
0x5cb: {  	[sflag:s25] =	ssyncadd.s32 $0xFFFFEE00  }
0x5cc: {  	_ =	swait.ge [sflag:s24], $0x1200  }
0x5cd: {  	[sflag:s24] =	ssyncset.done $0x0  }
0x5ce: {  	[sflag:s24] =	ssyncadd.s32 $0xFFFFEE00  }
0x5cf: {  	_ =	swait.ge [sflag:s20], $0x1200  }
0x5d0: {  	[sflag:s20] =	ssyncset.done $0x0  }
0x5d1: {  	s26 =	simm.s32 @p0 $0x3600;
	[sflag:s20] =	ssyncadd.s32 $0xFFFFEE00  }
0x5d2: {  	[spmem:s6] =	stream.indirect.scatter.add.f32 @p0 [tilespmem:s26], [sflag:$0x5], $0x1, s3, s2, $0xb8;
	[tilespmem:$0x1FC80] =	vst v63  }
0x5d3: {  	s10 =	simm.s32 @p0 $0x4800  }
0x5d4: {  	[spmem:s7] =	stream.indirect.scatter.add.f32 @p0 [tilespmem:s10], [sflag:$0x6], $0x1, s3, s2, $0xb8;
	[tilespmem:$0x1FC80] =	vst v63  }
0x5d5: {  	_ = 	snop  }
0x5d6: {  	[spmem:s5] =	stream.indirect.scatter.add.f32 @!p0 [tilespmem:s12], [sflag:$0x4], $0x1, s11, s4, $0xb8;
	[tilespmem:$0x1FC80] =	vst v63  }
0x5d7: {  	_ = 	snop  }
0x5d8: {  	[spmem:s6] =	stream.indirect.scatter.add.f32 @!p0 [tilespmem:s9], [sflag:$0x5], $0x1, s11, s4, $0xb8;
	[tilespmem:$0x1FC80] =	vst v63  }
0x5d9: {  	_ = 	snop  }
0x5da: {  	[spmem:s7] =	stream.indirect.scatter.add.f32 @!p0 [tilespmem:s16], [sflag:$0x6], $0x1, s11, s4, $0xb8;
	[tilespmem:$0x1FC80] =	vst v63  }
0x5db: {  	_ =	swait.ge @!p0 [sflag:s0], $0x1200  }
0x5dc: {  	[sflag:s0] =	ssyncset.done @!p0 $0x0  }
0x5dd: {  	[sflag:s0] =	ssyncadd.s32 @!p0 $0xFFFFEE00  }
0x5de: {  	_ =	swait.ge [sflag:s8], $0x1200  }
0x5df: {  	[sflag:s8] =	ssyncset.done $0x0  }
0x5e0: {  	[sflag:s8] =	ssyncadd.s32 $0xFFFFEE00  }
0x5e1: {  	_ =	swait.ge [sflag:s13], $0x1200  }
0x5e2: {  	s29 =	sld [smem:$0x7F3]  }
0x5e3: {  	[sflag:s13] =	ssyncset.done $0x0  }
0x5e4: {  	s30 =	simm.s32 $0x5A00;
	s23 =	sld [smem:$0x7F4];
	[sflag:s13] =	ssyncadd.s32 $0xFFFFEE00  }
0x5e5: {  	[tilespmem:s30], [sflag:$0xA] =	stream.linear.gather [hbm4b:s29+s14], $0x1200, $0x38;
	[tilespmem:$0x1FC80] =	vst v63  }
0x5e6: {  	s29 =	sld [smem:$0x7F5];
	s30 =	simm.s32 $0x3600  }
0x5e7: {  	[tilespmem:s30], [sflag:$0xB] =	stream.linear.gather [hbm4b:s23+s14], $0x1200, $0x38;
	[tilespmem:$0x1FC80] =	vst v63  }
0x5e8: {  	_ = 	snop  }
0x5e9: {  	[tilespmem:s31], [sflag:$0xC] =	stream.linear.gather [hbm4b:s29+s14], $0x1200, $0x38;
	[tilespmem:$0x1FC80] =	vst v63  }
0x5ea: {  	_ =	swait.ge [sflag:s19], $0x1200  }
0x5eb: {  	[sflag:s19] =	ssyncset.done $0x0  }
0x5ec: {  	[sflag:s19] =	ssyncadd.s32 $0xFFFFEE00  }
0x5ed: {  	_ =	swait.ge [sflag:s18], $0x1200  }
0x5ee: {  	[sflag:s18] =	ssyncset.done $0x0  }
0x5ef: {  	[sflag:s18] =	ssyncadd.s32 $0xFFFFEE00  }
0x5f0: {  	_ =	swait.ge [sflag:s17], $0x1200  }
0x5f1: {  	[sflag:s17] =	ssyncset.done $0x0  }
0x5f2: {  	[sflag:s17] =	ssyncadd.s32 $0xFFFFEE00  }
0x5f3: {  	[spmem:s5] =	stream.indirect.scatter.add.f32 @!p0 [tilespmem:s12], [sflag:$0x1], $0x1, s22, s4, $0xb8;
	[tilespmem:$0x1FC80] =	vst v63  }
0x5f4: {  	s19 =	simm.s32 $0x2400;
	s22 =	simm.s32 $0x1200  }
0x5f5: {  	[spmem:s6] =	stream.indirect.scatter.add.f32 [tilespmem:s14], [sflag:$0x2], $0x1, s19, s22, $0xb8;
	[tilespmem:$0x1FC80] =	vst v63  }
0x5f6: {  	_ = 	snop  }
0x5f7: {  	[spmem:s7] =	stream.indirect.scatter.add.f32 [tilespmem:s22], [sflag:$0x3], $0x1, s19, s22, $0xb8;
	[tilespmem:$0x1FC80] =	vst v63  }
0x5f8: {  	_ =	swait.ge [sflag:s25], $0x1200  }
0x5f9: {  	[sflag:s25] =	ssyncset.done $0x0  }
0x5fa: {  	[sflag:s25] =	ssyncadd.s32 $0xFFFFEE00  }
0x5fb: {  	_ =	swait.ge [sflag:s24], $0x1200  }
0x5fc: {  	[sflag:s24] =	ssyncset.done $0x0  }
0x5fd: {  	[sflag:s24] =	ssyncadd.s32 $0xFFFFEE00  }
0x5fe: {  	_ =	swait.ge [sflag:s20], $0x1200  }
0x5ff: {  	[sflag:s20] =	ssyncset.done $0x0  }
0x600: {  	[sflag:s20] =	ssyncadd.s32 $0xFFFFEE00  }
0x601: {  	[spmem:s6] =	stream.indirect.scatter.add.f32 @p0 [tilespmem:s26], [sflag:$0x5], $0x1, s3, s2, $0xb8;
	[tilespmem:$0x1FC80] =	vst v63  }
0x602: {  	_ = 	snop  }
0x603: {  	[spmem:s7] =	stream.indirect.scatter.add.f32 @p0 [tilespmem:s10], [sflag:$0x6], $0x1, s3, s2, $0xb8;
	[tilespmem:$0x1FC80] =	vst v63  }
0x604: {  	_ = 	snop  }
0x605: {  	[spmem:s5] =	stream.indirect.scatter.add.f32 @!p0 [tilespmem:s12], [sflag:$0x4], $0x1, s11, s4, $0xb8;
	[tilespmem:$0x1FC80] =	vst v63  }
0x606: {  	_ = 	snop  }
0x607: {  	[spmem:s6] =	stream.indirect.scatter.add.f32 @!p0 [tilespmem:s9], [sflag:$0x5], $0x1, s11, s4, $0xb8;
	[tilespmem:$0x1FC80] =	vst v63  }
0x608: {  	_ = 	snop  }
0x609: {  	[spmem:s7] =	stream.indirect.scatter.add.f32 @!p0 [tilespmem:s16], [sflag:$0x6], $0x1, s11, s4, $0xb8;
	[tilespmem:$0x1FC80] =	vst v63  }
0x60a: {  	_ =	swait.ge @!p0 [sflag:s21], $0x1200  }
0x60b: {  	[sflag:s21] =	ssyncset.done @!p0 $0x0  }
0x60c: {  	s1 =	simm.s32 @!p0 $0x2;
	[sflag:s21] =	ssyncadd.s32 @!p0 $0xFFFFEE00  }
0x60d: {  	_ =	swait.ge @!p0 [sflag:s1], $0x1200  }
0x60e: {  	s2 =	simm.s32 @!p0 $0x3;
	[sflag:s1] =	ssyncset.done @!p0 $0x0  }
0x60f: {  	s2 =	simm.s32 @p0 $0x2;
	[sflag:s1] =	ssyncadd.s32 @!p0 $0xFFFFEE00  }
0x610: {  	_ =	swait.ge [sflag:s2], $0x1200  }
0x611: {  	[sflag:s2] =	ssyncset.done $0x0  }
0x612: {  	s0 =	simm.s32 @p0 $0x3;
	[sflag:s2] =	ssyncadd.s32 $0xFFFFEE00  }
0x613: {  	_ =	swait.ge [sflag:s0], $0x1200  }
0x614: {  	[sflag:s0] =	ssyncset.done $0x0  }
0x615: {  	[sflag:s0] =	ssyncadd.s32 $0xFFFFEE00  }
0x616: {  	_ =	swait.ge [sflag:s8], $0x1200  }
0x617: {  	[sflag:s8] =	ssyncset.done $0x0  }
0x618: {  	[sflag:s8] =	ssyncadd.s32 $0xFFFFEE00  }
0x619: {  	_ =	swait.ge [sflag:s13], $0x1200  }
0x61a: {  	[sflag:s13] =	ssyncset.done $0x0  }
0x61b: {  	[sflag:s13] =	ssyncadd.s32 $0xFFFFEE00  }
0x61c: {  	[bflag:$0x0] =	sbarrier.arrive $0xFFFF  }
0x61d: {  	s23 =	sld [smem:$0x7F9]  }
0x61e: {  	s24 =	sld [smem:$0x7FA]  }
0x61f: {  	s25 =	sld [smem:$0x7FD];
	_ =	sdelay $0x1  }
0x620: {  	s1 =	sshrl.u32 s24, $0x3  }
0x621: {  	[hbm:s23], [sflag:s25] =	dma.local [spmem:s1], $0xFF0  }
0x622: {  	s26 =	sld [smem:$0x7F7];
	_ =	swait.ge [sflag:s15], $0xFF0  }
0x623: {  	s0 =	simm.s32 @!p0 $0x1FE000;
	s28 =	sld [smem:$0x7F8]  }
0x624: {  	s0 =	simm.s32 @p0 $0x7F800;
	s29 =	sld [smem:$0x7FB]  }
0x625: {  	s0 =	sadd.s32 s0, s26  }
0x626: {  	[sflag:s15] =	ssyncset.done $0x0;
	s0 =	sshrl.u32 s0, $0x3  }
0x627: {  	[sflag:s15] =	ssyncadd.s32 $0xFFFFF010;
	s1 =	sshrl.u32 s29, $0x3;
	s0 =	sadd.s32 s28, s0  }
0x628: {  	[hbm:s0], [sflag:s25] =	dma.local [spmem:s1], $0xFF0  }
0x629: {  	s0 =	simm.s32 @!p0 $0x27D800;
	_ =	swait.ge [sflag:s15], $0xFF0  }
0x62a: {  	s0 =	simm.s32 @p0 $0xFF000;
	s30 =	sld [smem:$0x7FC]  }
0x62b: {  	s0 =	sadd.s32 s0, s26  }
0x62c: {  	[sflag:s15] =	ssyncset.done $0x0;
	s0 =	sshrl.u32 s0, $0x3  }
0x62d: {  	[sflag:s15] =	ssyncadd.s32 $0xFFFFF010;
	s0 =	sadd.s32 s28, s0;
	s1 =	sshrl.u32 s30, $0x3  }
0x62e: {  	[hbm:s0], [sflag:s25] =	dma.local [spmem:s1], $0xFF0  }
0x62f: {  	_ =	swait.ge [sflag:s15], $0xFF0  }
0x630: {  	[sflag:s15] =	ssyncset.done $0x0  }
0x631: {  	[sflag:s15] =	ssyncadd.s32 $0xFFFFF010  }
0x632: {  	_ =	sfence.sel $0x180000  }
0x633: {  	[bflag:$0x0] =	sbarrier.arrive $0xFFFF  }
0x634: {  	_ =	strace $0x90000047  }
0x635: {  	s31 =	stileid.u32;
	[bflag:$0x2] =	sbarrier.arrive $0xFFFF  }
0x636: {  	p0 =	sne.s32 s31, $0x0;
	s0 =	rddreg [dreg:$0x5]  }
0x637: {  	s0 =	sadd.s32 @!p0 $0x100000, s0  }
0x638: {  	[sflag:s0] =	ssyncadd.tile.s32 @!p0 $0x1;
	_ =	shalt  }
.LBB2_6:
0x639: {  	s21 =	sld [smem:$0x7DC]  }
0x63a: {  	s4 =	simm.s32 $0x2400;
	s5 =	sld [smem:$0x7D8]  }
0x63b: {  	s10 =	simm.s32 $0x1200;
	s3 =	simm.s32 $0x5A00;
	s22 =	sld [smem:$0x7D6]  }
.Ltmp3:
0x63c: {  	s11 =	simm.s32 $0x3600;
	s23 =	sld [smem:$0x7DA];
	(pc) =	sbr.rel .LBB2_5-.Ltmp3, $4  }
0x63d: {  	s12 =	simm.s32 $0x4800;
	s29 =	rddreg [dreg:$0x2];
	s26 =	simm.s32 $0x3  }
0x63e: {  	s28 =	simm.s32 $0x2;
	s13 =	simm.s32 $0x6;
	s8 =	simm.s32 $0x5  }
0x63f: {  	s17 =	simm.s32 $0x9;
	s18 =	simm.s32 $0x8;
	s19 =	simm.s32 $0x7  }
0x640: {  	s20 =	simm.s32 $0xC;
	s24 =	simm.s32 $0xB;
	s25 =	simm.s32 $0xA  }
.Lfunc_end2:
_tile_overlayer_lowered:
.L_overlay_start_2:
0x641: {  	(tag) =	ssettag $0x2  }
0x642: {  	s0 =	rddreg [dreg:$0x0];
	s2 =	stileid.u32  }
0x643: {  	s1 =	rddreg [dreg:$0x1];
	p0 =	sne.s32 s2, $0x0  }
0x644: {  	s3 =	rddreg [dreg:$0x2];
	[bflag:$0x3] =	sbarrier.arrive $0xFFFF;
	s2 =	simm.s32 @!p0 $0x1C0D  }
0x645: {  	[timem:s3], [sflag:s2] =	dma.local @!p0 [hbm:s0], s1  }
0x646: {  	s0 =	simm.s32 @!p0 $0xD  }
0x647: {  	_ =	swait.ge @!p0 [sflag:s0], s1  }
0x648: {  	s1 =	ssub.s32 @!p0 $0x0, s1;
	[sflag:s0] =	ssyncset.done @!p0 $0x0  }
0x649: {  	[sflag:s0] =	ssyncadd.s32 @!p0 s1  }
0x64a: {  	[bflag:$0x3] =	sbarrier.arrive $0xFFFF  }
0x64b: {  	_ =	shalt  }

</sc_bundles>
